<compile_context>
chip_gen: v7x
topology: tpu7x:2x2x1
jax: 0.10.2.dev20260603
libtpu: 0.0.44.dev20260713+nightly
codegen_flags: <defaults>
</compile_context>

<pallas_src>
import jax
import jax.numpy as jnp
from jax import lax
from jax.experimental import pallas as pl
from jax.experimental.pallas import tpu as pltpu
from jax.experimental.pallas import tpu_sc as plsc

BSZ = 64
BEAMS = 4
VOCAB = 100000
K_OUT = 8

LANES = 16
CHUNK = 20000
CHUNKS_PER_ROW = BEAMS * VOCAB // CHUNK
CHUNKS_PER_BEAM = VOCAB // CHUNK
GROUP_VREGS = 25
GROUP = GROUP_VREGS * LANES
NGROUPS = CHUNK // GROUP

NWORK = 32
ROWS_PER_W = BSZ // NWORK

NEG_INF = float("-inf")


def _splat0(x):
    return jnp.broadcast_to(x[0], (LANES,))


def _any(mask):
    return plsc.all_reduce_population_count(mask)[0] > 0


def _merge_topk(T, TI, v, vi):
    vd, vdi = plsc.sort_key_val(v, vi, descending=True)
    keep = (T > vd) | ((T == vd) & (TI < vdi))
    newT = jnp.maximum(T, vd)
    newTI = jnp.where(keep, TI, vdi)
    sT, sTI = plsc.sort_key_val(newT, newTI, descending=False)
    return sT, sTI


def _tile_body(lprobs_hbm, bias_hbm, vals_hbm, toks_hbm, beams_hbm,
               buf0, buf1, bias_v, out_v, out_ti, out_bi, sem0, sem1):
    cid = lax.axis_index("c")
    sid = lax.axis_index("s")
    wid = sid * 2 + cid

    iota = lax.iota(jnp.int32, LANES)

    def process_chunk(buf, t, T, TI):
        biasv = bias_v[t // CHUNKS_PER_BEAM]
        off = t * CHUNK
        thr_vec = _splat0(T) - biasv

        def group_body(g, carry):
            T, TI, thr_vec = carry
            base = g * GROUP
            gmax = buf[pl.ds(base, LANES)]
            for j in range(1, GROUP_VREGS):
                gmax = jnp.maximum(gmax, buf[pl.ds(base + j * LANES, LANES)])

            def insert(carry):
                T, TI, thr_vec = carry

                def ins_j(j, c3):
                    T, TI, thr_vec = c3
                    p = base + j * LANES
                    v = buf[pl.ds(p, LANES)]

                    def do_merge(c4):
                        T, TI, _ = c4
                        vb = v + biasv
                        vi = iota + (off + p)
                        T2, TI2 = _merge_topk(T, TI, vb, vi)
                        return T2, TI2, _splat0(T2) - biasv

                    return lax.cond(jnp.any(v > thr_vec), do_merge,
                                    lambda c4: c4, (T, TI, thr_vec))

                return lax.fori_loop(0, GROUP_VREGS, ins_j, (T, TI, thr_vec))

            return lax.cond(jnp.any(gmax > thr_vec), insert,
                            lambda c: c, (T, TI, thr_vec))

        T, TI, _ = lax.fori_loop(0, NGROUPS, group_body, (T, TI, thr_vec))
        return T, TI

    for r in range(ROWS_PER_W):
        row = wid * ROWS_PER_W + r
        pltpu.sync_copy(bias_hbm.at[row], bias_v)

        T = jnp.full((LANES,), NEG_INF, jnp.float32)
        TI = jnp.zeros((LANES,), jnp.int32)

        src = lambda t: lprobs_hbm.at[row, pl.ds(t * CHUNK, CHUNK)]
        pltpu.async_copy(src(0), buf0, sem0)
        pltpu.async_copy(src(1), buf1, sem1)

        def pair_body(i, carry, row=row):
            T, TI = carry
            t0 = 2 * i
            pltpu.make_async_copy(src(0), buf0, sem0).wait()
            T, TI = process_chunk(buf0, t0, T, TI)
            pltpu.async_copy(
                lprobs_hbm.at[row, pl.ds((t0 + 2) * CHUNK, CHUNK)], buf0, sem0)
            t1 = 2 * i + 1
            pltpu.make_async_copy(src(1), buf1, sem1).wait()
            T, TI = process_chunk(buf1, t1, T, TI)
            pltpu.async_copy(
                lprobs_hbm.at[row, pl.ds((t1 + 2) * CHUNK, CHUNK)], buf1, sem1)
            return T, TI

        T, TI = lax.fori_loop(0, (CHUNKS_PER_ROW - 2) // 2, pair_body, (T, TI))
        pltpu.make_async_copy(src(0), buf0, sem0).wait()
        T, TI = process_chunk(buf0, CHUNKS_PER_ROW - 2, T, TI)
        pltpu.make_async_copy(src(1), buf1, sem1).wait()
        T, TI = process_chunk(buf1, CHUNKS_PER_ROW - 1, T, TI)

        Td = lax.rev(T, dimensions=(0,))
        TId = lax.rev(TI, dimensions=(0,))
        out_v[...] = Td
        out_ti[...] = TId % VOCAB
        out_bi[...] = TId // VOCAB
        pltpu.sync_copy(out_v, vals_hbm.at[row])
        pltpu.sync_copy(out_ti, toks_hbm.at[row])
        pltpu.sync_copy(out_bi, beams_hbm.at[row])


@jax.jit
def _topk_sc(lprobs_flat, bias_splat):
    kern = pl.kernel(
        _tile_body,
        out_type=(
            jax.ShapeDtypeStruct((BSZ, LANES), jnp.float32),
            jax.ShapeDtypeStruct((BSZ, LANES), jnp.int32),
            jax.ShapeDtypeStruct((BSZ, LANES), jnp.int32),
        ),
        mesh=plsc.VectorSubcoreMesh(core_axis_name="c", subcore_axis_name="s"),
        scratch_types=[
            pltpu.VMEM((CHUNK,), jnp.float32),
            pltpu.VMEM((CHUNK,), jnp.float32),
            pltpu.VMEM((BEAMS, LANES), jnp.float32),
            pltpu.VMEM((LANES,), jnp.float32),
            pltpu.VMEM((LANES,), jnp.int32),
            pltpu.VMEM((LANES,), jnp.int32),
            pltpu.SemaphoreType.DMA,
            pltpu.SemaphoreType.DMA,
        ],
        compiler_params=pltpu.CompilerParams(use_tc_tiling_on_sc=False,
                                             needs_layout_passes=False),
    )
    return kern(lprobs_flat, bias_splat)


def kernel(step_in_seq, lprobs, scores):
    bsz, beam_size, vocab = lprobs.shape
    bias = lax.dynamic_index_in_dim(scores, step_in_seq - 1, axis=2,
                                    keepdims=False)
    bias_splat = jnp.broadcast_to(bias[:, :, None], (bsz, beam_size, LANES))
    lprobs_flat = lprobs.reshape(bsz, beam_size * vocab)
    vals, toks, beams = _topk_sc(lprobs_flat, bias_splat)
    return (vals[:, :K_OUT], toks[:, :K_OUT], beams[:, :K_OUT])

# --- scband reference (transcript-rebuilt; emitter-appended) ---
"""Pipeline reference for scband-beam-search-83751862272664 (READ-ONLY COPY).

The authoritative reference and input builder live on the scoring server;
editing this copy changes nothing except your own understanding.
"""

import jax, jax.numpy as jnp
import numpy as np


def setup_inputs(seed: int = 0) -> dict:
    key = jax.random.key(seed)
    k1, k2 = jax.random.split(key)
    bsz, beam_size, vocab = 64, 4, 100000
    step = 5
    lprobs = jax.random.normal(k1, (bsz, beam_size, vocab), dtype=jnp.float32)
    scores = jax.random.normal(k2, (bsz, beam_size, step), dtype=jnp.float32)
    return {"step_in_seq": step, "lprobs": lprobs, "scores": scores}


def reference(step_in_seq, lprobs, scores):
    bsz, beam_size, vocab_size = lprobs.shape
    # step_in_seq is always scores.shape[-1] (nonzero), so the step > 0 path
    # applies; the traced value is consumed via the dynamic index below.
    lprobs = lprobs + scores[:, :, step_in_seq - 1][:, :, None]
    flat = lprobs.reshape(bsz, -1)
    k = min(beam_size * 2, flat.shape[1] - 1)
    scores_buf, indices_flat = jax.lax.top_k(flat, k)
    beams_buf = indices_flat // vocab_size
    indices_buf = jnp.mod(indices_flat, vocab_size)
    return (scores_buf, indices_buf, beams_buf)

if __name__ == "__main__":
    import jax
    _d = setup_inputs()
    print(jax.jit(kernel)(*tuple(_d.values())))

</pallas_src>

<mosaic_0001>
#map = affine_map<(d0, d1) -> (0, 0)>
#map1 = affine_map<(d0, d1) -> (0, 0, 0)>
module attributes {stable_mosaic.version = 14 : i64} {
  func.func @_tile_body(%arg0: i32, %arg1: i32, %arg2: memref<64x400000xf32, #tpu.memory_space<hbm>>, %arg3: memref<64x4x16xf32, #tpu.memory_space<hbm>>, %arg4: memref<64x16xf32, #tpu.memory_space<hbm>>, %arg5: memref<64x16xi32, #tpu.memory_space<hbm>>, %arg6: memref<64x16xi32, #tpu.memory_space<hbm>>, %arg7: memref<20000xf32, #tpu.memory_space<vmem>>, %arg8: memref<20000xf32, #tpu.memory_space<vmem>>, %arg9: memref<4x16xf32, #tpu.memory_space<vmem>>, %arg10: memref<16xf32, #tpu.memory_space<vmem>>, %arg11: memref<16xi32, #tpu.memory_space<vmem>>, %arg12: memref<16xi32, #tpu.memory_space<vmem>>, %arg13: memref<!tpu.dma_semaphore, #tpu.memory_space<semaphore_mem>>, %arg14: memref<!tpu.dma_semaphore, #tpu.memory_space<semaphore_mem>>) attributes {dimension_semantics = [#tpu.dimension_semantics<core_parallel>, #tpu.dimension_semantics<subcore_parallel>], iteration_bounds = array<i64: 2, 16>, scalar_prefetch = 0 : i64, scratch_operands = 8 : i64, tpu.core_type = #tpu.core_type<sc_vector_subcore>, window_params = [{transform_indices = #map}, {transform_indices = #map1}, {transform_indices = #map}, {transform_indices = #map}, {transform_indices = #map}]} {
    %mul3A = arith.constant 2 : i32
    %mul3A_0 = arith.muli %arg1, %mul3A : i32
    %add3A = arith.addi %mul3A_0, %arg0 : i32
    %iota3A = tpu.iota {dimensions = array<i32: 0>} : vector<16xi32>
    %mul3A_1 = arith.constant 2 : i32
    %mul3A_2 = arith.muli %add3A, %mul3A_1 : i32
    %add3A_3 = arith.constant 0 : i32
    %add3A_4 = arith.addi %mul3A_2, %add3A_3 : i32
    "tpu.region"() ({
      %run_scoped3A = tpu.sem_alloc : memref<!tpu.dma_semaphore, #tpu.memory_space<semaphore_mem>>
      %dma_start3A_252 = arith.constant 0 : i32
      %dma_start3A_253 = arith.constant 0 : i32
      %dma_start3A_254 = tpu.memref_slice %arg3[%add3A_4, %dma_start3A_252, %dma_start3A_253] : memref<64x4x16xf32, #tpu.memory_space<hbm>> -> memref<1x4x16xf32, #tpu.memory_space<hbm>>
      %dma_start3A_255 = tpu.memref_squeeze %dma_start3A_254 : memref<1x4x16xf32, #tpu.memory_space<hbm>> -> memref<4x16xf32, #tpu.memory_space<hbm>>
      %dma_start3A_256 = arith.constant 0 : i32
      %dma_start3A_257 = arith.constant 0 : i32
      %dma_start3A_258 = tpu.memref_slice %arg3[%add3A_4, %dma_start3A_256, %dma_start3A_257] : memref<64x4x16xf32, #tpu.memory_space<hbm>> -> memref<1x4x16xf32, #tpu.memory_space<hbm>>
      %dma_start3A_259 = tpu.memref_squeeze %dma_start3A_258 : memref<1x4x16xf32, #tpu.memory_space<hbm>> -> memref<4x16xf32, #tpu.memory_space<hbm>>
      tpu.enqueue_dma source(%dma_start3A_259 : memref<4x16xf32, #tpu.memory_space<hbm>>) target(%arg9 : memref<4x16xf32, #tpu.memory_space<vmem>>) target_semaphore(%run_scoped3A : memref<!tpu.dma_semaphore, #tpu.memory_space<semaphore_mem>>)
      %dma_wait3A_260 = arith.constant 0 : i32
      %dma_wait3A_261 = arith.constant 0 : i32
      %dma_wait3A_262 = tpu.memref_slice %arg3[%add3A_4, %dma_wait3A_260, %dma_wait3A_261] : memref<64x4x16xf32, #tpu.memory_space<hbm>> -> memref<1x4x16xf32, #tpu.memory_space<hbm>>
      %dma_wait3A_263 = tpu.memref_squeeze %dma_wait3A_262 : memref<1x4x16xf32, #tpu.memory_space<hbm>> -> memref<4x16xf32, #tpu.memory_space<hbm>>
      %dma_wait3A_264 = arith.constant 0 : i32
      %dma_wait3A_265 = arith.constant 0 : i32
      %dma_wait3A_266 = tpu.memref_slice %arg3[%add3A_4, %dma_wait3A_264, %dma_wait3A_265] : memref<64x4x16xf32, #tpu.memory_space<hbm>> -> memref<1x4x16xf32, #tpu.memory_space<hbm>>
      %dma_wait3A_267 = tpu.memref_squeeze %dma_wait3A_266 : memref<1x4x16xf32, #tpu.memory_space<hbm>> -> memref<4x16xf32, #tpu.memory_space<hbm>>
      tpu.wait_dma2 semaphore(%run_scoped3A : memref<!tpu.dma_semaphore, #tpu.memory_space<semaphore_mem>>) src(%dma_wait3A_267 : memref<4x16xf32, #tpu.memory_space<hbm>>) dst(%arg9 : memref<4x16xf32, #tpu.memory_space<vmem>>)
      tpu.yield
    }) : () -> ()
    %broadcast_in_dim3A = arith.constant 0xFF800000 : f32
    %broadcast_in_dim3A_5 = vector.broadcast %broadcast_in_dim3A : f32 to vector<16xf32>
    %broadcast_in_dim3A_6 = arith.constant 0 : i32
    %broadcast_in_dim3A_7 = vector.broadcast %broadcast_in_dim3A_6 : i32 to vector<16xi32>
    %dma_start3A = arith.constant 0 : i32
    %dma_start3A_8 = tpu.memref_slice %arg2[%add3A_4, %dma_start3A] : memref<64x400000xf32, #tpu.memory_space<hbm>> -> memref<1x20000xf32, #tpu.memory_space<hbm>>
    %dma_start3A_9 = tpu.memref_squeeze %dma_start3A_8 : memref<1x20000xf32, #tpu.memory_space<hbm>> -> memref<20000xf32, #tpu.memory_space<hbm>>
    %dma_start3A_10 = arith.constant 0 : i32
    %dma_start3A_11 = tpu.memref_slice %arg2[%add3A_4, %dma_start3A_10] : memref<64x400000xf32, #tpu.memory_space<hbm>> -> memref<1x20000xf32, #tpu.memory_space<hbm>>
    %dma_start3A_12 = tpu.memref_squeeze %dma_start3A_11 : memref<1x20000xf32, #tpu.memory_space<hbm>> -> memref<20000xf32, #tpu.memory_space<hbm>>
    tpu.enqueue_dma source(%dma_start3A_12 : memref<20000xf32, #tpu.memory_space<hbm>>) target(%arg7 : memref<20000xf32, #tpu.memory_space<vmem>>) target_semaphore(%arg13 : memref<!tpu.dma_semaphore, #tpu.memory_space<semaphore_mem>>)
    %dma_start3A_13 = arith.constant 20000 : i32
    %dma_start3A_14 = tpu.memref_slice %arg2[%add3A_4, %dma_start3A_13] : memref<64x400000xf32, #tpu.memory_space<hbm>> -> memref<1x20000xf32, #tpu.memory_space<hbm>>
    %dma_start3A_15 = tpu.memref_squeeze %dma_start3A_14 : memref<1x20000xf32, #tpu.memory_space<hbm>> -> memref<20000xf32, #tpu.memory_space<hbm>>
    %dma_start3A_16 = arith.constant 20000 : i32
    %dma_start3A_17 = tpu.memref_slice %arg2[%add3A_4, %dma_start3A_16] : memref<64x400000xf32, #tpu.memory_space<hbm>> -> memref<1x20000xf32, #tpu.memory_space<hbm>>
    %dma_start3A_18 = tpu.memref_squeeze %dma_start3A_17 : memref<1x20000xf32, #tpu.memory_space<hbm>> -> memref<20000xf32, #tpu.memory_space<hbm>>
    tpu.enqueue_dma source(%dma_start3A_18 : memref<20000xf32, #tpu.memory_space<hbm>>) target(%arg8 : memref<20000xf32, #tpu.memory_space<vmem>>) target_semaphore(%arg14 : memref<!tpu.dma_semaphore, #tpu.memory_space<semaphore_mem>>)
    %scan3A = arith.constant 0 : i32
    %scan3A_19 = arith.constant 9 : i32
    %scan3A_20 = arith.addi %scan3A, %scan3A_19 : i32
    %scan3A_21 = arith.constant 1 : i32
    %scan3A_22:2 = scf.for %scan3A_252 = %scan3A to %scan3A_20 step %scan3A_21 iter_args(%scan3A_253 = %broadcast_in_dim3A_5, %scan3A_254 = %broadcast_in_dim3A_7) -> (vector<16xf32>, vector<16xi32>)  : i32 {
      %mul3A_255 = arith.constant 2 : i32
      %mul3A_256 = arith.muli %mul3A_255, %scan3A_252 : i32
      %dma_wait3A_257 = arith.constant 0 : i32
      %dma_wait3A_258 = tpu.memref_slice %arg2[%add3A_4, %dma_wait3A_257] : memref<64x400000xf32, #tpu.memory_space<hbm>> -> memref<1x20000xf32, #tpu.memory_space<hbm>>
      %dma_wait3A_259 = tpu.memref_squeeze %dma_wait3A_258 : memref<1x20000xf32, #tpu.memory_space<hbm>> -> memref<20000xf32, #tpu.memory_space<hbm>>
      %dma_wait3A_260 = arith.constant 0 : i32
      %dma_wait3A_261 = tpu.memref_slice %arg2[%add3A_4, %dma_wait3A_260] : memref<64x400000xf32, #tpu.memory_space<hbm>> -> memref<1x20000xf32, #tpu.memory_space<hbm>>
      %dma_wait3A_262 = tpu.memref_squeeze %dma_wait3A_261 : memref<1x20000xf32, #tpu.memory_space<hbm>> -> memref<20000xf32, #tpu.memory_space<hbm>>
      tpu.wait_dma2 semaphore(%arg13 : memref<!tpu.dma_semaphore, #tpu.memory_space<semaphore_mem>>) src(%dma_wait3A_262 : memref<20000xf32, #tpu.memory_space<hbm>>) dst(%arg7 : memref<20000xf32, #tpu.memory_space<vmem>>)
      %jit3A_263 = arith.constant 5 : i32
      %div3A_264 = arith.divsi %mul3A_256, %jit3A_263 : i32
      %sign3A_265 = arith.constant 0 : i32
      %sign3A_266 = arith.cmpi sgt, %mul3A_256, %sign3A_265 : i32
      %sign3A_267 = arith.extui %sign3A_266 : i1 to i32
      %sign3A_268 = arith.constant 0 : i32
      %sign3A_269 = arith.cmpi slt, %mul3A_256, %sign3A_268 : i32
      %sign3A_270 = arith.extui %sign3A_269 : i1 to i32
      %sign3A_271 = arith.subi %sign3A_267, %sign3A_270 : i32
      %sign3A_272 = arith.constant 0 : i32
      %sign3A_273 = arith.cmpi sgt, %jit3A_263, %sign3A_272 : i32
      %sign3A_274 = arith.extui %sign3A_273 : i1 to i32
      %sign3A_275 = arith.constant 0 : i32
      %sign3A_276 = arith.cmpi slt, %jit3A_263, %sign3A_275 : i32
      %sign3A_277 = arith.extui %sign3A_276 : i1 to i32
      %sign3A_278 = arith.subi %sign3A_274, %sign3A_277 : i32
      %ne3A_279 = arith.cmpi ne, %sign3A_271, %sign3A_278 : i32
      %rem3A_280 = arith.remsi %mul3A_256, %jit3A_263 : i32
      %ne3A_281 = arith.constant 0 : i32
      %ne3A_282 = arith.cmpi ne, %rem3A_280, %ne3A_281 : i32
      %and3A_283 = arith.andi %ne3A_279, %ne3A_282 : i1
      %sub3A_284 = arith.constant 1 : i32
      %sub3A_285 = arith.subi %div3A_264, %sub3A_284 : i32
      %select_n3A_286 = arith.select %and3A_283, %sub3A_285, %div3A_264 : i32
      %get3A_287 = arith.index_cast %select_n3A_286 : i32 to index
      %get3A_288 = arith.constant 0 : index
      %get3A_289 = tpu.vector_load %arg9[%get3A_287, %get3A_288] {strides = array<i32>} : memref<4x16xf32, #tpu.memory_space<vmem>>, vector<16xf32>,
      %mul3A_290 = arith.constant 20000 : i32
      %mul3A_291 = arith.muli %mul3A_256, %mul3A_290 : i32
      %slice3A_292 = vector.extract_strided_slice %scan3A_253 {offsets = [0], sizes = [1], strides = [1]} : vector<16xf32> to vector<1xf32>
      %squeeze3A_293 = vector.extract %slice3A_292[0] : f32 from vector<1xf32>
      %broadcast_in_dim3A_294 = vector.broadcast %squeeze3A_293 : f32 to vector<16xf32>
      %sub3A_295 = arith.subf %broadcast_in_dim3A_294, %get3A_289 : vector<16xf32>
      %scan3A_296 = arith.constant 0 : i32
      %scan3A_297 = arith.constant 50 : i32
      %scan3A_298 = arith.addi %scan3A_296, %scan3A_297 : i32
      %scan3A_299 = arith.constant 1 : i32
      %scan3A_300:3 = scf.for %scan3A_367 = %scan3A_296 to %scan3A_298 step %scan3A_299 iter_args(%scan3A_368 = %scan3A_253, %scan3A_369 = %scan3A_254, %scan3A_370 = %sub3A_295) -> (vector<16xf32>, vector<16xi32>, vector<16xf32>)  : i32 {
        %mul3A_371 = arith.constant 400 : i32
        %mul3A_372 = arith.muli %scan3A_367, %mul3A_371 : i32
        %get3A_373 = arith.index_cast %mul3A_372 : i32 to index
        %get3A_374 = tpu.vector_load %arg7[%get3A_373] {strides = array<i32>} : memref<20000xf32, #tpu.memory_space<vmem>>, vector<16xf32>,
        %add3A_375 = arith.constant 16 : i32
        %add3A_376 = arith.addi %mul3A_372, %add3A_375 : i32
        %get3A_377 = arith.index_cast %add3A_376 : i32 to index
        %get3A_378 = tpu.vector_load %arg7[%get3A_377] {strides = array<i32>} : memref<20000xf32, #tpu.memory_space<vmem>>, vector<16xf32>,
        %max3A = arith.maximumf %get3A_374, %get3A_378 : vector<16xf32>
        %add3A_379 = arith.constant 32 : i32
        %add3A_380 = arith.addi %mul3A_372, %add3A_379 : i32
        %get3A_381 = arith.index_cast %add3A_380 : i32 to index
        %get3A_382 = tpu.vector_load %arg7[%get3A_381] {strides = array<i32>} : memref<20000xf32, #tpu.memory_space<vmem>>, vector<16xf32>,
        %max3A_383 = arith.maximumf %max3A, %get3A_382 : vector<16xf32>
        %add3A_384 = arith.constant 48 : i32
        %add3A_385 = arith.addi %mul3A_372, %add3A_384 : i32
        %get3A_386 = arith.index_cast %add3A_385 : i32 to index
        %get3A_387 = tpu.vector_load %arg7[%get3A_386] {strides = array<i32>} : memref<20000xf32, #tpu.memory_space<vmem>>, vector<16xf32>,
        %max3A_388 = arith.maximumf %max3A_383, %get3A_387 : vector<16xf32>
        %add3A_389 = arith.constant 64 : i32
        %add3A_390 = arith.addi %mul3A_372, %add3A_389 : i32
        %get3A_391 = arith.index_cast %add3A_390 : i32 to index
        %get3A_392 = tpu.vector_load %arg7[%get3A_391] {strides = array<i32>} : memref<20000xf32, #tpu.memory_space<vmem>>, vector<16xf32>,
        %max3A_393 = arith.maximumf %max3A_388, %get3A_392 : vector<16xf32>
        %add3A_394 = arith.constant 80 : i32
        %add3A_395 = arith.addi %mul3A_372, %add3A_394 : i32
        %get3A_396 = arith.index_cast %add3A_395 : i32 to index
        %get3A_397 = tpu.vector_load %arg7[%get3A_396] {strides = array<i32>} : memref<20000xf32, #tpu.memory_space<vmem>>, vector<16xf32>,
        %max3A_398 = arith.maximumf %max3A_393, %get3A_397 : vector<16xf32>
        %add3A_399 = arith.constant 96 : i32
        %add3A_400 = arith.addi %mul3A_372, %add3A_399 : i32
        %get3A_401 = arith.index_cast %add3A_400 : i32 to index
        %get3A_402 = tpu.vector_load %arg7[%get3A_401] {strides = array<i32>} : memref<20000xf32, #tpu.memory_space<vmem>>, vector<16xf32>,
        %max3A_403 = arith.maximumf %max3A_398, %get3A_402 : vector<16xf32>
        %add3A_404 = arith.constant 112 : i32
        %add3A_405 = arith.addi %mul3A_372, %add3A_404 : i32
        %get3A_406 = arith.index_cast %add3A_405 : i32 to index
        %get3A_407 = tpu.vector_load %arg7[%get3A_406] {strides = array<i32>} : memref<20000xf32, #tpu.memory_space<vmem>>, vector<16xf32>,
        %max3A_408 = arith.maximumf %max3A_403, %get3A_407 : vector<16xf32>
        %add3A_409 = arith.constant 128 : i32
        %add3A_410 = arith.addi %mul3A_372, %add3A_409 : i32
        %get3A_411 = arith.index_cast %add3A_410 : i32 to index
        %get3A_412 = tpu.vector_load %arg7[%get3A_411] {strides = array<i32>} : memref<20000xf32, #tpu.memory_space<vmem>>, vector<16xf32>,
        %max3A_413 = arith.maximumf %max3A_408, %get3A_412 : vector<16xf32>
        %add3A_414 = arith.constant 144 : i32
        %add3A_415 = arith.addi %mul3A_372, %add3A_414 : i32
        %get3A_416 = arith.index_cast %add3A_415 : i32 to index
        %get3A_417 = tpu.vector_load %arg7[%get3A_416] {strides = array<i32>} : memref<20000xf32, #tpu.memory_space<vmem>>, vector<16xf32>,
        %max3A_418 = arith.maximumf %max3A_413, %get3A_417 : vector<16xf32>
        %add3A_419 = arith.constant 160 : i32
        %add3A_420 = arith.addi %mul3A_372, %add3A_419 : i32
        %get3A_421 = arith.index_cast %add3A_420 : i32 to index
        %get3A_422 = tpu.vector_load %arg7[%get3A_421] {strides = array<i32>} : memref<20000xf32, #tpu.memory_space<vmem>>, vector<16xf32>,
        %max3A_423 = arith.maximumf %max3A_418, %get3A_422 : vector<16xf32>
        %add3A_424 = arith.constant 176 : i32
        %add3A_425 = arith.addi %mul3A_372, %add3A_424 : i32
        %get3A_426 = arith.index_cast %add3A_425 : i32 to index
        %get3A_427 = tpu.vector_load %arg7[%get3A_426] {strides = array<i32>} : memref<20000xf32, #tpu.memory_space<vmem>>, vector<16xf32>,
        %max3A_428 = arith.maximumf %max3A_423, %get3A_427 : vector<16xf32>
        %add3A_429 = arith.constant 192 : i32
        %add3A_430 = arith.addi %mul3A_372, %add3A_429 : i32
        %get3A_431 = arith.index_cast %add3A_430 : i32 to index
        %get3A_432 = tpu.vector_load %arg7[%get3A_431] {strides = array<i32>} : memref<20000xf32, #tpu.memory_space<vmem>>, vector<16xf32>,
        %max3A_433 = arith.maximumf %max3A_428, %get3A_432 : vector<16xf32>
        %add3A_434 = arith.constant 208 : i32
        %add3A_435 = arith.addi %mul3A_372, %add3A_434 : i32
        %get3A_436 = arith.index_cast %add3A_435 : i32 to index
        %get3A_437 = tpu.vector_load %arg7[%get3A_436] {strides = array<i32>} : memref<20000xf32, #tpu.memory_space<vmem>>, vector<16xf32>,
        %max3A_438 = arith.maximumf %max3A_433, %get3A_437 : vector<16xf32>
        %add3A_439 = arith.constant 224 : i32
        %add3A_440 = arith.addi %mul3A_372, %add3A_439 : i32
        %get3A_441 = arith.index_cast %add3A_440 : i32 to index
        %get3A_442 = tpu.vector_load %arg7[%get3A_441] {strides = array<i32>} : memref<20000xf32, #tpu.memory_space<vmem>>, vector<16xf32>,
        %max3A_443 = arith.maximumf %max3A_438, %get3A_442 : vector<16xf32>
        %add3A_444 = arith.constant 240 : i32
        %add3A_445 = arith.addi %mul3A_372, %add3A_444 : i32
        %get3A_446 = arith.index_cast %add3A_445 : i32 to index
        %get3A_447 = tpu.vector_load %arg7[%get3A_446] {strides = array<i32>} : memref<20000xf32, #tpu.memory_space<vmem>>, vector<16xf32>,
        %max3A_448 = arith.maximumf %max3A_443, %get3A_447 : vector<16xf32>
        %add3A_449 = arith.constant 256 : i32
        %add3A_450 = arith.addi %mul3A_372, %add3A_449 : i32
        %get3A_451 = arith.index_cast %add3A_450 : i32 to index
        %get3A_452 = tpu.vector_load %arg7[%get3A_451] {strides = array<i32>} : memref<20000xf32, #tpu.memory_space<vmem>>, vector<16xf32>,
        %max3A_453 = arith.maximumf %max3A_448, %get3A_452 : vector<16xf32>
        %add3A_454 = arith.constant 272 : i32
        %add3A_455 = arith.addi %mul3A_372, %add3A_454 : i32
        %get3A_456 = arith.index_cast %add3A_455 : i32 to index
        %get3A_457 = tpu.vector_load %arg7[%get3A_456] {strides = array<i32>} : memref<20000xf32, #tpu.memory_space<vmem>>, vector<16xf32>,
        %max3A_458 = arith.maximumf %max3A_453, %get3A_457 : vector<16xf32>
        %add3A_459 = arith.constant 288 : i32
        %add3A_460 = arith.addi %mul3A_372, %add3A_459 : i32
        %get3A_461 = arith.index_cast %add3A_460 : i32 to index
        %get3A_462 = tpu.vector_load %arg7[%get3A_461] {strides = array<i32>} : memref<20000xf32, #tpu.memory_space<vmem>>, vector<16xf32>,
        %max3A_463 = arith.maximumf %max3A_458, %get3A_462 : vector<16xf32>
        %add3A_464 = arith.constant 304 : i32
        %add3A_465 = arith.addi %mul3A_372, %add3A_464 : i32
        %get3A_466 = arith.index_cast %add3A_465 : i32 to index
        %get3A_467 = tpu.vector_load %arg7[%get3A_466] {strides = array<i32>} : memref<20000xf32, #tpu.memory_space<vmem>>, vector<16xf32>,
        %max3A_468 = arith.maximumf %max3A_463, %get3A_467 : vector<16xf32>
        %add3A_469 = arith.constant 320 : i32
        %add3A_470 = arith.addi %mul3A_372, %add3A_469 : i32
        %get3A_471 = arith.index_cast %add3A_470 : i32 to index
        %get3A_472 = tpu.vector_load %arg7[%get3A_471] {strides = array<i32>} : memref<20000xf32, #tpu.memory_space<vmem>>, vector<16xf32>,
        %max3A_473 = arith.maximumf %max3A_468, %get3A_472 : vector<16xf32>
        %add3A_474 = arith.constant 336 : i32
        %add3A_475 = arith.addi %mul3A_372, %add3A_474 : i32
        %get3A_476 = arith.index_cast %add3A_475 : i32 to index
        %get3A_477 = tpu.vector_load %arg7[%get3A_476] {strides = array<i32>} : memref<20000xf32, #tpu.memory_space<vmem>>, vector<16xf32>,
        %max3A_478 = arith.maximumf %max3A_473, %get3A_477 : vector<16xf32>
        %add3A_479 = arith.constant 352 : i32
        %add3A_480 = arith.addi %mul3A_372, %add3A_479 : i32
        %get3A_481 = arith.index_cast %add3A_480 : i32 to index
        %get3A_482 = tpu.vector_load %arg7[%get3A_481] {strides = array<i32>} : memref<20000xf32, #tpu.memory_space<vmem>>, vector<16xf32>,
        %max3A_483 = arith.maximumf %max3A_478, %get3A_482 : vector<16xf32>
        %add3A_484 = arith.constant 368 : i32
        %add3A_485 = arith.addi %mul3A_372, %add3A_484 : i32
        %get3A_486 = arith.index_cast %add3A_485 : i32 to index
        %get3A_487 = tpu.vector_load %arg7[%get3A_486] {strides = array<i32>} : memref<20000xf32, #tpu.memory_space<vmem>>, vector<16xf32>,
        %max3A_488 = arith.maximumf %max3A_483, %get3A_487 : vector<16xf32>
        %add3A_489 = arith.constant 384 : i32
        %add3A_490 = arith.addi %mul3A_372, %add3A_489 : i32
        %get3A_491 = arith.index_cast %add3A_490 : i32 to index
        %get3A_492 = tpu.vector_load %arg7[%get3A_491] {strides = array<i32>} : memref<20000xf32, #tpu.memory_space<vmem>>, vector<16xf32>,
        %max3A_493 = arith.maximumf %max3A_488, %get3A_492 : vector<16xf32>
        %gt3A = arith.cmpf ogt, %max3A_493, %scan3A_370 : vector<16xf32>
        %reduce_or3A = arith.constant 1.000000e+00 : f32
        %reduce_or3A_494 = arith.constant 0.000000e+00 : f32
        %reduce_or3A_495 = vector.broadcast %reduce_or3A : f32 to vector<16xf32>
        %reduce_or3A_496 = vector.broadcast %reduce_or3A_494 : f32 to vector<16xf32>
        %reduce_or3A_497 = arith.select %gt3A, %reduce_or3A_495, %reduce_or3A_496 : vector<16xi1>, vector<16xf32>
        %reduce_or3A_498 = arith.constant true
        %reduce_or3A_499 = vector.broadcast %reduce_or3A_498 : i1 to vector<16xi1>
        %reduce_or3A_500 = tpu.scan <max>, %reduce_or3A_497 masked %reduce_or3A_499 : vector<16xf32>, vector<16xi1> -> vector<16xf32>
        %reduce_or3A_501 = vector.extract %reduce_or3A_500[15] : f32 from vector<16xf32>
        %reduce_or3A_502 = arith.constant 0.000000e+00 : f32
        %reduce_or3A_503 = arith.cmpf ogt, %reduce_or3A_501, %reduce_or3A_502 : f32
        %convert_element_type3A = arith.extui %reduce_or3A_503 : i1 to i32
        %cond3A = arith.constant 0 : i32
        %cond3A_504 = arith.cmpi ne, %convert_element_type3A, %cond3A : i32
        %cond3A_505:3 = scf.if %cond3A_504 -> (vector<16xf32>, vector<16xi32>, vector<16xf32>) {
          %scan3A_506 = arith.constant 0 : i32
          %scan3A_507 = arith.constant 25 : i32
          %scan3A_508 = arith.addi %scan3A_506, %scan3A_507 : i32
          %scan3A_509 = arith.constant 1 : i32
          %scan3A_510:3 = scf.for %scan3A_512 = %scan3A_506 to %scan3A_508 step %scan3A_509 iter_args(%scan3A_513 = %scan3A_368, %scan3A_514 = %scan3A_369, %scan3A_515 = %scan3A_370) -> (vector<16xf32>, vector<16xi32>, vector<16xf32>)  : i32 {
            %mul3A_516 = arith.constant 16 : i32
            %mul3A_517 = arith.muli %scan3A_512, %mul3A_516 : i32
            %add3A_518 = arith.addi %mul3A_372, %mul3A_517 : i32
            %get3A_519 = arith.index_cast %add3A_518 : i32 to index
            %get3A_520 = tpu.vector_load %arg7[%get3A_519] {strides = array<i32>} : memref<20000xf32, #tpu.memory_space<vmem>>, vector<16xf32>,
            %gt3A_521 = arith.cmpf ogt, %get3A_520, %scan3A_515 : vector<16xf32>
            %reduce_or3A_522 = arith.constant 1.000000e+00 : f32
            %reduce_or3A_523 = arith.constant 0.000000e+00 : f32
            %reduce_or3A_524 = vector.broadcast %reduce_or3A_522 : f32 to vector<16xf32>
            %reduce_or3A_525 = vector.broadcast %reduce_or3A_523 : f32 to vector<16xf32>
            %reduce_or3A_526 = arith.select %gt3A_521, %reduce_or3A_524, %reduce_or3A_525 : vector<16xi1>, vector<16xf32>
            %reduce_or3A_527 = arith.constant true
            %reduce_or3A_528 = vector.broadcast %reduce_or3A_527 : i1 to vector<16xi1>
            %reduce_or3A_529 = tpu.scan <max>, %reduce_or3A_526 masked %reduce_or3A_528 : vector<16xf32>, vector<16xi1> -> vector<16xf32>
            %reduce_or3A_530 = vector.extract %reduce_or3A_529[15] : f32 from vector<16xf32>
            %reduce_or3A_531 = arith.constant 0.000000e+00 : f32
            %reduce_or3A_532 = arith.cmpf ogt, %reduce_or3A_530, %reduce_or3A_531 : f32
            %convert_element_type3A_533 = arith.extui %reduce_or3A_532 : i1 to i32
            %cond3A_534 = arith.constant 0 : i32
            %cond3A_535 = arith.cmpi ne, %convert_element_type3A_533, %cond3A_534 : i32
            %cond3A_536:3 = scf.if %cond3A_535 -> (vector<16xf32>, vector<16xi32>, vector<16xf32>) {
              %add3A_537 = arith.addf %get3A_520, %get3A_289 : vector<16xf32>
              %add3A_538 = arith.addi %mul3A_291, %add3A_518 : i32
              %add3A_539 = vector.broadcast %add3A_538 : i32 to vector<16xi32>
              %add3A_540 = arith.addi %iota3A, %add3A_539 : vector<16xi32>
              %masked_sort3A = arith.constant dense<true> : vector<16xi1>
              %masked_sort3A_541, %masked_sort3A_542, %masked_sort3A_543 = tpu.sort %add3A_537, %add3A_540 masked %masked_sort3A {descending = true} : (vector<16xf32>, vector<16xi32>, vector<16xi1>) -> (vector<16xi1>, vector<16xf32>, vector<16xi32>)
              %gt3A_544 = arith.cmpf ogt, %scan3A_513, %masked_sort3A_542 : vector<16xf32>
              %eq3A_545 = arith.cmpf oeq, %scan3A_513, %masked_sort3A_542 : vector<16xf32>
              %lt3A_546 = arith.cmpi slt, %scan3A_514, %masked_sort3A_543 : vector<16xi32>
              %and3A_547 = arith.andi %eq3A_545, %lt3A_546 : vector<16xi1>
              %or3A = arith.ori %gt3A_544, %and3A_547 : vector<16xi1>
              %max3A_548 = arith.maximumf %scan3A_513, %masked_sort3A_542 : vector<16xf32>
              %select_n3A_549 = arith.select %or3A, %scan3A_514, %masked_sort3A_543 : vector<16xi1>, vector<16xi32>
              %masked_sort3A_550 = arith.constant dense<true> : vector<16xi1>
              %masked_sort3A_551, %masked_sort3A_552, %masked_sort3A_553 = tpu.sort %max3A_548, %select_n3A_549 masked %masked_sort3A_550 : (vector<16xf32>, vector<16xi32>, vector<16xi1>) -> (vector<16xi1>, vector<16xf32>, vector<16xi32>)
              %slice3A_554 = vector.extract_strided_slice %masked_sort3A_552 {offsets = [0], sizes = [1], strides = [1]} : vector<16xf32> to vector<1xf32>
              %squeeze3A_555 = vector.extract %slice3A_554[0] : f32 from vector<1xf32>
              %broadcast_in_dim3A_556 = vector.broadcast %squeeze3A_555 : f32 to vector<16xf32>
              %sub3A_557 = arith.subf %broadcast_in_dim3A_556, %get3A_289 : vector<16xf32>
              scf.yield %masked_sort3A_552, %masked_sort3A_553, %sub3A_557 : vector<16xf32>, vector<16xi32>, vector<16xf32>
            } else {
              scf.yield %scan3A_513, %scan3A_514, %scan3A_515 : vector<16xf32>, vector<16xi32>, vector<16xf32>
            }
            scf.yield %cond3A_536#0, %cond3A_536#1, %cond3A_536#2 : vector<16xf32>, vector<16xi32>, vector<16xf32>
          }
          %scan3A_511 = arith.constant 25 : i32
          scf.yield %scan3A_510#0, %scan3A_510#1, %scan3A_510#2 : vector<16xf32>, vector<16xi32>, vector<16xf32>
        } else {
          scf.yield %scan3A_368, %scan3A_369, %scan3A_370 : vector<16xf32>, vector<16xi32>, vector<16xf32>
        }
        scf.yield %cond3A_505#0, %cond3A_505#1, %cond3A_505#2 : vector<16xf32>, vector<16xi32>, vector<16xf32>
      }
      %scan3A_301 = arith.constant 50 : i32
      %add3A_302 = arith.constant 2 : i32
      %add3A_303 = arith.addi %mul3A_256, %add3A_302 : i32
      %mul3A_304 = arith.constant 20000 : i32
      %mul3A_305 = arith.muli %add3A_303, %mul3A_304 : i32
      %dma_start3A_306 = tpu.memref_slice %arg2[%add3A_4, %mul3A_305] : memref<64x400000xf32, #tpu.memory_space<hbm>> -> memref<1x20000xf32, #tpu.memory_space<hbm>>
      %dma_start3A_307 = tpu.memref_squeeze %dma_start3A_306 : memref<1x20000xf32, #tpu.memory_space<hbm>> -> memref<20000xf32, #tpu.memory_space<hbm>>
      %dma_start3A_308 = tpu.memref_slice %arg2[%add3A_4, %mul3A_305] : memref<64x400000xf32, #tpu.memory_space<hbm>> -> memref<1x20000xf32, #tpu.memory_space<hbm>>
      %dma_start3A_309 = tpu.memref_squeeze %dma_start3A_308 : memref<1x20000xf32, #tpu.memory_space<hbm>> -> memref<20000xf32, #tpu.memory_space<hbm>>
      tpu.enqueue_dma source(%dma_start3A_309 : memref<20000xf32, #tpu.memory_space<hbm>>) target(%arg7 : memref<20000xf32, #tpu.memory_space<vmem>>) target_semaphore(%arg13 : memref<!tpu.dma_semaphore, #tpu.memory_space<semaphore_mem>>)
      %mul3A_310 = arith.constant 2 : i32
      %mul3A_311 = arith.muli %mul3A_310, %scan3A_252 : i32
      %add3A_312 = arith.constant 1 : i32
      %add3A_313 = arith.addi %mul3A_311, %add3A_312 : i32
      %dma_wait3A_314 = arith.constant 20000 : i32
      %dma_wait3A_315 = tpu.memref_slice %arg2[%add3A_4, %dma_wait3A_314] : memref<64x400000xf32, #tpu.memory_space<hbm>> -> memref<1x20000xf32, #tpu.memory_space<hbm>>
      %dma_wait3A_316 = tpu.memref_squeeze %dma_wait3A_315 : memref<1x20000xf32, #tpu.memory_space<hbm>> -> memref<20000xf32, #tpu.memory_space<hbm>>
      %dma_wait3A_317 = arith.constant 20000 : i32
      %dma_wait3A_318 = tpu.memref_slice %arg2[%add3A_4, %dma_wait3A_317] : memref<64x400000xf32, #tpu.memory_space<hbm>> -> memref<1x20000xf32, #tpu.memory_space<hbm>>
      %dma_wait3A_319 = tpu.memref_squeeze %dma_wait3A_318 : memref<1x20000xf32, #tpu.memory_space<hbm>> -> memref<20000xf32, #tpu.memory_space<hbm>>
      tpu.wait_dma2 semaphore(%arg14 : memref<!tpu.dma_semaphore, #tpu.memory_space<semaphore_mem>>) src(%dma_wait3A_319 : memref<20000xf32, #tpu.memory_space<hbm>>) dst(%arg8 : memref<20000xf32, #tpu.memory_space<vmem>>)
      %jit3A_320 = arith.constant 5 : i32
      %div3A_321 = arith.divsi %add3A_313, %jit3A_320 : i32
      %sign3A_322 = arith.constant 0 : i32
      %sign3A_323 = arith.cmpi sgt, %add3A_313, %sign3A_322 : i32
      %sign3A_324 = arith.extui %sign3A_323 : i1 to i32
      %sign3A_325 = arith.constant 0 : i32
      %sign3A_326 = arith.cmpi slt, %add3A_313, %sign3A_325 : i32
      %sign3A_327 = arith.extui %sign3A_326 : i1 to i32
      %sign3A_328 = arith.subi %sign3A_324, %sign3A_327 : i32
      %sign3A_329 = arith.constant 0 : i32
      %sign3A_330 = arith.cmpi sgt, %jit3A_320, %sign3A_329 : i32
      %sign3A_331 = arith.extui %sign3A_330 : i1 to i32
      %sign3A_332 = arith.constant 0 : i32
      %sign3A_333 = arith.cmpi slt, %jit3A_320, %sign3A_332 : i32
      %sign3A_334 = arith.extui %sign3A_333 : i1 to i32
      %sign3A_335 = arith.subi %sign3A_331, %sign3A_334 : i32
      %ne3A_336 = arith.cmpi ne, %sign3A_328, %sign3A_335 : i32
      %rem3A_337 = arith.remsi %add3A_313, %jit3A_320 : i32
      %ne3A_338 = arith.constant 0 : i32
      %ne3A_339 = arith.cmpi ne, %rem3A_337, %ne3A_338 : i32
      %and3A_340 = arith.andi %ne3A_336, %ne3A_339 : i1
      %sub3A_341 = arith.constant 1 : i32
      %sub3A_342 = arith.subi %div3A_321, %sub3A_341 : i32
      %select_n3A_343 = arith.select %and3A_340, %sub3A_342, %div3A_321 : i32
      %get3A_344 = arith.index_cast %select_n3A_343 : i32 to index
      %get3A_345 = arith.constant 0 : index
      %get3A_346 = tpu.vector_load %arg9[%get3A_344, %get3A_345] {strides = array<i32>} : memref<4x16xf32, #tpu.memory_space<vmem>>, vector<16xf32>,
      %mul3A_347 = arith.constant 20000 : i32
      %mul3A_348 = arith.muli %add3A_313, %mul3A_347 : i32
      %slice3A_349 = vector.extract_strided_slice %scan3A_300#0 {offsets = [0], sizes = [1], strides = [1]} : vector<16xf32> to vector<1xf32>
      %squeeze3A_350 = vector.extract %slice3A_349[0] : f32 from vector<1xf32>
      %broadcast_in_dim3A_351 = vector.broadcast %squeeze3A_350 : f32 to vector<16xf32>
      %sub3A_352 = arith.subf %broadcast_in_dim3A_351, %get3A_346 : vector<16xf32>
      %scan3A_353 = arith.constant 0 : i32
      %scan3A_354 = arith.constant 50 : i32
      %scan3A_355 = arith.addi %scan3A_353, %scan3A_354 : i32
      %scan3A_356 = arith.constant 1 : i32
      %scan3A_357:3 = scf.for %scan3A_367 = %scan3A_353 to %scan3A_355 step %scan3A_356 iter_args(%scan3A_368 = %scan3A_300#0, %scan3A_369 = %scan3A_300#1, %scan3A_370 = %sub3A_352) -> (vector<16xf32>, vector<16xi32>, vector<16xf32>)  : i32 {
        %mul3A_371 = arith.constant 400 : i32
        %mul3A_372 = arith.muli %scan3A_367, %mul3A_371 : i32
        %get3A_373 = arith.index_cast %mul3A_372 : i32 to index
        %get3A_374 = tpu.vector_load %arg8[%get3A_373] {strides = array<i32>} : memref<20000xf32, #tpu.memory_space<vmem>>, vector<16xf32>,
        %add3A_375 = arith.constant 16 : i32
        %add3A_376 = arith.addi %mul3A_372, %add3A_375 : i32
        %get3A_377 = arith.index_cast %add3A_376 : i32 to index
        %get3A_378 = tpu.vector_load %arg8[%get3A_377] {strides = array<i32>} : memref<20000xf32, #tpu.memory_space<vmem>>, vector<16xf32>,
        %max3A = arith.maximumf %get3A_374, %get3A_378 : vector<16xf32>
        %add3A_379 = arith.constant 32 : i32
        %add3A_380 = arith.addi %mul3A_372, %add3A_379 : i32
        %get3A_381 = arith.index_cast %add3A_380 : i32 to index
        %get3A_382 = tpu.vector_load %arg8[%get3A_381] {strides = array<i32>} : memref<20000xf32, #tpu.memory_space<vmem>>, vector<16xf32>,
        %max3A_383 = arith.maximumf %max3A, %get3A_382 : vector<16xf32>
        %add3A_384 = arith.constant 48 : i32
        %add3A_385 = arith.addi %mul3A_372, %add3A_384 : i32
        %get3A_386 = arith.index_cast %add3A_385 : i32 to index
        %get3A_387 = tpu.vector_load %arg8[%get3A_386] {strides = array<i32>} : memref<20000xf32, #tpu.memory_space<vmem>>, vector<16xf32>,
        %max3A_388 = arith.maximumf %max3A_383, %get3A_387 : vector<16xf32>
        %add3A_389 = arith.constant 64 : i32
        %add3A_390 = arith.addi %mul3A_372, %add3A_389 : i32
        %get3A_391 = arith.index_cast %add3A_390 : i32 to index
        %get3A_392 = tpu.vector_load %arg8[%get3A_391] {strides = array<i32>} : memref<20000xf32, #tpu.memory_space<vmem>>, vector<16xf32>,
        %max3A_393 = arith.maximumf %max3A_388, %get3A_392 : vector<16xf32>
        %add3A_394 = arith.constant 80 : i32
        %add3A_395 = arith.addi %mul3A_372, %add3A_394 : i32
        %get3A_396 = arith.index_cast %add3A_395 : i32 to index
        %get3A_397 = tpu.vector_load %arg8[%get3A_396] {strides = array<i32>} : memref<20000xf32, #tpu.memory_space<vmem>>, vector<16xf32>,
        %max3A_398 = arith.maximumf %max3A_393, %get3A_397 : vector<16xf32>
        %add3A_399 = arith.constant 96 : i32
        %add3A_400 = arith.addi %mul3A_372, %add3A_399 : i32
        %get3A_401 = arith.index_cast %add3A_400 : i32 to index
        %get3A_402 = tpu.vector_load %arg8[%get3A_401] {strides = array<i32>} : memref<20000xf32, #tpu.memory_space<vmem>>, vector<16xf32>,
        %max3A_403 = arith.maximumf %max3A_398, %get3A_402 : vector<16xf32>
        %add3A_404 = arith.constant 112 : i32
        %add3A_405 = arith.addi %mul3A_372, %add3A_404 : i32
        %get3A_406 = arith.index_cast %add3A_405 : i32 to index
        %get3A_407 = tpu.vector_load %arg8[%get3A_406] {strides = array<i32>} : memref<20000xf32, #tpu.memory_space<vmem>>, vector<16xf32>,
        %max3A_408 = arith.maximumf %max3A_403, %get3A_407 : vector<16xf32>
        %add3A_409 = arith.constant 128 : i32
        %add3A_410 = arith.addi %mul3A_372, %add3A_409 : i32
        %get3A_411 = arith.index_cast %add3A_410 : i32 to index
        %get3A_412 = tpu.vector_load %arg8[%get3A_411] {strides = array<i32>} : memref<20000xf32, #tpu.memory_space<vmem>>, vector<16xf32>,
        %max3A_413 = arith.maximumf %max3A_408, %get3A_412 : vector<16xf32>
        %add3A_414 = arith.constant 144 : i32
        %add3A_415 = arith.addi %mul3A_372, %add3A_414 : i32
        %get3A_416 = arith.index_cast %add3A_415 : i32 to index
        %get3A_417 = tpu.vector_load %arg8[%get3A_416] {strides = array<i32>} : memref<20000xf32, #tpu.memory_space<vmem>>, vector<16xf32>,
        %max3A_418 = arith.maximumf %max3A_413, %get3A_417 : vector<16xf32>
        %add3A_419 = arith.constant 160 : i32
        %add3A_420 = arith.addi %mul3A_372, %add3A_419 : i32
        %get3A_421 = arith.index_cast %add3A_420 : i32 to index
        %get3A_422 = tpu.vector_load %arg8[%get3A_421] {strides = array<i32>} : memref<20000xf32, #tpu.memory_space<vmem>>, vector<16xf32>,
        %max3A_423 = arith.maximumf %max3A_418, %get3A_422 : vector<16xf32>
        %add3A_424 = arith.constant 176 : i32
        %add3A_425 = arith.addi %mul3A_372, %add3A_424 : i32
        %get3A_426 = arith.index_cast %add3A_425 : i32 to index
        %get3A_427 = tpu.vector_load %arg8[%get3A_426] {strides = array<i32>} : memref<20000xf32, #tpu.memory_space<vmem>>, vector<16xf32>,
        %max3A_428 = arith.maximumf %max3A_423, %get3A_427 : vector<16xf32>
        %add3A_429 = arith.constant 192 : i32
        %add3A_430 = arith.addi %mul3A_372, %add3A_429 : i32
        %get3A_431 = arith.index_cast %add3A_430 : i32 to index
        %get3A_432 = tpu.vector_load %arg8[%get3A_431] {strides = array<i32>} : memref<20000xf32, #tpu.memory_space<vmem>>, vector<16xf32>,
        %max3A_433 = arith.maximumf %max3A_428, %get3A_432 : vector<16xf32>
        %add3A_434 = arith.constant 208 : i32
        %add3A_435 = arith.addi %mul3A_372, %add3A_434 : i32
        %get3A_436 = arith.index_cast %add3A_435 : i32 to index
        %get3A_437 = tpu.vector_load %arg8[%get3A_436] {strides = array<i32>} : memref<20000xf32, #tpu.memory_space<vmem>>, vector<16xf32>,
        %max3A_438 = arith.maximumf %max3A_433, %get3A_437 : vector<16xf32>
        %add3A_439 = arith.constant 224 : i32
        %add3A_440 = arith.addi %mul3A_372, %add3A_439 : i32
        %get3A_441 = arith.index_cast %add3A_440 : i32 to index
        %get3A_442 = tpu.vector_load %arg8[%get3A_441] {strides = array<i32>} : memref<20000xf32, #tpu.memory_space<vmem>>, vector<16xf32>,
        %max3A_443 = arith.maximumf %max3A_438, %get3A_442 : vector<16xf32>
        %add3A_444 = arith.constant 240 : i32
        %add3A_445 = arith.addi %mul3A_372, %add3A_444 : i32
        %get3A_446 = arith.index_cast %add3A_445 : i32 to index
        %get3A_447 = tpu.vector_load %arg8[%get3A_446] {strides = array<i32>} : memref<20000xf32, #tpu.memory_space<vmem>>, vector<16xf32>,
        %max3A_448 = arith.maximumf %max3A_443, %get3A_447 : vector<16xf32>
        %add3A_449 = arith.constant 256 : i32
        %add3A_450 = arith.addi %mul3A_372, %add3A_449 : i32
        %get3A_451 = arith.index_cast %add3A_450 : i32 to index
        %get3A_452 = tpu.vector_load %arg8[%get3A_451] {strides = array<i32>} : memref<20000xf32, #tpu.memory_space<vmem>>, vector<16xf32>,
        %max3A_453 = arith.maximumf %max3A_448, %get3A_452 : vector<16xf32>
        %add3A_454 = arith.constant 272 : i32
        %add3A_455 = arith.addi %mul3A_372, %add3A_454 : i32
        %get3A_456 = arith.index_cast %add3A_455 : i32 to index
        %get3A_457 = tpu.vector_load %arg8[%get3A_456] {strides = array<i32>} : memref<20000xf32, #tpu.memory_space<vmem>>, vector<16xf32>,
        %max3A_458 = arith.maximumf %max3A_453, %get3A_457 : vector<16xf32>
        %add3A_459 = arith.constant 288 : i32
        %add3A_460 = arith.addi %mul3A_372, %add3A_459 : i32
        %get3A_461 = arith.index_cast %add3A_460 : i32 to index
        %get3A_462 = tpu.vector_load %arg8[%get3A_461] {strides = array<i32>} : memref<20000xf32, #tpu.memory_space<vmem>>, vector<16xf32>,
        %max3A_463 = arith.maximumf %max3A_458, %get3A_462 : vector<16xf32>
        %add3A_464 = arith.constant 304 : i32
        %add3A_465 = arith.addi %mul3A_372, %add3A_464 : i32
        %get3A_466 = arith.index_cast %add3A_465 : i32 to index
        %get3A_467 = tpu.vector_load %arg8[%get3A_466] {strides = array<i32>} : memref<20000xf32, #tpu.memory_space<vmem>>, vector<16xf32>,
        %max3A_468 = arith.maximumf %max3A_463, %get3A_467 : vector<16xf32>
        %add3A_469 = arith.constant 320 : i32
        %add3A_470 = arith.addi %mul3A_372, %add3A_469 : i32
        %get3A_471 = arith.index_cast %add3A_470 : i32 to index
        %get3A_472 = tpu.vector_load %arg8[%get3A_471] {strides = array<i32>} : memref<20000xf32, #tpu.memory_space<vmem>>, vector<16xf32>,
        %max3A_473 = arith.maximumf %max3A_468, %get3A_472 : vector<16xf32>
        %add3A_474 = arith.constant 336 : i32
        %add3A_475 = arith.addi %mul3A_372, %add3A_474 : i32
        %get3A_476 = arith.index_cast %add3A_475 : i32 to index
        %get3A_477 = tpu.vector_load %arg8[%get3A_476] {strides = array<i32>} : memref<20000xf32, #tpu.memory_space<vmem>>, vector<16xf32>,
        %max3A_478 = arith.maximumf %max3A_473, %get3A_477 : vector<16xf32>
        %add3A_479 = arith.constant 352 : i32
        %add3A_480 = arith.addi %mul3A_372, %add3A_479 : i32
        %get3A_481 = arith.index_cast %add3A_480 : i32 to index
        %get3A_482 = tpu.vector_load %arg8[%get3A_481] {strides = array<i32>} : memref<20000xf32, #tpu.memory_space<vmem>>, vector<16xf32>,
        %max3A_483 = arith.maximumf %max3A_478, %get3A_482 : vector<16xf32>
        %add3A_484 = arith.constant 368 : i32
        %add3A_485 = arith.addi %mul3A_372, %add3A_484 : i32
        %get3A_486 = arith.index_cast %add3A_485 : i32 to index
        %get3A_487 = tpu.vector_load %arg8[%get3A_486] {strides = array<i32>} : memref<20000xf32, #tpu.memory_space<vmem>>, vector<16xf32>,
        %max3A_488 = arith.maximumf %max3A_483, %get3A_487 : vector<16xf32>
        %add3A_489 = arith.constant 384 : i32
        %add3A_490 = arith.addi %mul3A_372, %add3A_489 : i32
        %get3A_491 = arith.index_cast %add3A_490 : i32 to index
        %get3A_492 = tpu.vector_load %arg8[%get3A_491] {strides = array<i32>} : memref<20000xf32, #tpu.memory_space<vmem>>, vector<16xf32>,
        %max3A_493 = arith.maximumf %max3A_488, %get3A_492 : vector<16xf32>
        %gt3A = arith.cmpf ogt, %max3A_493, %scan3A_370 : vector<16xf32>
        %reduce_or3A = arith.constant 1.000000e+00 : f32
        %reduce_or3A_494 = arith.constant 0.000000e+00 : f32
        %reduce_or3A_495 = vector.broadcast %reduce_or3A : f32 to vector<16xf32>
        %reduce_or3A_496 = vector.broadcast %reduce_or3A_494 : f32 to vector<16xf32>
        %reduce_or3A_497 = arith.select %gt3A, %reduce_or3A_495, %reduce_or3A_496 : vector<16xi1>, vector<16xf32>
        %reduce_or3A_498 = arith.constant true
        %reduce_or3A_499 = vector.broadcast %reduce_or3A_498 : i1 to vector<16xi1>
        %reduce_or3A_500 = tpu.scan <max>, %reduce_or3A_497 masked %reduce_or3A_499 : vector<16xf32>, vector<16xi1> -> vector<16xf32>
        %reduce_or3A_501 = vector.extract %reduce_or3A_500[15] : f32 from vector<16xf32>
        %reduce_or3A_502 = arith.constant 0.000000e+00 : f32
        %reduce_or3A_503 = arith.cmpf ogt, %reduce_or3A_501, %reduce_or3A_502 : f32
        %convert_element_type3A = arith.extui %reduce_or3A_503 : i1 to i32
        %cond3A = arith.constant 0 : i32
        %cond3A_504 = arith.cmpi ne, %convert_element_type3A, %cond3A : i32
        %cond3A_505:3 = scf.if %cond3A_504 -> (vector<16xf32>, vector<16xi32>, vector<16xf32>) {
          %scan3A_506 = arith.constant 0 : i32
          %scan3A_507 = arith.constant 25 : i32
          %scan3A_508 = arith.addi %scan3A_506, %scan3A_507 : i32
          %scan3A_509 = arith.constant 1 : i32
          %scan3A_510:3 = scf.for %scan3A_512 = %scan3A_506 to %scan3A_508 step %scan3A_509 iter_args(%scan3A_513 = %scan3A_368, %scan3A_514 = %scan3A_369, %scan3A_515 = %scan3A_370) -> (vector<16xf32>, vector<16xi32>, vector<16xf32>)  : i32 {
            %mul3A_516 = arith.constant 16 : i32
            %mul3A_517 = arith.muli %scan3A_512, %mul3A_516 : i32
            %add3A_518 = arith.addi %mul3A_372, %mul3A_517 : i32
            %get3A_519 = arith.index_cast %add3A_518 : i32 to index
            %get3A_520 = tpu.vector_load %arg8[%get3A_519] {strides = array<i32>} : memref<20000xf32, #tpu.memory_space<vmem>>, vector<16xf32>,
            %gt3A_521 = arith.cmpf ogt, %get3A_520, %scan3A_515 : vector<16xf32>
            %reduce_or3A_522 = arith.constant 1.000000e+00 : f32
            %reduce_or3A_523 = arith.constant 0.000000e+00 : f32
            %reduce_or3A_524 = vector.broadcast %reduce_or3A_522 : f32 to vector<16xf32>
            %reduce_or3A_525 = vector.broadcast %reduce_or3A_523 : f32 to vector<16xf32>
            %reduce_or3A_526 = arith.select %gt3A_521, %reduce_or3A_524, %reduce_or3A_525 : vector<16xi1>, vector<16xf32>
            %reduce_or3A_527 = arith.constant true
            %reduce_or3A_528 = vector.broadcast %reduce_or3A_527 : i1 to vector<16xi1>
            %reduce_or3A_529 = tpu.scan <max>, %reduce_or3A_526 masked %reduce_or3A_528 : vector<16xf32>, vector<16xi1> -> vector<16xf32>
            %reduce_or3A_530 = vector.extract %reduce_or3A_529[15] : f32 from vector<16xf32>
            %reduce_or3A_531 = arith.constant 0.000000e+00 : f32
            %reduce_or3A_532 = arith.cmpf ogt, %reduce_or3A_530, %reduce_or3A_531 : f32
            %convert_element_type3A_533 = arith.extui %reduce_or3A_532 : i1 to i32
            %cond3A_534 = arith.constant 0 : i32
            %cond3A_535 = arith.cmpi ne, %convert_element_type3A_533, %cond3A_534 : i32
            %cond3A_536:3 = scf.if %cond3A_535 -> (vector<16xf32>, vector<16xi32>, vector<16xf32>) {
              %add3A_537 = arith.addf %get3A_520, %get3A_346 : vector<16xf32>
              %add3A_538 = arith.addi %mul3A_348, %add3A_518 : i32
              %add3A_539 = vector.broadcast %add3A_538 : i32 to vector<16xi32>
              %add3A_540 = arith.addi %iota3A, %add3A_539 : vector<16xi32>
              %masked_sort3A = arith.constant dense<true> : vector<16xi1>
              %masked_sort3A_541, %masked_sort3A_542, %masked_sort3A_543 = tpu.sort %add3A_537, %add3A_540 masked %masked_sort3A {descending = true} : (vector<16xf32>, vector<16xi32>, vector<16xi1>) -> (vector<16xi1>, vector<16xf32>, vector<16xi32>)
              %gt3A_544 = arith.cmpf ogt, %scan3A_513, %masked_sort3A_542 : vector<16xf32>
              %eq3A_545 = arith.cmpf oeq, %scan3A_513, %masked_sort3A_542 : vector<16xf32>
              %lt3A_546 = arith.cmpi slt, %scan3A_514, %masked_sort3A_543 : vector<16xi32>
              %and3A_547 = arith.andi %eq3A_545, %lt3A_546 : vector<16xi1>
              %or3A = arith.ori %gt3A_544, %and3A_547 : vector<16xi1>
              %max3A_548 = arith.maximumf %scan3A_513, %masked_sort3A_542 : vector<16xf32>
              %select_n3A_549 = arith.select %or3A, %scan3A_514, %masked_sort3A_543 : vector<16xi1>, vector<16xi32>
              %masked_sort3A_550 = arith.constant dense<true> : vector<16xi1>
              %masked_sort3A_551, %masked_sort3A_552, %masked_sort3A_553 = tpu.sort %max3A_548, %select_n3A_549 masked %masked_sort3A_550 : (vector<16xf32>, vector<16xi32>, vector<16xi1>) -> (vector<16xi1>, vector<16xf32>, vector<16xi32>)
              %slice3A_554 = vector.extract_strided_slice %masked_sort3A_552 {offsets = [0], sizes = [1], strides = [1]} : vector<16xf32> to vector<1xf32>
              %squeeze3A_555 = vector.extract %slice3A_554[0] : f32 from vector<1xf32>
              %broadcast_in_dim3A_556 = vector.broadcast %squeeze3A_555 : f32 to vector<16xf32>
              %sub3A_557 = arith.subf %broadcast_in_dim3A_556, %get3A_346 : vector<16xf32>
              scf.yield %masked_sort3A_552, %masked_sort3A_553, %sub3A_557 : vector<16xf32>, vector<16xi32>, vector<16xf32>
            } else {
              scf.yield %scan3A_513, %scan3A_514, %scan3A_515 : vector<16xf32>, vector<16xi32>, vector<16xf32>
            }
            scf.yield %cond3A_536#0, %cond3A_536#1, %cond3A_536#2 : vector<16xf32>, vector<16xi32>, vector<16xf32>
          }
          %scan3A_511 = arith.constant 25 : i32
          scf.yield %scan3A_510#0, %scan3A_510#1, %scan3A_510#2 : vector<16xf32>, vector<16xi32>, vector<16xf32>
        } else {
          scf.yield %scan3A_368, %scan3A_369, %scan3A_370 : vector<16xf32>, vector<16xi32>, vector<16xf32>
        }
        scf.yield %cond3A_505#0, %cond3A_505#1, %cond3A_505#2 : vector<16xf32>, vector<16xi32>, vector<16xf32>
      }
      %scan3A_358 = arith.constant 50 : i32
      %add3A_359 = arith.constant 2 : i32
      %add3A_360 = arith.addi %add3A_313, %add3A_359 : i32
      %mul3A_361 = arith.constant 20000 : i32
      %mul3A_362 = arith.muli %add3A_360, %mul3A_361 : i32
      %dma_start3A_363 = tpu.memref_slice %arg2[%add3A_4, %mul3A_362] : memref<64x400000xf32, #tpu.memory_space<hbm>> -> memref<1x20000xf32, #tpu.memory_space<hbm>>
      %dma_start3A_364 = tpu.memref_squeeze %dma_start3A_363 : memref<1x20000xf32, #tpu.memory_space<hbm>> -> memref<20000xf32, #tpu.memory_space<hbm>>
      %dma_start3A_365 = tpu.memref_slice %arg2[%add3A_4, %mul3A_362] : memref<64x400000xf32, #tpu.memory_space<hbm>> -> memref<1x20000xf32, #tpu.memory_space<hbm>>
      %dma_start3A_366 = tpu.memref_squeeze %dma_start3A_365 : memref<1x20000xf32, #tpu.memory_space<hbm>> -> memref<20000xf32, #tpu.memory_space<hbm>>
      tpu.enqueue_dma source(%dma_start3A_366 : memref<20000xf32, #tpu.memory_space<hbm>>) target(%arg8 : memref<20000xf32, #tpu.memory_space<vmem>>) target_semaphore(%arg14 : memref<!tpu.dma_semaphore, #tpu.memory_space<semaphore_mem>>)
      scf.yield %scan3A_357#0, %scan3A_357#1 : vector<16xf32>, vector<16xi32>
    }
    %scan3A_23 = arith.constant 9 : i32
    %dma_wait3A = arith.constant 0 : i32
    %dma_wait3A_24 = tpu.memref_slice %arg2[%add3A_4, %dma_wait3A] : memref<64x400000xf32, #tpu.memory_space<hbm>> -> memref<1x20000xf32, #tpu.memory_space<hbm>>
    %dma_wait3A_25 = tpu.memref_squeeze %dma_wait3A_24 : memref<1x20000xf32, #tpu.memory_space<hbm>> -> memref<20000xf32, #tpu.memory_space<hbm>>
    %dma_wait3A_26 = arith.constant 0 : i32
    %dma_wait3A_27 = tpu.memref_slice %arg2[%add3A_4, %dma_wait3A_26] : memref<64x400000xf32, #tpu.memory_space<hbm>> -> memref<1x20000xf32, #tpu.memory_space<hbm>>
    %dma_wait3A_28 = tpu.memref_squeeze %dma_wait3A_27 : memref<1x20000xf32, #tpu.memory_space<hbm>> -> memref<20000xf32, #tpu.memory_space<hbm>>
    tpu.wait_dma2 semaphore(%arg13 : memref<!tpu.dma_semaphore, #tpu.memory_space<semaphore_mem>>) src(%dma_wait3A_28 : memref<20000xf32, #tpu.memory_space<hbm>>) dst(%arg7 : memref<20000xf32, #tpu.memory_space<vmem>>)
    %get3A = arith.constant 3 : i32
    %get3A_29 = arith.index_cast %get3A : i32 to index
    %get3A_30 = arith.constant 0 : index
    %get3A_31 = tpu.vector_load %arg9[%get3A_29, %get3A_30] {strides = array<i32>} : memref<4x16xf32, #tpu.memory_space<vmem>>, vector<16xf32>,
    %slice3A = vector.extract_strided_slice %scan3A_22#0 {offsets = [0], sizes = [1], strides = [1]} : vector<16xf32> to vector<1xf32>
    %squeeze3A = vector.extract %slice3A[0] : f32 from vector<1xf32>
    %broadcast_in_dim3A_32 = vector.broadcast %squeeze3A : f32 to vector<16xf32>
    %sub3A = arith.subf %broadcast_in_dim3A_32, %get3A_31 : vector<16xf32>
    %scan3A_33 = arith.constant 0 : i32
    %scan3A_34 = arith.constant 50 : i32
    %scan3A_35 = arith.addi %scan3A_33, %scan3A_34 : i32
    %scan3A_36 = arith.constant 1 : i32
    %scan3A_37:3 = scf.for %scan3A_252 = %scan3A_33 to %scan3A_35 step %scan3A_36 iter_args(%scan3A_253 = %scan3A_22#0, %scan3A_254 = %scan3A_22#1, %scan3A_255 = %sub3A) -> (vector<16xf32>, vector<16xi32>, vector<16xf32>)  : i32 {
      %mul3A_256 = arith.constant 400 : i32
      %mul3A_257 = arith.muli %scan3A_252, %mul3A_256 : i32
      %get3A_258 = arith.index_cast %mul3A_257 : i32 to index
      %get3A_259 = tpu.vector_load %arg7[%get3A_258] {strides = array<i32>} : memref<20000xf32, #tpu.memory_space<vmem>>, vector<16xf32>,
      %add3A_260 = arith.constant 16 : i32
      %add3A_261 = arith.addi %mul3A_257, %add3A_260 : i32
      %get3A_262 = arith.index_cast %add3A_261 : i32 to index
      %get3A_263 = tpu.vector_load %arg7[%get3A_262] {strides = array<i32>} : memref<20000xf32, #tpu.memory_space<vmem>>, vector<16xf32>,
      %max3A = arith.maximumf %get3A_259, %get3A_263 : vector<16xf32>
      %add3A_264 = arith.constant 32 : i32
      %add3A_265 = arith.addi %mul3A_257, %add3A_264 : i32
      %get3A_266 = arith.index_cast %add3A_265 : i32 to index
      %get3A_267 = tpu.vector_load %arg7[%get3A_266] {strides = array<i32>} : memref<20000xf32, #tpu.memory_space<vmem>>, vector<16xf32>,
      %max3A_268 = arith.maximumf %max3A, %get3A_267 : vector<16xf32>
      %add3A_269 = arith.constant 48 : i32
      %add3A_270 = arith.addi %mul3A_257, %add3A_269 : i32
      %get3A_271 = arith.index_cast %add3A_270 : i32 to index
      %get3A_272 = tpu.vector_load %arg7[%get3A_271] {strides = array<i32>} : memref<20000xf32, #tpu.memory_space<vmem>>, vector<16xf32>,
      %max3A_273 = arith.maximumf %max3A_268, %get3A_272 : vector<16xf32>
      %add3A_274 = arith.constant 64 : i32
      %add3A_275 = arith.addi %mul3A_257, %add3A_274 : i32
      %get3A_276 = arith.index_cast %add3A_275 : i32 to index
      %get3A_277 = tpu.vector_load %arg7[%get3A_276] {strides = array<i32>} : memref<20000xf32, #tpu.memory_space<vmem>>, vector<16xf32>,
      %max3A_278 = arith.maximumf %max3A_273, %get3A_277 : vector<16xf32>
      %add3A_279 = arith.constant 80 : i32
      %add3A_280 = arith.addi %mul3A_257, %add3A_279 : i32
      %get3A_281 = arith.index_cast %add3A_280 : i32 to index
      %get3A_282 = tpu.vector_load %arg7[%get3A_281] {strides = array<i32>} : memref<20000xf32, #tpu.memory_space<vmem>>, vector<16xf32>,
      %max3A_283 = arith.maximumf %max3A_278, %get3A_282 : vector<16xf32>
      %add3A_284 = arith.constant 96 : i32
      %add3A_285 = arith.addi %mul3A_257, %add3A_284 : i32
      %get3A_286 = arith.index_cast %add3A_285 : i32 to index
      %get3A_287 = tpu.vector_load %arg7[%get3A_286] {strides = array<i32>} : memref<20000xf32, #tpu.memory_space<vmem>>, vector<16xf32>,
      %max3A_288 = arith.maximumf %max3A_283, %get3A_287 : vector<16xf32>
      %add3A_289 = arith.constant 112 : i32
      %add3A_290 = arith.addi %mul3A_257, %add3A_289 : i32
      %get3A_291 = arith.index_cast %add3A_290 : i32 to index
      %get3A_292 = tpu.vector_load %arg7[%get3A_291] {strides = array<i32>} : memref<20000xf32, #tpu.memory_space<vmem>>, vector<16xf32>,
      %max3A_293 = arith.maximumf %max3A_288, %get3A_292 : vector<16xf32>
      %add3A_294 = arith.constant 128 : i32
      %add3A_295 = arith.addi %mul3A_257, %add3A_294 : i32
      %get3A_296 = arith.index_cast %add3A_295 : i32 to index
      %get3A_297 = tpu.vector_load %arg7[%get3A_296] {strides = array<i32>} : memref<20000xf32, #tpu.memory_space<vmem>>, vector<16xf32>,
      %max3A_298 = arith.maximumf %max3A_293, %get3A_297 : vector<16xf32>
      %add3A_299 = arith.constant 144 : i32
      %add3A_300 = arith.addi %mul3A_257, %add3A_299 : i32
      %get3A_301 = arith.index_cast %add3A_300 : i32 to index
      %get3A_302 = tpu.vector_load %arg7[%get3A_301] {strides = array<i32>} : memref<20000xf32, #tpu.memory_space<vmem>>, vector<16xf32>,
      %max3A_303 = arith.maximumf %max3A_298, %get3A_302 : vector<16xf32>
      %add3A_304 = arith.constant 160 : i32
      %add3A_305 = arith.addi %mul3A_257, %add3A_304 : i32
      %get3A_306 = arith.index_cast %add3A_305 : i32 to index
      %get3A_307 = tpu.vector_load %arg7[%get3A_306] {strides = array<i32>} : memref<20000xf32, #tpu.memory_space<vmem>>, vector<16xf32>,
      %max3A_308 = arith.maximumf %max3A_303, %get3A_307 : vector<16xf32>
      %add3A_309 = arith.constant 176 : i32
      %add3A_310 = arith.addi %mul3A_257, %add3A_309 : i32
      %get3A_311 = arith.index_cast %add3A_310 : i32 to index
      %get3A_312 = tpu.vector_load %arg7[%get3A_311] {strides = array<i32>} : memref<20000xf32, #tpu.memory_space<vmem>>, vector<16xf32>,
      %max3A_313 = arith.maximumf %max3A_308, %get3A_312 : vector<16xf32>
      %add3A_314 = arith.constant 192 : i32
      %add3A_315 = arith.addi %mul3A_257, %add3A_314 : i32
      %get3A_316 = arith.index_cast %add3A_315 : i32 to index
      %get3A_317 = tpu.vector_load %arg7[%get3A_316] {strides = array<i32>} : memref<20000xf32, #tpu.memory_space<vmem>>, vector<16xf32>,
      %max3A_318 = arith.maximumf %max3A_313, %get3A_317 : vector<16xf32>
      %add3A_319 = arith.constant 208 : i32
      %add3A_320 = arith.addi %mul3A_257, %add3A_319 : i32
      %get3A_321 = arith.index_cast %add3A_320 : i32 to index
      %get3A_322 = tpu.vector_load %arg7[%get3A_321] {strides = array<i32>} : memref<20000xf32, #tpu.memory_space<vmem>>, vector<16xf32>,
      %max3A_323 = arith.maximumf %max3A_318, %get3A_322 : vector<16xf32>
      %add3A_324 = arith.constant 224 : i32
      %add3A_325 = arith.addi %mul3A_257, %add3A_324 : i32
      %get3A_326 = arith.index_cast %add3A_325 : i32 to index
      %get3A_327 = tpu.vector_load %arg7[%get3A_326] {strides = array<i32>} : memref<20000xf32, #tpu.memory_space<vmem>>, vector<16xf32>,
      %max3A_328 = arith.maximumf %max3A_323, %get3A_327 : vector<16xf32>
      %add3A_329 = arith.constant 240 : i32
      %add3A_330 = arith.addi %mul3A_257, %add3A_329 : i32
      %get3A_331 = arith.index_cast %add3A_330 : i32 to index
      %get3A_332 = tpu.vector_load %arg7[%get3A_331] {strides = array<i32>} : memref<20000xf32, #tpu.memory_space<vmem>>, vector<16xf32>,
      %max3A_333 = arith.maximumf %max3A_328, %get3A_332 : vector<16xf32>
      %add3A_334 = arith.constant 256 : i32
      %add3A_335 = arith.addi %mul3A_257, %add3A_334 : i32
      %get3A_336 = arith.index_cast %add3A_335 : i32 to index
      %get3A_337 = tpu.vector_load %arg7[%get3A_336] {strides = array<i32>} : memref<20000xf32, #tpu.memory_space<vmem>>, vector<16xf32>,
      %max3A_338 = arith.maximumf %max3A_333, %get3A_337 : vector<16xf32>
      %add3A_339 = arith.constant 272 : i32
      %add3A_340 = arith.addi %mul3A_257, %add3A_339 : i32
      %get3A_341 = arith.index_cast %add3A_340 : i32 to index
      %get3A_342 = tpu.vector_load %arg7[%get3A_341] {strides = array<i32>} : memref<20000xf32, #tpu.memory_space<vmem>>, vector<16xf32>,
      %max3A_343 = arith.maximumf %max3A_338, %get3A_342 : vector<16xf32>
      %add3A_344 = arith.constant 288 : i32
      %add3A_345 = arith.addi %mul3A_257, %add3A_344 : i32
      %get3A_346 = arith.index_cast %add3A_345 : i32 to index
      %get3A_347 = tpu.vector_load %arg7[%get3A_346] {strides = array<i32>} : memref<20000xf32, #tpu.memory_space<vmem>>, vector<16xf32>,
      %max3A_348 = arith.maximumf %max3A_343, %get3A_347 : vector<16xf32>
      %add3A_349 = arith.constant 304 : i32
      %add3A_350 = arith.addi %mul3A_257, %add3A_349 : i32
      %get3A_351 = arith.index_cast %add3A_350 : i32 to index
      %get3A_352 = tpu.vector_load %arg7[%get3A_351] {strides = array<i32>} : memref<20000xf32, #tpu.memory_space<vmem>>, vector<16xf32>,
      %max3A_353 = arith.maximumf %max3A_348, %get3A_352 : vector<16xf32>
      %add3A_354 = arith.constant 320 : i32
      %add3A_355 = arith.addi %mul3A_257, %add3A_354 : i32
      %get3A_356 = arith.index_cast %add3A_355 : i32 to index
      %get3A_357 = tpu.vector_load %arg7[%get3A_356] {strides = array<i32>} : memref<20000xf32, #tpu.memory_space<vmem>>, vector<16xf32>,
      %max3A_358 = arith.maximumf %max3A_353, %get3A_357 : vector<16xf32>
      %add3A_359 = arith.constant 336 : i32
      %add3A_360 = arith.addi %mul3A_257, %add3A_359 : i32
      %get3A_361 = arith.index_cast %add3A_360 : i32 to index
      %get3A_362 = tpu.vector_load %arg7[%get3A_361] {strides = array<i32>} : memref<20000xf32, #tpu.memory_space<vmem>>, vector<16xf32>,
      %max3A_363 = arith.maximumf %max3A_358, %get3A_362 : vector<16xf32>
      %add3A_364 = arith.constant 352 : i32
      %add3A_365 = arith.addi %mul3A_257, %add3A_364 : i32
      %get3A_366 = arith.index_cast %add3A_365 : i32 to index
      %get3A_367 = tpu.vector_load %arg7[%get3A_366] {strides = array<i32>} : memref<20000xf32, #tpu.memory_space<vmem>>, vector<16xf32>,
      %max3A_368 = arith.maximumf %max3A_363, %get3A_367 : vector<16xf32>
      %add3A_369 = arith.constant 368 : i32
      %add3A_370 = arith.addi %mul3A_257, %add3A_369 : i32
      %get3A_371 = arith.index_cast %add3A_370 : i32 to index
      %get3A_372 = tpu.vector_load %arg7[%get3A_371] {strides = array<i32>} : memref<20000xf32, #tpu.memory_space<vmem>>, vector<16xf32>,
      %max3A_373 = arith.maximumf %max3A_368, %get3A_372 : vector<16xf32>
      %add3A_374 = arith.constant 384 : i32
      %add3A_375 = arith.addi %mul3A_257, %add3A_374 : i32
      %get3A_376 = arith.index_cast %add3A_375 : i32 to index
      %get3A_377 = tpu.vector_load %arg7[%get3A_376] {strides = array<i32>} : memref<20000xf32, #tpu.memory_space<vmem>>, vector<16xf32>,
      %max3A_378 = arith.maximumf %max3A_373, %get3A_377 : vector<16xf32>
      %gt3A = arith.cmpf ogt, %max3A_378, %scan3A_255 : vector<16xf32>
      %reduce_or3A = arith.constant 1.000000e+00 : f32
      %reduce_or3A_379 = arith.constant 0.000000e+00 : f32
      %reduce_or3A_380 = vector.broadcast %reduce_or3A : f32 to vector<16xf32>
      %reduce_or3A_381 = vector.broadcast %reduce_or3A_379 : f32 to vector<16xf32>
      %reduce_or3A_382 = arith.select %gt3A, %reduce_or3A_380, %reduce_or3A_381 : vector<16xi1>, vector<16xf32>
      %reduce_or3A_383 = arith.constant true
      %reduce_or3A_384 = vector.broadcast %reduce_or3A_383 : i1 to vector<16xi1>
      %reduce_or3A_385 = tpu.scan <max>, %reduce_or3A_382 masked %reduce_or3A_384 : vector<16xf32>, vector<16xi1> -> vector<16xf32>
      %reduce_or3A_386 = vector.extract %reduce_or3A_385[15] : f32 from vector<16xf32>
      %reduce_or3A_387 = arith.constant 0.000000e+00 : f32
      %reduce_or3A_388 = arith.cmpf ogt, %reduce_or3A_386, %reduce_or3A_387 : f32
      %convert_element_type3A = arith.extui %reduce_or3A_388 : i1 to i32
      %cond3A = arith.constant 0 : i32
      %cond3A_389 = arith.cmpi ne, %convert_element_type3A, %cond3A : i32
      %cond3A_390:3 = scf.if %cond3A_389 -> (vector<16xf32>, vector<16xi32>, vector<16xf32>) {
        %scan3A_391 = arith.constant 0 : i32
        %scan3A_392 = arith.constant 25 : i32
        %scan3A_393 = arith.addi %scan3A_391, %scan3A_392 : i32
        %scan3A_394 = arith.constant 1 : i32
        %scan3A_395:3 = scf.for %scan3A_397 = %scan3A_391 to %scan3A_393 step %scan3A_394 iter_args(%scan3A_398 = %scan3A_253, %scan3A_399 = %scan3A_254, %scan3A_400 = %scan3A_255) -> (vector<16xf32>, vector<16xi32>, vector<16xf32>)  : i32 {
          %mul3A_401 = arith.constant 16 : i32
          %mul3A_402 = arith.muli %scan3A_397, %mul3A_401 : i32
          %add3A_403 = arith.addi %mul3A_257, %mul3A_402 : i32
          %get3A_404 = arith.index_cast %add3A_403 : i32 to index
          %get3A_405 = tpu.vector_load %arg7[%get3A_404] {strides = array<i32>} : memref<20000xf32, #tpu.memory_space<vmem>>, vector<16xf32>,
          %gt3A_406 = arith.cmpf ogt, %get3A_405, %scan3A_400 : vector<16xf32>
          %reduce_or3A_407 = arith.constant 1.000000e+00 : f32
          %reduce_or3A_408 = arith.constant 0.000000e+00 : f32
          %reduce_or3A_409 = vector.broadcast %reduce_or3A_407 : f32 to vector<16xf32>
          %reduce_or3A_410 = vector.broadcast %reduce_or3A_408 : f32 to vector<16xf32>
          %reduce_or3A_411 = arith.select %gt3A_406, %reduce_or3A_409, %reduce_or3A_410 : vector<16xi1>, vector<16xf32>
          %reduce_or3A_412 = arith.constant true
          %reduce_or3A_413 = vector.broadcast %reduce_or3A_412 : i1 to vector<16xi1>
          %reduce_or3A_414 = tpu.scan <max>, %reduce_or3A_411 masked %reduce_or3A_413 : vector<16xf32>, vector<16xi1> -> vector<16xf32>
          %reduce_or3A_415 = vector.extract %reduce_or3A_414[15] : f32 from vector<16xf32>
          %reduce_or3A_416 = arith.constant 0.000000e+00 : f32
          %reduce_or3A_417 = arith.cmpf ogt, %reduce_or3A_415, %reduce_or3A_416 : f32
          %convert_element_type3A_418 = arith.extui %reduce_or3A_417 : i1 to i32
          %cond3A_419 = arith.constant 0 : i32
          %cond3A_420 = arith.cmpi ne, %convert_element_type3A_418, %cond3A_419 : i32
          %cond3A_421:3 = scf.if %cond3A_420 -> (vector<16xf32>, vector<16xi32>, vector<16xf32>) {
            %add3A_422 = arith.addf %get3A_405, %get3A_31 : vector<16xf32>
            %add3A_423 = arith.constant 360000 : i32
            %add3A_424 = arith.addi %add3A_423, %add3A_403 : i32
            %add3A_425 = vector.broadcast %add3A_424 : i32 to vector<16xi32>
            %add3A_426 = arith.addi %iota3A, %add3A_425 : vector<16xi32>
            %masked_sort3A = arith.constant dense<true> : vector<16xi1>
            %masked_sort3A_427, %masked_sort3A_428, %masked_sort3A_429 = tpu.sort %add3A_422, %add3A_426 masked %masked_sort3A {descending = true} : (vector<16xf32>, vector<16xi32>, vector<16xi1>) -> (vector<16xi1>, vector<16xf32>, vector<16xi32>)
            %gt3A_430 = arith.cmpf ogt, %scan3A_398, %masked_sort3A_428 : vector<16xf32>
            %eq3A_431 = arith.cmpf oeq, %scan3A_398, %masked_sort3A_428 : vector<16xf32>
            %lt3A_432 = arith.cmpi slt, %scan3A_399, %masked_sort3A_429 : vector<16xi32>
            %and3A_433 = arith.andi %eq3A_431, %lt3A_432 : vector<16xi1>
            %or3A = arith.ori %gt3A_430, %and3A_433 : vector<16xi1>
            %max3A_434 = arith.maximumf %scan3A_398, %masked_sort3A_428 : vector<16xf32>
            %select_n3A_435 = arith.select %or3A, %scan3A_399, %masked_sort3A_429 : vector<16xi1>, vector<16xi32>
            %masked_sort3A_436 = arith.constant dense<true> : vector<16xi1>
            %masked_sort3A_437, %masked_sort3A_438, %masked_sort3A_439 = tpu.sort %max3A_434, %select_n3A_435 masked %masked_sort3A_436 : (vector<16xf32>, vector<16xi32>, vector<16xi1>) -> (vector<16xi1>, vector<16xf32>, vector<16xi32>)
            %slice3A_440 = vector.extract_strided_slice %masked_sort3A_438 {offsets = [0], sizes = [1], strides = [1]} : vector<16xf32> to vector<1xf32>
            %squeeze3A_441 = vector.extract %slice3A_440[0] : f32 from vector<1xf32>
            %broadcast_in_dim3A_442 = vector.broadcast %squeeze3A_441 : f32 to vector<16xf32>
            %sub3A_443 = arith.subf %broadcast_in_dim3A_442, %get3A_31 : vector<16xf32>
            scf.yield %masked_sort3A_438, %masked_sort3A_439, %sub3A_443 : vector<16xf32>, vector<16xi32>, vector<16xf32>
          } else {
            scf.yield %scan3A_398, %scan3A_399, %scan3A_400 : vector<16xf32>, vector<16xi32>, vector<16xf32>
          }
          scf.yield %cond3A_421#0, %cond3A_421#1, %cond3A_421#2 : vector<16xf32>, vector<16xi32>, vector<16xf32>
        }
        %scan3A_396 = arith.constant 25 : i32
        scf.yield %scan3A_395#0, %scan3A_395#1, %scan3A_395#2 : vector<16xf32>, vector<16xi32>, vector<16xf32>
      } else {
        scf.yield %scan3A_253, %scan3A_254, %scan3A_255 : vector<16xf32>, vector<16xi32>, vector<16xf32>
      }
      scf.yield %cond3A_390#0, %cond3A_390#1, %cond3A_390#2 : vector<16xf32>, vector<16xi32>, vector<16xf32>
    }
    %scan3A_38 = arith.constant 50 : i32
    %dma_wait3A_39 = arith.constant 20000 : i32
    %dma_wait3A_40 = tpu.memref_slice %arg2[%add3A_4, %dma_wait3A_39] : memref<64x400000xf32, #tpu.memory_space<hbm>> -> memref<1x20000xf32, #tpu.memory_space<hbm>>
    %dma_wait3A_41 = tpu.memref_squeeze %dma_wait3A_40 : memref<1x20000xf32, #tpu.memory_space<hbm>> -> memref<20000xf32, #tpu.memory_space<hbm>>
    %dma_wait3A_42 = arith.constant 20000 : i32
    %dma_wait3A_43 = tpu.memref_slice %arg2[%add3A_4, %dma_wait3A_42] : memref<64x400000xf32, #tpu.memory_space<hbm>> -> memref<1x20000xf32, #tpu.memory_space<hbm>>
    %dma_wait3A_44 = tpu.memref_squeeze %dma_wait3A_43 : memref<1x20000xf32, #tpu.memory_space<hbm>> -> memref<20000xf32, #tpu.memory_space<hbm>>
    tpu.wait_dma2 semaphore(%arg14 : memref<!tpu.dma_semaphore, #tpu.memory_space<semaphore_mem>>) src(%dma_wait3A_44 : memref<20000xf32, #tpu.memory_space<hbm>>) dst(%arg8 : memref<20000xf32, #tpu.memory_space<vmem>>)
    %get3A_45 = arith.constant 3 : i32
    %get3A_46 = arith.index_cast %get3A_45 : i32 to index
    %get3A_47 = arith.constant 0 : index
    %get3A_48 = tpu.vector_load %arg9[%get3A_46, %get3A_47] {strides = array<i32>} : memref<4x16xf32, #tpu.memory_space<vmem>>, vector<16xf32>,
    %slice3A_49 = vector.extract_strided_slice %scan3A_37#0 {offsets = [0], sizes = [1], strides = [1]} : vector<16xf32> to vector<1xf32>
    %squeeze3A_50 = vector.extract %slice3A_49[0] : f32 from vector<1xf32>
    %broadcast_in_dim3A_51 = vector.broadcast %squeeze3A_50 : f32 to vector<16xf32>
    %sub3A_52 = arith.subf %broadcast_in_dim3A_51, %get3A_48 : vector<16xf32>
    %scan3A_53 = arith.constant 0 : i32
    %scan3A_54 = arith.constant 50 : i32
    %scan3A_55 = arith.addi %scan3A_53, %scan3A_54 : i32
    %scan3A_56 = arith.constant 1 : i32
    %scan3A_57:3 = scf.for %scan3A_252 = %scan3A_53 to %scan3A_55 step %scan3A_56 iter_args(%scan3A_253 = %scan3A_37#0, %scan3A_254 = %scan3A_37#1, %scan3A_255 = %sub3A_52) -> (vector<16xf32>, vector<16xi32>, vector<16xf32>)  : i32 {
      %mul3A_256 = arith.constant 400 : i32
      %mul3A_257 = arith.muli %scan3A_252, %mul3A_256 : i32
      %get3A_258 = arith.index_cast %mul3A_257 : i32 to index
      %get3A_259 = tpu.vector_load %arg8[%get3A_258] {strides = array<i32>} : memref<20000xf32, #tpu.memory_space<vmem>>, vector<16xf32>,
      %add3A_260 = arith.constant 16 : i32
      %add3A_261 = arith.addi %mul3A_257, %add3A_260 : i32
      %get3A_262 = arith.index_cast %add3A_261 : i32 to index
      %get3A_263 = tpu.vector_load %arg8[%get3A_262] {strides = array<i32>} : memref<20000xf32, #tpu.memory_space<vmem>>, vector<16xf32>,
      %max3A = arith.maximumf %get3A_259, %get3A_263 : vector<16xf32>
      %add3A_264 = arith.constant 32 : i32
      %add3A_265 = arith.addi %mul3A_257, %add3A_264 : i32
      %get3A_266 = arith.index_cast %add3A_265 : i32 to index
      %get3A_267 = tpu.vector_load %arg8[%get3A_266] {strides = array<i32>} : memref<20000xf32, #tpu.memory_space<vmem>>, vector<16xf32>,
      %max3A_268 = arith.maximumf %max3A, %get3A_267 : vector<16xf32>
      %add3A_269 = arith.constant 48 : i32
      %add3A_270 = arith.addi %mul3A_257, %add3A_269 : i32
      %get3A_271 = arith.index_cast %add3A_270 : i32 to index
      %get3A_272 = tpu.vector_load %arg8[%get3A_271] {strides = array<i32>} : memref<20000xf32, #tpu.memory_space<vmem>>, vector<16xf32>,
      %max3A_273 = arith.maximumf %max3A_268, %get3A_272 : vector<16xf32>
      %add3A_274 = arith.constant 64 : i32
      %add3A_275 = arith.addi %mul3A_257, %add3A_274 : i32
      %get3A_276 = arith.index_cast %add3A_275 : i32 to index
      %get3A_277 = tpu.vector_load %arg8[%get3A_276] {strides = array<i32>} : memref<20000xf32, #tpu.memory_space<vmem>>, vector<16xf32>,
      %max3A_278 = arith.maximumf %max3A_273, %get3A_277 : vector<16xf32>
      %add3A_279 = arith.constant 80 : i32
      %add3A_280 = arith.addi %mul3A_257, %add3A_279 : i32
      %get3A_281 = arith.index_cast %add3A_280 : i32 to index
      %get3A_282 = tpu.vector_load %arg8[%get3A_281] {strides = array<i32>} : memref<20000xf32, #tpu.memory_space<vmem>>, vector<16xf32>,
      %max3A_283 = arith.maximumf %max3A_278, %get3A_282 : vector<16xf32>
      %add3A_284 = arith.constant 96 : i32
      %add3A_285 = arith.addi %mul3A_257, %add3A_284 : i32
      %get3A_286 = arith.index_cast %add3A_285 : i32 to index
      %get3A_287 = tpu.vector_load %arg8[%get3A_286] {strides = array<i32>} : memref<20000xf32, #tpu.memory_space<vmem>>, vector<16xf32>,
      %max3A_288 = arith.maximumf %max3A_283, %get3A_287 : vector<16xf32>
      %add3A_289 = arith.constant 112 : i32
      %add3A_290 = arith.addi %mul3A_257, %add3A_289 : i32
      %get3A_291 = arith.index_cast %add3A_290 : i32 to index
      %get3A_292 = tpu.vector_load %arg8[%get3A_291] {strides = array<i32>} : memref<20000xf32, #tpu.memory_space<vmem>>, vector<16xf32>,
      %max3A_293 = arith.maximumf %max3A_288, %get3A_292 : vector<16xf32>
      %add3A_294 = arith.constant 128 : i32
      %add3A_295 = arith.addi %mul3A_257, %add3A_294 : i32
      %get3A_296 = arith.index_cast %add3A_295 : i32 to index
      %get3A_297 = tpu.vector_load %arg8[%get3A_296] {strides = array<i32>} : memref<20000xf32, #tpu.memory_space<vmem>>, vector<16xf32>,
      %max3A_298 = arith.maximumf %max3A_293, %get3A_297 : vector<16xf32>
      %add3A_299 = arith.constant 144 : i32
      %add3A_300 = arith.addi %mul3A_257, %add3A_299 : i32
      %get3A_301 = arith.index_cast %add3A_300 : i32 to index
      %get3A_302 = tpu.vector_load %arg8[%get3A_301] {strides = array<i32>} : memref<20000xf32, #tpu.memory_space<vmem>>, vector<16xf32>,
      %max3A_303 = arith.maximumf %max3A_298, %get3A_302 : vector<16xf32>
      %add3A_304 = arith.constant 160 : i32
      %add3A_305 = arith.addi %mul3A_257, %add3A_304 : i32
      %get3A_306 = arith.index_cast %add3A_305 : i32 to index
      %get3A_307 = tpu.vector_load %arg8[%get3A_306] {strides = array<i32>} : memref<20000xf32, #tpu.memory_space<vmem>>, vector<16xf32>,
      %max3A_308 = arith.maximumf %max3A_303, %get3A_307 : vector<16xf32>
      %add3A_309 = arith.constant 176 : i32
      %add3A_310 = arith.addi %mul3A_257, %add3A_309 : i32
      %get3A_311 = arith.index_cast %add3A_310 : i32 to index
      %get3A_312 = tpu.vector_load %arg8[%get3A_311] {strides = array<i32>} : memref<20000xf32, #tpu.memory_space<vmem>>, vector<16xf32>,
      %max3A_313 = arith.maximumf %max3A_308, %get3A_312 : vector<16xf32>
      %add3A_314 = arith.constant 192 : i32
      %add3A_315 = arith.addi %mul3A_257, %add3A_314 : i32
      %get3A_316 = arith.index_cast %add3A_315 : i32 to index
      %get3A_317 = tpu.vector_load %arg8[%get3A_316] {strides = array<i32>} : memref<20000xf32, #tpu.memory_space<vmem>>, vector<16xf32>,
      %max3A_318 = arith.maximumf %max3A_313, %get3A_317 : vector<16xf32>
      %add3A_319 = arith.constant 208 : i32
      %add3A_320 = arith.addi %mul3A_257, %add3A_319 : i32
      %get3A_321 = arith.index_cast %add3A_320 : i32 to index
      %get3A_322 = tpu.vector_load %arg8[%get3A_321] {strides = array<i32>} : memref<20000xf32, #tpu.memory_space<vmem>>, vector<16xf32>,
      %max3A_323 = arith.maximumf %max3A_318, %get3A_322 : vector<16xf32>
      %add3A_324 = arith.constant 224 : i32
      %add3A_325 = arith.addi %mul3A_257, %add3A_324 : i32
      %get3A_326 = arith.index_cast %add3A_325 : i32 to index
      %get3A_327 = tpu.vector_load %arg8[%get3A_326] {strides = array<i32>} : memref<20000xf32, #tpu.memory_space<vmem>>, vector<16xf32>,
      %max3A_328 = arith.maximumf %max3A_323, %get3A_327 : vector<16xf32>
      %add3A_329 = arith.constant 240 : i32
      %add3A_330 = arith.addi %mul3A_257, %add3A_329 : i32
      %get3A_331 = arith.index_cast %add3A_330 : i32 to index
      %get3A_332 = tpu.vector_load %arg8[%get3A_331] {strides = array<i32>} : memref<20000xf32, #tpu.memory_space<vmem>>, vector<16xf32>,
      %max3A_333 = arith.maximumf %max3A_328, %get3A_332 : vector<16xf32>
      %add3A_334 = arith.constant 256 : i32
      %add3A_335 = arith.addi %mul3A_257, %add3A_334 : i32
      %get3A_336 = arith.index_cast %add3A_335 : i32 to index
      %get3A_337 = tpu.vector_load %arg8[%get3A_336] {strides = array<i32>} : memref<20000xf32, #tpu.memory_space<vmem>>, vector<16xf32>,
      %max3A_338 = arith.maximumf %max3A_333, %get3A_337 : vector<16xf32>
      %add3A_339 = arith.constant 272 : i32
      %add3A_340 = arith.addi %mul3A_257, %add3A_339 : i32
      %get3A_341 = arith.index_cast %add3A_340 : i32 to index
      %get3A_342 = tpu.vector_load %arg8[%get3A_341] {strides = array<i32>} : memref<20000xf32, #tpu.memory_space<vmem>>, vector<16xf32>,
      %max3A_343 = arith.maximumf %max3A_338, %get3A_342 : vector<16xf32>
      %add3A_344 = arith.constant 288 : i32
      %add3A_345 = arith.addi %mul3A_257, %add3A_344 : i32
      %get3A_346 = arith.index_cast %add3A_345 : i32 to index
      %get3A_347 = tpu.vector_load %arg8[%get3A_346] {strides = array<i32>} : memref<20000xf32, #tpu.memory_space<vmem>>, vector<16xf32>,
      %max3A_348 = arith.maximumf %max3A_343, %get3A_347 : vector<16xf32>
      %add3A_349 = arith.constant 304 : i32
      %add3A_350 = arith.addi %mul3A_257, %add3A_349 : i32
      %get3A_351 = arith.index_cast %add3A_350 : i32 to index
      %get3A_352 = tpu.vector_load %arg8[%get3A_351] {strides = array<i32>} : memref<20000xf32, #tpu.memory_space<vmem>>, vector<16xf32>,
      %max3A_353 = arith.maximumf %max3A_348, %get3A_352 : vector<16xf32>
      %add3A_354 = arith.constant 320 : i32
      %add3A_355 = arith.addi %mul3A_257, %add3A_354 : i32
      %get3A_356 = arith.index_cast %add3A_355 : i32 to index
      %get3A_357 = tpu.vector_load %arg8[%get3A_356] {strides = array<i32>} : memref<20000xf32, #tpu.memory_space<vmem>>, vector<16xf32>,
      %max3A_358 = arith.maximumf %max3A_353, %get3A_357 : vector<16xf32>
      %add3A_359 = arith.constant 336 : i32
      %add3A_360 = arith.addi %mul3A_257, %add3A_359 : i32
      %get3A_361 = arith.index_cast %add3A_360 : i32 to index
      %get3A_362 = tpu.vector_load %arg8[%get3A_361] {strides = array<i32>} : memref<20000xf32, #tpu.memory_space<vmem>>, vector<16xf32>,
      %max3A_363 = arith.maximumf %max3A_358, %get3A_362 : vector<16xf32>
      %add3A_364 = arith.constant 352 : i32
      %add3A_365 = arith.addi %mul3A_257, %add3A_364 : i32
      %get3A_366 = arith.index_cast %add3A_365 : i32 to index
      %get3A_367 = tpu.vector_load %arg8[%get3A_366] {strides = array<i32>} : memref<20000xf32, #tpu.memory_space<vmem>>, vector<16xf32>,
      %max3A_368 = arith.maximumf %max3A_363, %get3A_367 : vector<16xf32>
      %add3A_369 = arith.constant 368 : i32
      %add3A_370 = arith.addi %mul3A_257, %add3A_369 : i32
      %get3A_371 = arith.index_cast %add3A_370 : i32 to index
      %get3A_372 = tpu.vector_load %arg8[%get3A_371] {strides = array<i32>} : memref<20000xf32, #tpu.memory_space<vmem>>, vector<16xf32>,
      %max3A_373 = arith.maximumf %max3A_368, %get3A_372 : vector<16xf32>
      %add3A_374 = arith.constant 384 : i32
      %add3A_375 = arith.addi %mul3A_257, %add3A_374 : i32
      %get3A_376 = arith.index_cast %add3A_375 : i32 to index
      %get3A_377 = tpu.vector_load %arg8[%get3A_376] {strides = array<i32>} : memref<20000xf32, #tpu.memory_space<vmem>>, vector<16xf32>,
      %max3A_378 = arith.maximumf %max3A_373, %get3A_377 : vector<16xf32>
      %gt3A = arith.cmpf ogt, %max3A_378, %scan3A_255 : vector<16xf32>
      %reduce_or3A = arith.constant 1.000000e+00 : f32
      %reduce_or3A_379 = arith.constant 0.000000e+00 : f32
      %reduce_or3A_380 = vector.broadcast %reduce_or3A : f32 to vector<16xf32>
      %reduce_or3A_381 = vector.broadcast %reduce_or3A_379 : f32 to vector<16xf32>
      %reduce_or3A_382 = arith.select %gt3A, %reduce_or3A_380, %reduce_or3A_381 : vector<16xi1>, vector<16xf32>
      %reduce_or3A_383 = arith.constant true
      %reduce_or3A_384 = vector.broadcast %reduce_or3A_383 : i1 to vector<16xi1>
      %reduce_or3A_385 = tpu.scan <max>, %reduce_or3A_382 masked %reduce_or3A_384 : vector<16xf32>, vector<16xi1> -> vector<16xf32>
      %reduce_or3A_386 = vector.extract %reduce_or3A_385[15] : f32 from vector<16xf32>
      %reduce_or3A_387 = arith.constant 0.000000e+00 : f32
      %reduce_or3A_388 = arith.cmpf ogt, %reduce_or3A_386, %reduce_or3A_387 : f32
      %convert_element_type3A = arith.extui %reduce_or3A_388 : i1 to i32
      %cond3A = arith.constant 0 : i32
      %cond3A_389 = arith.cmpi ne, %convert_element_type3A, %cond3A : i32
      %cond3A_390:3 = scf.if %cond3A_389 -> (vector<16xf32>, vector<16xi32>, vector<16xf32>) {
        %scan3A_391 = arith.constant 0 : i32
        %scan3A_392 = arith.constant 25 : i32
        %scan3A_393 = arith.addi %scan3A_391, %scan3A_392 : i32
        %scan3A_394 = arith.constant 1 : i32
        %scan3A_395:3 = scf.for %scan3A_397 = %scan3A_391 to %scan3A_393 step %scan3A_394 iter_args(%scan3A_398 = %scan3A_253, %scan3A_399 = %scan3A_254, %scan3A_400 = %scan3A_255) -> (vector<16xf32>, vector<16xi32>, vector<16xf32>)  : i32 {
          %mul3A_401 = arith.constant 16 : i32
          %mul3A_402 = arith.muli %scan3A_397, %mul3A_401 : i32
          %add3A_403 = arith.addi %mul3A_257, %mul3A_402 : i32
          %get3A_404 = arith.index_cast %add3A_403 : i32 to index
          %get3A_405 = tpu.vector_load %arg8[%get3A_404] {strides = array<i32>} : memref<20000xf32, #tpu.memory_space<vmem>>, vector<16xf32>,
          %gt3A_406 = arith.cmpf ogt, %get3A_405, %scan3A_400 : vector<16xf32>
          %reduce_or3A_407 = arith.constant 1.000000e+00 : f32
          %reduce_or3A_408 = arith.constant 0.000000e+00 : f32
          %reduce_or3A_409 = vector.broadcast %reduce_or3A_407 : f32 to vector<16xf32>
          %reduce_or3A_410 = vector.broadcast %reduce_or3A_408 : f32 to vector<16xf32>
          %reduce_or3A_411 = arith.select %gt3A_406, %reduce_or3A_409, %reduce_or3A_410 : vector<16xi1>, vector<16xf32>
          %reduce_or3A_412 = arith.constant true
          %reduce_or3A_413 = vector.broadcast %reduce_or3A_412 : i1 to vector<16xi1>
          %reduce_or3A_414 = tpu.scan <max>, %reduce_or3A_411 masked %reduce_or3A_413 : vector<16xf32>, vector<16xi1> -> vector<16xf32>
          %reduce_or3A_415 = vector.extract %reduce_or3A_414[15] : f32 from vector<16xf32>
          %reduce_or3A_416 = arith.constant 0.000000e+00 : f32
          %reduce_or3A_417 = arith.cmpf ogt, %reduce_or3A_415, %reduce_or3A_416 : f32
          %convert_element_type3A_418 = arith.extui %reduce_or3A_417 : i1 to i32
          %cond3A_419 = arith.constant 0 : i32
          %cond3A_420 = arith.cmpi ne, %convert_element_type3A_418, %cond3A_419 : i32
          %cond3A_421:3 = scf.if %cond3A_420 -> (vector<16xf32>, vector<16xi32>, vector<16xf32>) {
            %add3A_422 = arith.addf %get3A_405, %get3A_48 : vector<16xf32>
            %add3A_423 = arith.constant 380000 : i32
            %add3A_424 = arith.addi %add3A_423, %add3A_403 : i32
            %add3A_425 = vector.broadcast %add3A_424 : i32 to vector<16xi32>
            %add3A_426 = arith.addi %iota3A, %add3A_425 : vector<16xi32>
            %masked_sort3A = arith.constant dense<true> : vector<16xi1>
            %masked_sort3A_427, %masked_sort3A_428, %masked_sort3A_429 = tpu.sort %add3A_422, %add3A_426 masked %masked_sort3A {descending = true} : (vector<16xf32>, vector<16xi32>, vector<16xi1>) -> (vector<16xi1>, vector<16xf32>, vector<16xi32>)
            %gt3A_430 = arith.cmpf ogt, %scan3A_398, %masked_sort3A_428 : vector<16xf32>
            %eq3A_431 = arith.cmpf oeq, %scan3A_398, %masked_sort3A_428 : vector<16xf32>
            %lt3A_432 = arith.cmpi slt, %scan3A_399, %masked_sort3A_429 : vector<16xi32>
            %and3A_433 = arith.andi %eq3A_431, %lt3A_432 : vector<16xi1>
            %or3A = arith.ori %gt3A_430, %and3A_433 : vector<16xi1>
            %max3A_434 = arith.maximumf %scan3A_398, %masked_sort3A_428 : vector<16xf32>
            %select_n3A_435 = arith.select %or3A, %scan3A_399, %masked_sort3A_429 : vector<16xi1>, vector<16xi32>
            %masked_sort3A_436 = arith.constant dense<true> : vector<16xi1>
            %masked_sort3A_437, %masked_sort3A_438, %masked_sort3A_439 = tpu.sort %max3A_434, %select_n3A_435 masked %masked_sort3A_436 : (vector<16xf32>, vector<16xi32>, vector<16xi1>) -> (vector<16xi1>, vector<16xf32>, vector<16xi32>)
            %slice3A_440 = vector.extract_strided_slice %masked_sort3A_438 {offsets = [0], sizes = [1], strides = [1]} : vector<16xf32> to vector<1xf32>
            %squeeze3A_441 = vector.extract %slice3A_440[0] : f32 from vector<1xf32>
            %broadcast_in_dim3A_442 = vector.broadcast %squeeze3A_441 : f32 to vector<16xf32>
            %sub3A_443 = arith.subf %broadcast_in_dim3A_442, %get3A_48 : vector<16xf32>
            scf.yield %masked_sort3A_438, %masked_sort3A_439, %sub3A_443 : vector<16xf32>, vector<16xi32>, vector<16xf32>
          } else {
            scf.yield %scan3A_398, %scan3A_399, %scan3A_400 : vector<16xf32>, vector<16xi32>, vector<16xf32>
          }
          scf.yield %cond3A_421#0, %cond3A_421#1, %cond3A_421#2 : vector<16xf32>, vector<16xi32>, vector<16xf32>
        }
        %scan3A_396 = arith.constant 25 : i32
        scf.yield %scan3A_395#0, %scan3A_395#1, %scan3A_395#2 : vector<16xf32>, vector<16xi32>, vector<16xf32>
      } else {
        scf.yield %scan3A_253, %scan3A_254, %scan3A_255 : vector<16xf32>, vector<16xi32>, vector<16xf32>
      }
      scf.yield %cond3A_390#0, %cond3A_390#1, %cond3A_390#2 : vector<16xf32>, vector<16xi32>, vector<16xf32>
    }
    %scan3A_58 = arith.constant 50 : i32
    %rev3A = arith.constant 15 : i32
    %rev3A_59 = vector.broadcast %rev3A : i32 to vector<16xi32>
    %rev3A_60 = tpu.iota {dimensions = array<i32: 0>} : vector<16xi32>
    %rev3A_61 = arith.subi %rev3A_59, %rev3A_60 : vector<16xi32>
    %rev3A_62 = tpu.dynamic_gather %scan3A_57#0[%rev3A_61] in [0] : vector<16xf32>, vector<16xi32> -> vector<16xf32>
    %rev3A_63 = arith.constant 15 : i32
    %rev3A_64 = vector.broadcast %rev3A_63 : i32 to vector<16xi32>
    %rev3A_65 = tpu.iota {dimensions = array<i32: 0>} : vector<16xi32>
    %rev3A_66 = arith.subi %rev3A_64, %rev3A_65 : vector<16xi32>
    %rev3A_67 = tpu.dynamic_gather %scan3A_57#1[%rev3A_66] in [0] : vector<16xi32>, vector<16xi32> -> vector<16xi32>
    %swap3A = arith.constant 0 : index
    %swap3A_68 = tpu.vector_load %arg10[%swap3A] {strides = array<i32>} : memref<16xf32, #tpu.memory_space<vmem>>, vector<16xf32>,
    tpu.vector_store %arg10[%swap3A], %rev3A_62 {strides = array<i32>} : memref<16xf32, #tpu.memory_space<vmem>>, vector<16xf32>,
    %jit3A = arith.constant 100000 : i32
    %eq3A = arith.constant 0 : i32
    %eq3A_69 = arith.cmpi eq, %jit3A, %eq3A : i32
    %jit3A_70 = arith.constant 1 : i32
    %select_n3A = arith.select %eq3A_69, %jit3A_70, %jit3A : i32
    %rem3A = vector.broadcast %select_n3A : i32 to vector<16xi32>
    %rem3A_71 = arith.remsi %rev3A_67, %rem3A : vector<16xi32>
    %ne3A = arith.constant 0 : i32
    %ne3A_72 = vector.broadcast %ne3A : i32 to vector<16xi32>
    %ne3A_73 = arith.cmpi ne, %rem3A_71, %ne3A_72 : vector<16xi32>
    %lt3A = arith.constant 0 : i32
    %lt3A_74 = vector.broadcast %lt3A : i32 to vector<16xi32>
    %lt3A_75 = arith.cmpi slt, %rem3A_71, %lt3A_74 : vector<16xi32>
    %lt3A_76 = arith.constant 0 : i32
    %lt3A_77 = arith.cmpi slt, %select_n3A, %lt3A_76 : i32
    %ne3A_78 = vector.broadcast %lt3A_77 : i1 to vector<16xi1>
    %ne3A_79 = vector.broadcast %ne3A_78 : vector<16xi1> to vector<16xi1>
    %ne3A_80 = arith.xori %lt3A_75, %ne3A_79 : vector<16xi1>
    %and3A = arith.andi %ne3A_80, %ne3A_73 : vector<16xi1>
    %add3A_81 = vector.broadcast %select_n3A : i32 to vector<16xi32>
    %add3A_82 = arith.addi %rem3A_71, %add3A_81 : vector<16xi32>
    %select_n3A_83 = arith.select %and3A, %add3A_82, %rem3A_71 : vector<16xi1>, vector<16xi32>
    %swap3A_84 = arith.constant 0 : index
    %swap3A_85 = tpu.vector_load %arg11[%swap3A_84] {strides = array<i32>} : memref<16xi32, #tpu.memory_space<vmem>>, vector<16xi32>,
    tpu.vector_store %arg11[%swap3A_84], %select_n3A_83 {strides = array<i32>} : memref<16xi32, #tpu.memory_space<vmem>>, vector<16xi32>,
    %jit3A_86 = arith.constant 100000 : i32
    %div3A = vector.broadcast %jit3A_86 : i32 to vector<16xi32>
    %div3A_87 = arith.divsi %rev3A_67, %div3A : vector<16xi32>
    %sign3A = arith.constant 0 : i32
    %sign3A_88 = vector.broadcast %sign3A : i32 to vector<16xi32>
    %sign3A_89 = arith.cmpi sgt, %rev3A_67, %sign3A_88 : vector<16xi32>
    %sign3A_90 = arith.extui %sign3A_89 : vector<16xi1> to vector<16xi32>
    %sign3A_91 = arith.constant 0 : i32
    %sign3A_92 = vector.broadcast %sign3A_91 : i32 to vector<16xi32>
    %sign3A_93 = arith.cmpi slt, %rev3A_67, %sign3A_92 : vector<16xi32>
    %sign3A_94 = arith.extui %sign3A_93 : vector<16xi1> to vector<16xi32>
    %sign3A_95 = arith.subi %sign3A_90, %sign3A_94 : vector<16xi32>
    %sign3A_96 = arith.constant 0 : i32
    %sign3A_97 = arith.cmpi sgt, %jit3A_86, %sign3A_96 : i32
    %sign3A_98 = arith.extui %sign3A_97 : i1 to i32
    %sign3A_99 = arith.constant 0 : i32
    %sign3A_100 = arith.cmpi slt, %jit3A_86, %sign3A_99 : i32
    %sign3A_101 = arith.extui %sign3A_100 : i1 to i32
    %sign3A_102 = arith.subi %sign3A_98, %sign3A_101 : i32
    %ne3A_103 = vector.broadcast %sign3A_102 : i32 to vector<16xi32>
    %ne3A_104 = arith.cmpi ne, %sign3A_95, %ne3A_103 : vector<16xi32>
    %rem3A_105 = vector.broadcast %jit3A_86 : i32 to vector<16xi32>
    %rem3A_106 = arith.remsi %rev3A_67, %rem3A_105 : vector<16xi32>
    %ne3A_107 = arith.constant 0 : i32
    %ne3A_108 = vector.broadcast %ne3A_107 : i32 to vector<16xi32>
    %ne3A_109 = arith.cmpi ne, %rem3A_106, %ne3A_108 : vector<16xi32>
    %and3A_110 = arith.andi %ne3A_104, %ne3A_109 : vector<16xi1>
    %sub3A_111 = arith.constant 1 : i32
    %sub3A_112 = vector.broadcast %sub3A_111 : i32 to vector<16xi32>
    %sub3A_113 = arith.subi %div3A_87, %sub3A_112 : vector<16xi32>
    %select_n3A_114 = arith.select %and3A_110, %sub3A_113, %div3A_87 : vector<16xi1>, vector<16xi32>
    %swap3A_115 = arith.constant 0 : index
    %swap3A_116 = tpu.vector_load %arg12[%swap3A_115] {strides = array<i32>} : memref<16xi32, #tpu.memory_space<vmem>>, vector<16xi32>,
    tpu.vector_store %arg12[%swap3A_115], %select_n3A_114 {strides = array<i32>} : memref<16xi32, #tpu.memory_space<vmem>>, vector<16xi32>,
    "tpu.region"() ({
      %run_scoped3A = tpu.sem_alloc : memref<!tpu.dma_semaphore, #tpu.memory_space<semaphore_mem>>
      %dma_start3A_252 = arith.constant 0 : i32
      %dma_start3A_253 = tpu.memref_slice %arg4[%add3A_4, %dma_start3A_252] : memref<64x16xf32, #tpu.memory_space<hbm>> -> memref<1x16xf32, #tpu.memory_space<hbm>>
      %dma_start3A_254 = tpu.memref_squeeze %dma_start3A_253 : memref<1x16xf32, #tpu.memory_space<hbm>> -> memref<16xf32, #tpu.memory_space<hbm>>
      %dma_start3A_255 = arith.constant 0 : i32
      %dma_start3A_256 = tpu.memref_slice %arg4[%add3A_4, %dma_start3A_255] : memref<64x16xf32, #tpu.memory_space<hbm>> -> memref<1x16xf32, #tpu.memory_space<hbm>>
      %dma_start3A_257 = tpu.memref_squeeze %dma_start3A_256 : memref<1x16xf32, #tpu.memory_space<hbm>> -> memref<16xf32, #tpu.memory_space<hbm>>
      tpu.enqueue_dma source(%arg10 : memref<16xf32, #tpu.memory_space<vmem>>) target(%dma_start3A_257 : memref<16xf32, #tpu.memory_space<hbm>>) target_semaphore(%run_scoped3A : memref<!tpu.dma_semaphore, #tpu.memory_space<semaphore_mem>>)
      %dma_wait3A_258 = arith.constant 0 : i32
      %dma_wait3A_259 = tpu.memref_slice %arg4[%add3A_4, %dma_wait3A_258] : memref<64x16xf32, #tpu.memory_space<hbm>> -> memref<1x16xf32, #tpu.memory_space<hbm>>
      %dma_wait3A_260 = tpu.memref_squeeze %dma_wait3A_259 : memref<1x16xf32, #tpu.memory_space<hbm>> -> memref<16xf32, #tpu.memory_space<hbm>>
      %dma_wait3A_261 = arith.constant 0 : i32
      %dma_wait3A_262 = tpu.memref_slice %arg4[%add3A_4, %dma_wait3A_261] : memref<64x16xf32, #tpu.memory_space<hbm>> -> memref<1x16xf32, #tpu.memory_space<hbm>>
      %dma_wait3A_263 = tpu.memref_squeeze %dma_wait3A_262 : memref<1x16xf32, #tpu.memory_space<hbm>> -> memref<16xf32, #tpu.memory_space<hbm>>
      tpu.wait_dma2 semaphore(%run_scoped3A : memref<!tpu.dma_semaphore, #tpu.memory_space<semaphore_mem>>) src(%arg10 : memref<16xf32, #tpu.memory_space<vmem>>) dst(%dma_wait3A_263 : memref<16xf32, #tpu.memory_space<hbm>>)
      tpu.yield
    }) : () -> ()
    "tpu.region"() ({
      %run_scoped3A = tpu.sem_alloc : memref<!tpu.dma_semaphore, #tpu.memory_space<semaphore_mem>>
      %dma_start3A_252 = arith.constant 0 : i32
      %dma_start3A_253 = tpu.memref_slice %arg5[%add3A_4, %dma_start3A_252] : memref<64x16xi32, #tpu.memory_space<hbm>> -> memref<1x16xi32, #tpu.memory_space<hbm>>
      %dma_start3A_254 = tpu.memref_squeeze %dma_start3A_253 : memref<1x16xi32, #tpu.memory_space<hbm>> -> memref<16xi32, #tpu.memory_space<hbm>>
      %dma_start3A_255 = arith.constant 0 : i32
      %dma_start3A_256 = tpu.memref_slice %arg5[%add3A_4, %dma_start3A_255] : memref<64x16xi32, #tpu.memory_space<hbm>> -> memref<1x16xi32, #tpu.memory_space<hbm>>
      %dma_start3A_257 = tpu.memref_squeeze %dma_start3A_256 : memref<1x16xi32, #tpu.memory_space<hbm>> -> memref<16xi32, #tpu.memory_space<hbm>>
      tpu.enqueue_dma source(%arg11 : memref<16xi32, #tpu.memory_space<vmem>>) target(%dma_start3A_257 : memref<16xi32, #tpu.memory_space<hbm>>) target_semaphore(%run_scoped3A : memref<!tpu.dma_semaphore, #tpu.memory_space<semaphore_mem>>)
      %dma_wait3A_258 = arith.constant 0 : i32
      %dma_wait3A_259 = tpu.memref_slice %arg5[%add3A_4, %dma_wait3A_258] : memref<64x16xi32, #tpu.memory_space<hbm>> -> memref<1x16xi32, #tpu.memory_space<hbm>>
      %dma_wait3A_260 = tpu.memref_squeeze %dma_wait3A_259 : memref<1x16xi32, #tpu.memory_space<hbm>> -> memref<16xi32, #tpu.memory_space<hbm>>
      %dma_wait3A_261 = arith.constant 0 : i32
      %dma_wait3A_262 = tpu.memref_slice %arg5[%add3A_4, %dma_wait3A_261] : memref<64x16xi32, #tpu.memory_space<hbm>> -> memref<1x16xi32, #tpu.memory_space<hbm>>
      %dma_wait3A_263 = tpu.memref_squeeze %dma_wait3A_262 : memref<1x16xi32, #tpu.memory_space<hbm>> -> memref<16xi32, #tpu.memory_space<hbm>>
      tpu.wait_dma2 semaphore(%run_scoped3A : memref<!tpu.dma_semaphore, #tpu.memory_space<semaphore_mem>>) src(%arg11 : memref<16xi32, #tpu.memory_space<vmem>>) dst(%dma_wait3A_263 : memref<16xi32, #tpu.memory_space<hbm>>)
      tpu.yield
    }) : () -> ()
    "tpu.region"() ({
      %run_scoped3A = tpu.sem_alloc : memref<!tpu.dma_semaphore, #tpu.memory_space<semaphore_mem>>
      %dma_start3A_252 = arith.constant 0 : i32
      %dma_start3A_253 = tpu.memref_slice %arg6[%add3A_4, %dma_start3A_252] : memref<64x16xi32, #tpu.memory_space<hbm>> -> memref<1x16xi32, #tpu.memory_space<hbm>>
      %dma_start3A_254 = tpu.memref_squeeze %dma_start3A_253 : memref<1x16xi32, #tpu.memory_space<hbm>> -> memref<16xi32, #tpu.memory_space<hbm>>
      %dma_start3A_255 = arith.constant 0 : i32
      %dma_start3A_256 = tpu.memref_slice %arg6[%add3A_4, %dma_start3A_255] : memref<64x16xi32, #tpu.memory_space<hbm>> -> memref<1x16xi32, #tpu.memory_space<hbm>>
      %dma_start3A_257 = tpu.memref_squeeze %dma_start3A_256 : memref<1x16xi32, #tpu.memory_space<hbm>> -> memref<16xi32, #tpu.memory_space<hbm>>
      tpu.enqueue_dma source(%arg12 : memref<16xi32, #tpu.memory_space<vmem>>) target(%dma_start3A_257 : memref<16xi32, #tpu.memory_space<hbm>>) target_semaphore(%run_scoped3A : memref<!tpu.dma_semaphore, #tpu.memory_space<semaphore_mem>>)
      %dma_wait3A_258 = arith.constant 0 : i32
      %dma_wait3A_259 = tpu.memref_slice %arg6[%add3A_4, %dma_wait3A_258] : memref<64x16xi32, #tpu.memory_space<hbm>> -> memref<1x16xi32, #tpu.memory_space<hbm>>
      %dma_wait3A_260 = tpu.memref_squeeze %dma_wait3A_259 : memref<1x16xi32, #tpu.memory_space<hbm>> -> memref<16xi32, #tpu.memory_space<hbm>>
      %dma_wait3A_261 = arith.constant 0 : i32
      %dma_wait3A_262 = tpu.memref_slice %arg6[%add3A_4, %dma_wait3A_261] : memref<64x16xi32, #tpu.memory_space<hbm>> -> memref<1x16xi32, #tpu.memory_space<hbm>>
      %dma_wait3A_263 = tpu.memref_squeeze %dma_wait3A_262 : memref<1x16xi32, #tpu.memory_space<hbm>> -> memref<16xi32, #tpu.memory_space<hbm>>
      tpu.wait_dma2 semaphore(%run_scoped3A : memref<!tpu.dma_semaphore, #tpu.memory_space<semaphore_mem>>) src(%arg12 : memref<16xi32, #tpu.memory_space<vmem>>) dst(%dma_wait3A_263 : memref<16xi32, #tpu.memory_space<hbm>>)
      tpu.yield
    }) : () -> ()
    %mul3A_117 = arith.constant 2 : i32
    %mul3A_118 = arith.muli %add3A, %mul3A_117 : i32
    %add3A_119 = arith.constant 1 : i32
    %add3A_120 = arith.addi %mul3A_118, %add3A_119 : i32
    "tpu.region"() ({
      %run_scoped3A = tpu.sem_alloc : memref<!tpu.dma_semaphore, #tpu.memory_space<semaphore_mem>>
      %dma_start3A_252 = arith.constant 0 : i32
      %dma_start3A_253 = arith.constant 0 : i32
      %dma_start3A_254 = tpu.memref_slice %arg3[%add3A_120, %dma_start3A_252, %dma_start3A_253] : memref<64x4x16xf32, #tpu.memory_space<hbm>> -> memref<1x4x16xf32, #tpu.memory_space<hbm>>
      %dma_start3A_255 = tpu.memref_squeeze %dma_start3A_254 : memref<1x4x16xf32, #tpu.memory_space<hbm>> -> memref<4x16xf32, #tpu.memory_space<hbm>>
      %dma_start3A_256 = arith.constant 0 : i32
      %dma_start3A_257 = arith.constant 0 : i32
      %dma_start3A_258 = tpu.memref_slice %arg3[%add3A_120, %dma_start3A_256, %dma_start3A_257] : memref<64x4x16xf32, #tpu.memory_space<hbm>> -> memref<1x4x16xf32, #tpu.memory_space<hbm>>
      %dma_start3A_259 = tpu.memref_squeeze %dma_start3A_258 : memref<1x4x16xf32, #tpu.memory_space<hbm>> -> memref<4x16xf32, #tpu.memory_space<hbm>>
      tpu.enqueue_dma source(%dma_start3A_259 : memref<4x16xf32, #tpu.memory_space<hbm>>) target(%arg9 : memref<4x16xf32, #tpu.memory_space<vmem>>) target_semaphore(%run_scoped3A : memref<!tpu.dma_semaphore, #tpu.memory_space<semaphore_mem>>)
      %dma_wait3A_260 = arith.constant 0 : i32
      %dma_wait3A_261 = arith.constant 0 : i32
      %dma_wait3A_262 = tpu.memref_slice %arg3[%add3A_120, %dma_wait3A_260, %dma_wait3A_261] : memref<64x4x16xf32, #tpu.memory_space<hbm>> -> memref<1x4x16xf32, #tpu.memory_space<hbm>>
      %dma_wait3A_263 = tpu.memref_squeeze %dma_wait3A_262 : memref<1x4x16xf32, #tpu.memory_space<hbm>> -> memref<4x16xf32, #tpu.memory_space<hbm>>
      %dma_wait3A_264 = arith.constant 0 : i32
      %dma_wait3A_265 = arith.constant 0 : i32
      %dma_wait3A_266 = tpu.memref_slice %arg3[%add3A_120, %dma_wait3A_264, %dma_wait3A_265] : memref<64x4x16xf32, #tpu.memory_space<hbm>> -> memref<1x4x16xf32, #tpu.memory_space<hbm>>
      %dma_wait3A_267 = tpu.memref_squeeze %dma_wait3A_266 : memref<1x4x16xf32, #tpu.memory_space<hbm>> -> memref<4x16xf32, #tpu.memory_space<hbm>>
      tpu.wait_dma2 semaphore(%run_scoped3A : memref<!tpu.dma_semaphore, #tpu.memory_space<semaphore_mem>>) src(%dma_wait3A_267 : memref<4x16xf32, #tpu.memory_space<hbm>>) dst(%arg9 : memref<4x16xf32, #tpu.memory_space<vmem>>)
      tpu.yield
    }) : () -> ()
    %broadcast_in_dim3A_121 = arith.constant 0xFF800000 : f32
    %broadcast_in_dim3A_122 = vector.broadcast %broadcast_in_dim3A_121 : f32 to vector<16xf32>
    %broadcast_in_dim3A_123 = arith.constant 0 : i32
    %broadcast_in_dim3A_124 = vector.broadcast %broadcast_in_dim3A_123 : i32 to vector<16xi32>
    %dma_start3A_125 = arith.constant 0 : i32
    %dma_start3A_126 = tpu.memref_slice %arg2[%add3A_120, %dma_start3A_125] : memref<64x400000xf32, #tpu.memory_space<hbm>> -> memref<1x20000xf32, #tpu.memory_space<hbm>>
    %dma_start3A_127 = tpu.memref_squeeze %dma_start3A_126 : memref<1x20000xf32, #tpu.memory_space<hbm>> -> memref<20000xf32, #tpu.memory_space<hbm>>
    %dma_start3A_128 = arith.constant 0 : i32
    %dma_start3A_129 = tpu.memref_slice %arg2[%add3A_120, %dma_start3A_128] : memref<64x400000xf32, #tpu.memory_space<hbm>> -> memref<1x20000xf32, #tpu.memory_space<hbm>>
    %dma_start3A_130 = tpu.memref_squeeze %dma_start3A_129 : memref<1x20000xf32, #tpu.memory_space<hbm>> -> memref<20000xf32, #tpu.memory_space<hbm>>
    tpu.enqueue_dma source(%dma_start3A_130 : memref<20000xf32, #tpu.memory_space<hbm>>) target(%arg7 : memref<20000xf32, #tpu.memory_space<vmem>>) target_semaphore(%arg13 : memref<!tpu.dma_semaphore, #tpu.memory_space<semaphore_mem>>)
    %dma_start3A_131 = arith.constant 20000 : i32
    %dma_start3A_132 = tpu.memref_slice %arg2[%add3A_120, %dma_start3A_131] : memref<64x400000xf32, #tpu.memory_space<hbm>> -> memref<1x20000xf32, #tpu.memory_space<hbm>>
    %dma_start3A_133 = tpu.memref_squeeze %dma_start3A_132 : memref<1x20000xf32, #tpu.memory_space<hbm>> -> memref<20000xf32, #tpu.memory_space<hbm>>
    %dma_start3A_134 = arith.constant 20000 : i32
    %dma_start3A_135 = tpu.memref_slice %arg2[%add3A_120, %dma_start3A_134] : memref<64x400000xf32, #tpu.memory_space<hbm>> -> memref<1x20000xf32, #tpu.memory_space<hbm>>
    %dma_start3A_136 = tpu.memref_squeeze %dma_start3A_135 : memref<1x20000xf32, #tpu.memory_space<hbm>> -> memref<20000xf32, #tpu.memory_space<hbm>>
    tpu.enqueue_dma source(%dma_start3A_136 : memref<20000xf32, #tpu.memory_space<hbm>>) target(%arg8 : memref<20000xf32, #tpu.memory_space<vmem>>) target_semaphore(%arg14 : memref<!tpu.dma_semaphore, #tpu.memory_space<semaphore_mem>>)
    %scan3A_137 = arith.constant 0 : i32
    %scan3A_138 = arith.constant 9 : i32
    %scan3A_139 = arith.addi %scan3A_137, %scan3A_138 : i32
    %scan3A_140 = arith.constant 1 : i32
    %scan3A_141:2 = scf.for %scan3A_252 = %scan3A_137 to %scan3A_139 step %scan3A_140 iter_args(%scan3A_253 = %broadcast_in_dim3A_122, %scan3A_254 = %broadcast_in_dim3A_124) -> (vector<16xf32>, vector<16xi32>)  : i32 {
      %mul3A_255 = arith.constant 2 : i32
      %mul3A_256 = arith.muli %mul3A_255, %scan3A_252 : i32
      %dma_wait3A_257 = arith.constant 0 : i32
      %dma_wait3A_258 = tpu.memref_slice %arg2[%add3A_120, %dma_wait3A_257] : memref<64x400000xf32, #tpu.memory_space<hbm>> -> memref<1x20000xf32, #tpu.memory_space<hbm>>
      %dma_wait3A_259 = tpu.memref_squeeze %dma_wait3A_258 : memref<1x20000xf32, #tpu.memory_space<hbm>> -> memref<20000xf32, #tpu.memory_space<hbm>>
      %dma_wait3A_260 = arith.constant 0 : i32
      %dma_wait3A_261 = tpu.memref_slice %arg2[%add3A_120, %dma_wait3A_260] : memref<64x400000xf32, #tpu.memory_space<hbm>> -> memref<1x20000xf32, #tpu.memory_space<hbm>>
      %dma_wait3A_262 = tpu.memref_squeeze %dma_wait3A_261 : memref<1x20000xf32, #tpu.memory_space<hbm>> -> memref<20000xf32, #tpu.memory_space<hbm>>
      tpu.wait_dma2 semaphore(%arg13 : memref<!tpu.dma_semaphore, #tpu.memory_space<semaphore_mem>>) src(%dma_wait3A_262 : memref<20000xf32, #tpu.memory_space<hbm>>) dst(%arg7 : memref<20000xf32, #tpu.memory_space<vmem>>)
      %jit3A_263 = arith.constant 5 : i32
      %div3A_264 = arith.divsi %mul3A_256, %jit3A_263 : i32
      %sign3A_265 = arith.constant 0 : i32
      %sign3A_266 = arith.cmpi sgt, %mul3A_256, %sign3A_265 : i32
      %sign3A_267 = arith.extui %sign3A_266 : i1 to i32
      %sign3A_268 = arith.constant 0 : i32
      %sign3A_269 = arith.cmpi slt, %mul3A_256, %sign3A_268 : i32
      %sign3A_270 = arith.extui %sign3A_269 : i1 to i32
      %sign3A_271 = arith.subi %sign3A_267, %sign3A_270 : i32
      %sign3A_272 = arith.constant 0 : i32
      %sign3A_273 = arith.cmpi sgt, %jit3A_263, %sign3A_272 : i32
      %sign3A_274 = arith.extui %sign3A_273 : i1 to i32
      %sign3A_275 = arith.constant 0 : i32
      %sign3A_276 = arith.cmpi slt, %jit3A_263, %sign3A_275 : i32
      %sign3A_277 = arith.extui %sign3A_276 : i1 to i32
      %sign3A_278 = arith.subi %sign3A_274, %sign3A_277 : i32
      %ne3A_279 = arith.cmpi ne, %sign3A_271, %sign3A_278 : i32
      %rem3A_280 = arith.remsi %mul3A_256, %jit3A_263 : i32
      %ne3A_281 = arith.constant 0 : i32
      %ne3A_282 = arith.cmpi ne, %rem3A_280, %ne3A_281 : i32
      %and3A_283 = arith.andi %ne3A_279, %ne3A_282 : i1
      %sub3A_284 = arith.constant 1 : i32
      %sub3A_285 = arith.subi %div3A_264, %sub3A_284 : i32
      %select_n3A_286 = arith.select %and3A_283, %sub3A_285, %div3A_264 : i32
      %get3A_287 = arith.index_cast %select_n3A_286 : i32 to index
      %get3A_288 = arith.constant 0 : index
      %get3A_289 = tpu.vector_load %arg9[%get3A_287, %get3A_288] {strides = array<i32>} : memref<4x16xf32, #tpu.memory_space<vmem>>, vector<16xf32>,
      %mul3A_290 = arith.constant 20000 : i32
      %mul3A_291 = arith.muli %mul3A_256, %mul3A_290 : i32
      %slice3A_292 = vector.extract_strided_slice %scan3A_253 {offsets = [0], sizes = [1], strides = [1]} : vector<16xf32> to vector<1xf32>
      %squeeze3A_293 = vector.extract %slice3A_292[0] : f32 from vector<1xf32>
      %broadcast_in_dim3A_294 = vector.broadcast %squeeze3A_293 : f32 to vector<16xf32>
      %sub3A_295 = arith.subf %broadcast_in_dim3A_294, %get3A_289 : vector<16xf32>
      %scan3A_296 = arith.constant 0 : i32
      %scan3A_297 = arith.constant 50 : i32
      %scan3A_298 = arith.addi %scan3A_296, %scan3A_297 : i32
      %scan3A_299 = arith.constant 1 : i32
      %scan3A_300:3 = scf.for %scan3A_367 = %scan3A_296 to %scan3A_298 step %scan3A_299 iter_args(%scan3A_368 = %scan3A_253, %scan3A_369 = %scan3A_254, %scan3A_370 = %sub3A_295) -> (vector<16xf32>, vector<16xi32>, vector<16xf32>)  : i32 {
        %mul3A_371 = arith.constant 400 : i32
        %mul3A_372 = arith.muli %scan3A_367, %mul3A_371 : i32
        %get3A_373 = arith.index_cast %mul3A_372 : i32 to index
        %get3A_374 = tpu.vector_load %arg7[%get3A_373] {strides = array<i32>} : memref<20000xf32, #tpu.memory_space<vmem>>, vector<16xf32>,
        %add3A_375 = arith.constant 16 : i32
        %add3A_376 = arith.addi %mul3A_372, %add3A_375 : i32
        %get3A_377 = arith.index_cast %add3A_376 : i32 to index
        %get3A_378 = tpu.vector_load %arg7[%get3A_377] {strides = array<i32>} : memref<20000xf32, #tpu.memory_space<vmem>>, vector<16xf32>,
        %max3A = arith.maximumf %get3A_374, %get3A_378 : vector<16xf32>
        %add3A_379 = arith.constant 32 : i32
        %add3A_380 = arith.addi %mul3A_372, %add3A_379 : i32
        %get3A_381 = arith.index_cast %add3A_380 : i32 to index
        %get3A_382 = tpu.vector_load %arg7[%get3A_381] {strides = array<i32>} : memref<20000xf32, #tpu.memory_space<vmem>>, vector<16xf32>,
        %max3A_383 = arith.maximumf %max3A, %get3A_382 : vector<16xf32>
        %add3A_384 = arith.constant 48 : i32
        %add3A_385 = arith.addi %mul3A_372, %add3A_384 : i32
        %get3A_386 = arith.index_cast %add3A_385 : i32 to index
        %get3A_387 = tpu.vector_load %arg7[%get3A_386] {strides = array<i32>} : memref<20000xf32, #tpu.memory_space<vmem>>, vector<16xf32>,
        %max3A_388 = arith.maximumf %max3A_383, %get3A_387 : vector<16xf32>
        %add3A_389 = arith.constant 64 : i32
        %add3A_390 = arith.addi %mul3A_372, %add3A_389 : i32
        %get3A_391 = arith.index_cast %add3A_390 : i32 to index
        %get3A_392 = tpu.vector_load %arg7[%get3A_391] {strides = array<i32>} : memref<20000xf32, #tpu.memory_space<vmem>>, vector<16xf32>,
        %max3A_393 = arith.maximumf %max3A_388, %get3A_392 : vector<16xf32>
        %add3A_394 = arith.constant 80 : i32
        %add3A_395 = arith.addi %mul3A_372, %add3A_394 : i32
        %get3A_396 = arith.index_cast %add3A_395 : i32 to index
        %get3A_397 = tpu.vector_load %arg7[%get3A_396] {strides = array<i32>} : memref<20000xf32, #tpu.memory_space<vmem>>, vector<16xf32>,
        %max3A_398 = arith.maximumf %max3A_393, %get3A_397 : vector<16xf32>
        %add3A_399 = arith.constant 96 : i32
        %add3A_400 = arith.addi %mul3A_372, %add3A_399 : i32
        %get3A_401 = arith.index_cast %add3A_400 : i32 to index
        %get3A_402 = tpu.vector_load %arg7[%get3A_401] {strides = array<i32>} : memref<20000xf32, #tpu.memory_space<vmem>>, vector<16xf32>,
        %max3A_403 = arith.maximumf %max3A_398, %get3A_402 : vector<16xf32>
        %add3A_404 = arith.constant 112 : i32
        %add3A_405 = arith.addi %mul3A_372, %add3A_404 : i32
        %get3A_406 = arith.index_cast %add3A_405 : i32 to index
        %get3A_407 = tpu.vector_load %arg7[%get3A_406] {strides = array<i32>} : memref<20000xf32, #tpu.memory_space<vmem>>, vector<16xf32>,
        %max3A_408 = arith.maximumf %max3A_403, %get3A_407 : vector<16xf32>
        %add3A_409 = arith.constant 128 : i32
        %add3A_410 = arith.addi %mul3A_372, %add3A_409 : i32
        %get3A_411 = arith.index_cast %add3A_410 : i32 to index
        %get3A_412 = tpu.vector_load %arg7[%get3A_411] {strides = array<i32>} : memref<20000xf32, #tpu.memory_space<vmem>>, vector<16xf32>,
        %max3A_413 = arith.maximumf %max3A_408, %get3A_412 : vector<16xf32>
        %add3A_414 = arith.constant 144 : i32
        %add3A_415 = arith.addi %mul3A_372, %add3A_414 : i32
        %get3A_416 = arith.index_cast %add3A_415 : i32 to index
        %get3A_417 = tpu.vector_load %arg7[%get3A_416] {strides = array<i32>} : memref<20000xf32, #tpu.memory_space<vmem>>, vector<16xf32>,
        %max3A_418 = arith.maximumf %max3A_413, %get3A_417 : vector<16xf32>
        %add3A_419 = arith.constant 160 : i32
        %add3A_420 = arith.addi %mul3A_372, %add3A_419 : i32
        %get3A_421 = arith.index_cast %add3A_420 : i32 to index
        %get3A_422 = tpu.vector_load %arg7[%get3A_421] {strides = array<i32>} : memref<20000xf32, #tpu.memory_space<vmem>>, vector<16xf32>,
        %max3A_423 = arith.maximumf %max3A_418, %get3A_422 : vector<16xf32>
        %add3A_424 = arith.constant 176 : i32
        %add3A_425 = arith.addi %mul3A_372, %add3A_424 : i32
        %get3A_426 = arith.index_cast %add3A_425 : i32 to index
        %get3A_427 = tpu.vector_load %arg7[%get3A_426] {strides = array<i32>} : memref<20000xf32, #tpu.memory_space<vmem>>, vector<16xf32>,
        %max3A_428 = arith.maximumf %max3A_423, %get3A_427 : vector<16xf32>
        %add3A_429 = arith.constant 192 : i32
        %add3A_430 = arith.addi %mul3A_372, %add3A_429 : i32
        %get3A_431 = arith.index_cast %add3A_430 : i32 to index
        %get3A_432 = tpu.vector_load %arg7[%get3A_431] {strides = array<i32>} : memref<20000xf32, #tpu.memory_space<vmem>>, vector<16xf32>,
        %max3A_433 = arith.maximumf %max3A_428, %get3A_432 : vector<16xf32>
        %add3A_434 = arith.constant 208 : i32
        %add3A_435 = arith.addi %mul3A_372, %add3A_434 : i32
        %get3A_436 = arith.index_cast %add3A_435 : i32 to index
        %get3A_437 = tpu.vector_load %arg7[%get3A_436] {strides = array<i32>} : memref<20000xf32, #tpu.memory_space<vmem>>, vector<16xf32>,
        %max3A_438 = arith.maximumf %max3A_433, %get3A_437 : vector<16xf32>
        %add3A_439 = arith.constant 224 : i32
        %add3A_440 = arith.addi %mul3A_372, %add3A_439 : i32
        %get3A_441 = arith.index_cast %add3A_440 : i32 to index
        %get3A_442 = tpu.vector_load %arg7[%get3A_441] {strides = array<i32>} : memref<20000xf32, #tpu.memory_space<vmem>>, vector<16xf32>,
        %max3A_443 = arith.maximumf %max3A_438, %get3A_442 : vector<16xf32>
        %add3A_444 = arith.constant 240 : i32
        %add3A_445 = arith.addi %mul3A_372, %add3A_444 : i32
        %get3A_446 = arith.index_cast %add3A_445 : i32 to index
        %get3A_447 = tpu.vector_load %arg7[%get3A_446] {strides = array<i32>} : memref<20000xf32, #tpu.memory_space<vmem>>, vector<16xf32>,
        %max3A_448 = arith.maximumf %max3A_443, %get3A_447 : vector<16xf32>
        %add3A_449 = arith.constant 256 : i32
        %add3A_450 = arith.addi %mul3A_372, %add3A_449 : i32
        %get3A_451 = arith.index_cast %add3A_450 : i32 to index
        %get3A_452 = tpu.vector_load %arg7[%get3A_451] {strides = array<i32>} : memref<20000xf32, #tpu.memory_space<vmem>>, vector<16xf32>,
        %max3A_453 = arith.maximumf %max3A_448, %get3A_452 : vector<16xf32>
        %add3A_454 = arith.constant 272 : i32
        %add3A_455 = arith.addi %mul3A_372, %add3A_454 : i32
        %get3A_456 = arith.index_cast %add3A_455 : i32 to index
        %get3A_457 = tpu.vector_load %arg7[%get3A_456] {strides = array<i32>} : memref<20000xf32, #tpu.memory_space<vmem>>, vector<16xf32>,
        %max3A_458 = arith.maximumf %max3A_453, %get3A_457 : vector<16xf32>
        %add3A_459 = arith.constant 288 : i32
        %add3A_460 = arith.addi %mul3A_372, %add3A_459 : i32
        %get3A_461 = arith.index_cast %add3A_460 : i32 to index
        %get3A_462 = tpu.vector_load %arg7[%get3A_461] {strides = array<i32>} : memref<20000xf32, #tpu.memory_space<vmem>>, vector<16xf32>,
        %max3A_463 = arith.maximumf %max3A_458, %get3A_462 : vector<16xf32>
        %add3A_464 = arith.constant 304 : i32
        %add3A_465 = arith.addi %mul3A_372, %add3A_464 : i32
        %get3A_466 = arith.index_cast %add3A_465 : i32 to index
        %get3A_467 = tpu.vector_load %arg7[%get3A_466] {strides = array<i32>} : memref<20000xf32, #tpu.memory_space<vmem>>, vector<16xf32>,
        %max3A_468 = arith.maximumf %max3A_463, %get3A_467 : vector<16xf32>
        %add3A_469 = arith.constant 320 : i32
        %add3A_470 = arith.addi %mul3A_372, %add3A_469 : i32
        %get3A_471 = arith.index_cast %add3A_470 : i32 to index
        %get3A_472 = tpu.vector_load %arg7[%get3A_471] {strides = array<i32>} : memref<20000xf32, #tpu.memory_space<vmem>>, vector<16xf32>,
        %max3A_473 = arith.maximumf %max3A_468, %get3A_472 : vector<16xf32>
        %add3A_474 = arith.constant 336 : i32
        %add3A_475 = arith.addi %mul3A_372, %add3A_474 : i32
        %get3A_476 = arith.index_cast %add3A_475 : i32 to index
        %get3A_477 = tpu.vector_load %arg7[%get3A_476] {strides = array<i32>} : memref<20000xf32, #tpu.memory_space<vmem>>, vector<16xf32>,
        %max3A_478 = arith.maximumf %max3A_473, %get3A_477 : vector<16xf32>
        %add3A_479 = arith.constant 352 : i32
        %add3A_480 = arith.addi %mul3A_372, %add3A_479 : i32
        %get3A_481 = arith.index_cast %add3A_480 : i32 to index
        %get3A_482 = tpu.vector_load %arg7[%get3A_481] {strides = array<i32>} : memref<20000xf32, #tpu.memory_space<vmem>>, vector<16xf32>,
        %max3A_483 = arith.maximumf %max3A_478, %get3A_482 : vector<16xf32>
        %add3A_484 = arith.constant 368 : i32
        %add3A_485 = arith.addi %mul3A_372, %add3A_484 : i32
        %get3A_486 = arith.index_cast %add3A_485 : i32 to index
        %get3A_487 = tpu.vector_load %arg7[%get3A_486] {strides = array<i32>} : memref<20000xf32, #tpu.memory_space<vmem>>, vector<16xf32>,
        %max3A_488 = arith.maximumf %max3A_483, %get3A_487 : vector<16xf32>
        %add3A_489 = arith.constant 384 : i32
        %add3A_490 = arith.addi %mul3A_372, %add3A_489 : i32
        %get3A_491 = arith.index_cast %add3A_490 : i32 to index
        %get3A_492 = tpu.vector_load %arg7[%get3A_491] {strides = array<i32>} : memref<20000xf32, #tpu.memory_space<vmem>>, vector<16xf32>,
        %max3A_493 = arith.maximumf %max3A_488, %get3A_492 : vector<16xf32>
        %gt3A = arith.cmpf ogt, %max3A_493, %scan3A_370 : vector<16xf32>
        %reduce_or3A = arith.constant 1.000000e+00 : f32
        %reduce_or3A_494 = arith.constant 0.000000e+00 : f32
        %reduce_or3A_495 = vector.broadcast %reduce_or3A : f32 to vector<16xf32>
        %reduce_or3A_496 = vector.broadcast %reduce_or3A_494 : f32 to vector<16xf32>
        %reduce_or3A_497 = arith.select %gt3A, %reduce_or3A_495, %reduce_or3A_496 : vector<16xi1>, vector<16xf32>
        %reduce_or3A_498 = arith.constant true
        %reduce_or3A_499 = vector.broadcast %reduce_or3A_498 : i1 to vector<16xi1>
        %reduce_or3A_500 = tpu.scan <max>, %reduce_or3A_497 masked %reduce_or3A_499 : vector<16xf32>, vector<16xi1> -> vector<16xf32>
        %reduce_or3A_501 = vector.extract %reduce_or3A_500[15] : f32 from vector<16xf32>
        %reduce_or3A_502 = arith.constant 0.000000e+00 : f32
        %reduce_or3A_503 = arith.cmpf ogt, %reduce_or3A_501, %reduce_or3A_502 : f32
        %convert_element_type3A = arith.extui %reduce_or3A_503 : i1 to i32
        %cond3A = arith.constant 0 : i32
        %cond3A_504 = arith.cmpi ne, %convert_element_type3A, %cond3A : i32
        %cond3A_505:3 = scf.if %cond3A_504 -> (vector<16xf32>, vector<16xi32>, vector<16xf32>) {
          %scan3A_506 = arith.constant 0 : i32
          %scan3A_507 = arith.constant 25 : i32
          %scan3A_508 = arith.addi %scan3A_506, %scan3A_507 : i32
          %scan3A_509 = arith.constant 1 : i32
          %scan3A_510:3 = scf.for %scan3A_512 = %scan3A_506 to %scan3A_508 step %scan3A_509 iter_args(%scan3A_513 = %scan3A_368, %scan3A_514 = %scan3A_369, %scan3A_515 = %scan3A_370) -> (vector<16xf32>, vector<16xi32>, vector<16xf32>)  : i32 {
            %mul3A_516 = arith.constant 16 : i32
            %mul3A_517 = arith.muli %scan3A_512, %mul3A_516 : i32
            %add3A_518 = arith.addi %mul3A_372, %mul3A_517 : i32
            %get3A_519 = arith.index_cast %add3A_518 : i32 to index
            %get3A_520 = tpu.vector_load %arg7[%get3A_519] {strides = array<i32>} : memref<20000xf32, #tpu.memory_space<vmem>>, vector<16xf32>,
            %gt3A_521 = arith.cmpf ogt, %get3A_520, %scan3A_515 : vector<16xf32>
            %reduce_or3A_522 = arith.constant 1.000000e+00 : f32
            %reduce_or3A_523 = arith.constant 0.000000e+00 : f32
            %reduce_or3A_524 = vector.broadcast %reduce_or3A_522 : f32 to vector<16xf32>
            %reduce_or3A_525 = vector.broadcast %reduce_or3A_523 : f32 to vector<16xf32>
            %reduce_or3A_526 = arith.select %gt3A_521, %reduce_or3A_524, %reduce_or3A_525 : vector<16xi1>, vector<16xf32>
            %reduce_or3A_527 = arith.constant true
            %reduce_or3A_528 = vector.broadcast %reduce_or3A_527 : i1 to vector<16xi1>
            %reduce_or3A_529 = tpu.scan <max>, %reduce_or3A_526 masked %reduce_or3A_528 : vector<16xf32>, vector<16xi1> -> vector<16xf32>
            %reduce_or3A_530 = vector.extract %reduce_or3A_529[15] : f32 from vector<16xf32>
            %reduce_or3A_531 = arith.constant 0.000000e+00 : f32
            %reduce_or3A_532 = arith.cmpf ogt, %reduce_or3A_530, %reduce_or3A_531 : f32
            %convert_element_type3A_533 = arith.extui %reduce_or3A_532 : i1 to i32
            %cond3A_534 = arith.constant 0 : i32
            %cond3A_535 = arith.cmpi ne, %convert_element_type3A_533, %cond3A_534 : i32
            %cond3A_536:3 = scf.if %cond3A_535 -> (vector<16xf32>, vector<16xi32>, vector<16xf32>) {
              %add3A_537 = arith.addf %get3A_520, %get3A_289 : vector<16xf32>
              %add3A_538 = arith.addi %mul3A_291, %add3A_518 : i32
              %add3A_539 = vector.broadcast %add3A_538 : i32 to vector<16xi32>
              %add3A_540 = arith.addi %iota3A, %add3A_539 : vector<16xi32>
              %masked_sort3A = arith.constant dense<true> : vector<16xi1>
              %masked_sort3A_541, %masked_sort3A_542, %masked_sort3A_543 = tpu.sort %add3A_537, %add3A_540 masked %masked_sort3A {descending = true} : (vector<16xf32>, vector<16xi32>, vector<16xi1>) -> (vector<16xi1>, vector<16xf32>, vector<16xi32>)
              %gt3A_544 = arith.cmpf ogt, %scan3A_513, %masked_sort3A_542 : vector<16xf32>
              %eq3A_545 = arith.cmpf oeq, %scan3A_513, %masked_sort3A_542 : vector<16xf32>
              %lt3A_546 = arith.cmpi slt, %scan3A_514, %masked_sort3A_543 : vector<16xi32>
              %and3A_547 = arith.andi %eq3A_545, %lt3A_546 : vector<16xi1>
              %or3A = arith.ori %gt3A_544, %and3A_547 : vector<16xi1>
              %max3A_548 = arith.maximumf %scan3A_513, %masked_sort3A_542 : vector<16xf32>
              %select_n3A_549 = arith.select %or3A, %scan3A_514, %masked_sort3A_543 : vector<16xi1>, vector<16xi32>
              %masked_sort3A_550 = arith.constant dense<true> : vector<16xi1>
              %masked_sort3A_551, %masked_sort3A_552, %masked_sort3A_553 = tpu.sort %max3A_548, %select_n3A_549 masked %masked_sort3A_550 : (vector<16xf32>, vector<16xi32>, vector<16xi1>) -> (vector<16xi1>, vector<16xf32>, vector<16xi32>)
              %slice3A_554 = vector.extract_strided_slice %masked_sort3A_552 {offsets = [0], sizes = [1], strides = [1]} : vector<16xf32> to vector<1xf32>
              %squeeze3A_555 = vector.extract %slice3A_554[0] : f32 from vector<1xf32>
              %broadcast_in_dim3A_556 = vector.broadcast %squeeze3A_555 : f32 to vector<16xf32>
              %sub3A_557 = arith.subf %broadcast_in_dim3A_556, %get3A_289 : vector<16xf32>
              scf.yield %masked_sort3A_552, %masked_sort3A_553, %sub3A_557 : vector<16xf32>, vector<16xi32>, vector<16xf32>
            } else {
              scf.yield %scan3A_513, %scan3A_514, %scan3A_515 : vector<16xf32>, vector<16xi32>, vector<16xf32>
            }
            scf.yield %cond3A_536#0, %cond3A_536#1, %cond3A_536#2 : vector<16xf32>, vector<16xi32>, vector<16xf32>
          }
          %scan3A_511 = arith.constant 25 : i32
          scf.yield %scan3A_510#0, %scan3A_510#1, %scan3A_510#2 : vector<16xf32>, vector<16xi32>, vector<16xf32>
        } else {
          scf.yield %scan3A_368, %scan3A_369, %scan3A_370 : vector<16xf32>, vector<16xi32>, vector<16xf32>
        }
        scf.yield %cond3A_505#0, %cond3A_505#1, %cond3A_505#2 : vector<16xf32>, vector<16xi32>, vector<16xf32>
      }
      %scan3A_301 = arith.constant 50 : i32
      %add3A_302 = arith.constant 2 : i32
      %add3A_303 = arith.addi %mul3A_256, %add3A_302 : i32
      %mul3A_304 = arith.constant 20000 : i32
      %mul3A_305 = arith.muli %add3A_303, %mul3A_304 : i32
      %dma_start3A_306 = tpu.memref_slice %arg2[%add3A_120, %mul3A_305] : memref<64x400000xf32, #tpu.memory_space<hbm>> -> memref<1x20000xf32, #tpu.memory_space<hbm>>
      %dma_start3A_307 = tpu.memref_squeeze %dma_start3A_306 : memref<1x20000xf32, #tpu.memory_space<hbm>> -> memref<20000xf32, #tpu.memory_space<hbm>>
      %dma_start3A_308 = tpu.memref_slice %arg2[%add3A_120, %mul3A_305] : memref<64x400000xf32, #tpu.memory_space<hbm>> -> memref<1x20000xf32, #tpu.memory_space<hbm>>
      %dma_start3A_309 = tpu.memref_squeeze %dma_start3A_308 : memref<1x20000xf32, #tpu.memory_space<hbm>> -> memref<20000xf32, #tpu.memory_space<hbm>>
      tpu.enqueue_dma source(%dma_start3A_309 : memref<20000xf32, #tpu.memory_space<hbm>>) target(%arg7 : memref<20000xf32, #tpu.memory_space<vmem>>) target_semaphore(%arg13 : memref<!tpu.dma_semaphore, #tpu.memory_space<semaphore_mem>>)
      %mul3A_310 = arith.constant 2 : i32
      %mul3A_311 = arith.muli %mul3A_310, %scan3A_252 : i32
      %add3A_312 = arith.constant 1 : i32
      %add3A_313 = arith.addi %mul3A_311, %add3A_312 : i32
      %dma_wait3A_314 = arith.constant 20000 : i32
      %dma_wait3A_315 = tpu.memref_slice %arg2[%add3A_120, %dma_wait3A_314] : memref<64x400000xf32, #tpu.memory_space<hbm>> -> memref<1x20000xf32, #tpu.memory_space<hbm>>
      %dma_wait3A_316 = tpu.memref_squeeze %dma_wait3A_315 : memref<1x20000xf32, #tpu.memory_space<hbm>> -> memref<20000xf32, #tpu.memory_space<hbm>>
      %dma_wait3A_317 = arith.constant 20000 : i32
      %dma_wait3A_318 = tpu.memref_slice %arg2[%add3A_120, %dma_wait3A_317] : memref<64x400000xf32, #tpu.memory_space<hbm>> -> memref<1x20000xf32, #tpu.memory_space<hbm>>
      %dma_wait3A_319 = tpu.memref_squeeze %dma_wait3A_318 : memref<1x20000xf32, #tpu.memory_space<hbm>> -> memref<20000xf32, #tpu.memory_space<hbm>>
      tpu.wait_dma2 semaphore(%arg14 : memref<!tpu.dma_semaphore, #tpu.memory_space<semaphore_mem>>) src(%dma_wait3A_319 : memref<20000xf32, #tpu.memory_space<hbm>>) dst(%arg8 : memref<20000xf32, #tpu.memory_space<vmem>>)
      %jit3A_320 = arith.constant 5 : i32
      %div3A_321 = arith.divsi %add3A_313, %jit3A_320 : i32
      %sign3A_322 = arith.constant 0 : i32
      %sign3A_323 = arith.cmpi sgt, %add3A_313, %sign3A_322 : i32
      %sign3A_324 = arith.extui %sign3A_323 : i1 to i32
      %sign3A_325 = arith.constant 0 : i32
      %sign3A_326 = arith.cmpi slt, %add3A_313, %sign3A_325 : i32
      %sign3A_327 = arith.extui %sign3A_326 : i1 to i32
      %sign3A_328 = arith.subi %sign3A_324, %sign3A_327 : i32
      %sign3A_329 = arith.constant 0 : i32
      %sign3A_330 = arith.cmpi sgt, %jit3A_320, %sign3A_329 : i32
      %sign3A_331 = arith.extui %sign3A_330 : i1 to i32
      %sign3A_332 = arith.constant 0 : i32
      %sign3A_333 = arith.cmpi slt, %jit3A_320, %sign3A_332 : i32
      %sign3A_334 = arith.extui %sign3A_333 : i1 to i32
      %sign3A_335 = arith.subi %sign3A_331, %sign3A_334 : i32
      %ne3A_336 = arith.cmpi ne, %sign3A_328, %sign3A_335 : i32
      %rem3A_337 = arith.remsi %add3A_313, %jit3A_320 : i32
      %ne3A_338 = arith.constant 0 : i32
      %ne3A_339 = arith.cmpi ne, %rem3A_337, %ne3A_338 : i32
      %and3A_340 = arith.andi %ne3A_336, %ne3A_339 : i1
      %sub3A_341 = arith.constant 1 : i32
      %sub3A_342 = arith.subi %div3A_321, %sub3A_341 : i32
      %select_n3A_343 = arith.select %and3A_340, %sub3A_342, %div3A_321 : i32
      %get3A_344 = arith.index_cast %select_n3A_343 : i32 to index
      %get3A_345 = arith.constant 0 : index
      %get3A_346 = tpu.vector_load %arg9[%get3A_344, %get3A_345] {strides = array<i32>} : memref<4x16xf32, #tpu.memory_space<vmem>>, vector<16xf32>,
      %mul3A_347 = arith.constant 20000 : i32
      %mul3A_348 = arith.muli %add3A_313, %mul3A_347 : i32
      %slice3A_349 = vector.extract_strided_slice %scan3A_300#0 {offsets = [0], sizes = [1], strides = [1]} : vector<16xf32> to vector<1xf32>
      %squeeze3A_350 = vector.extract %slice3A_349[0] : f32 from vector<1xf32>
      %broadcast_in_dim3A_351 = vector.broadcast %squeeze3A_350 : f32 to vector<16xf32>
      %sub3A_352 = arith.subf %broadcast_in_dim3A_351, %get3A_346 : vector<16xf32>
      %scan3A_353 = arith.constant 0 : i32
      %scan3A_354 = arith.constant 50 : i32
      %scan3A_355 = arith.addi %scan3A_353, %scan3A_354 : i32
      %scan3A_356 = arith.constant 1 : i32
      %scan3A_357:3 = scf.for %scan3A_367 = %scan3A_353 to %scan3A_355 step %scan3A_356 iter_args(%scan3A_368 = %scan3A_300#0, %scan3A_369 = %scan3A_300#1, %scan3A_370 = %sub3A_352) -> (vector<16xf32>, vector<16xi32>, vector<16xf32>)  : i32 {
        %mul3A_371 = arith.constant 400 : i32
        %mul3A_372 = arith.muli %scan3A_367, %mul3A_371 : i32
        %get3A_373 = arith.index_cast %mul3A_372 : i32 to index
        %get3A_374 = tpu.vector_load %arg8[%get3A_373] {strides = array<i32>} : memref<20000xf32, #tpu.memory_space<vmem>>, vector<16xf32>,
        %add3A_375 = arith.constant 16 : i32
        %add3A_376 = arith.addi %mul3A_372, %add3A_375 : i32
        %get3A_377 = arith.index_cast %add3A_376 : i32 to index
        %get3A_378 = tpu.vector_load %arg8[%get3A_377] {strides = array<i32>} : memref<20000xf32, #tpu.memory_space<vmem>>, vector<16xf32>,
        %max3A = arith.maximumf %get3A_374, %get3A_378 : vector<16xf32>
        %add3A_379 = arith.constant 32 : i32
        %add3A_380 = arith.addi %mul3A_372, %add3A_379 : i32
        %get3A_381 = arith.index_cast %add3A_380 : i32 to index
        %get3A_382 = tpu.vector_load %arg8[%get3A_381] {strides = array<i32>} : memref<20000xf32, #tpu.memory_space<vmem>>, vector<16xf32>,
        %max3A_383 = arith.maximumf %max3A, %get3A_382 : vector<16xf32>
        %add3A_384 = arith.constant 48 : i32
        %add3A_385 = arith.addi %mul3A_372, %add3A_384 : i32
        %get3A_386 = arith.index_cast %add3A_385 : i32 to index
        %get3A_387 = tpu.vector_load %arg8[%get3A_386] {strides = array<i32>} : memref<20000xf32, #tpu.memory_space<vmem>>, vector<16xf32>,
        %max3A_388 = arith.maximumf %max3A_383, %get3A_387 : vector<16xf32>
        %add3A_389 = arith.constant 64 : i32
        %add3A_390 = arith.addi %mul3A_372, %add3A_389 : i32
        %get3A_391 = arith.index_cast %add3A_390 : i32 to index
        %get3A_392 = tpu.vector_load %arg8[%get3A_391] {strides = array<i32>} : memref<20000xf32, #tpu.memory_space<vmem>>, vector<16xf32>,
        %max3A_393 = arith.maximumf %max3A_388, %get3A_392 : vector<16xf32>
        %add3A_394 = arith.constant 80 : i32
        %add3A_395 = arith.addi %mul3A_372, %add3A_394 : i32
        %get3A_396 = arith.index_cast %add3A_395 : i32 to index
        %get3A_397 = tpu.vector_load %arg8[%get3A_396] {strides = array<i32>} : memref<20000xf32, #tpu.memory_space<vmem>>, vector<16xf32>,
        %max3A_398 = arith.maximumf %max3A_393, %get3A_397 : vector<16xf32>
        %add3A_399 = arith.constant 96 : i32
        %add3A_400 = arith.addi %mul3A_372, %add3A_399 : i32
        %get3A_401 = arith.index_cast %add3A_400 : i32 to index
        %get3A_402 = tpu.vector_load %arg8[%get3A_401] {strides = array<i32>} : memref<20000xf32, #tpu.memory_space<vmem>>, vector<16xf32>,
        %max3A_403 = arith.maximumf %max3A_398, %get3A_402 : vector<16xf32>
        %add3A_404 = arith.constant 112 : i32
        %add3A_405 = arith.addi %mul3A_372, %add3A_404 : i32
        %get3A_406 = arith.index_cast %add3A_405 : i32 to index
        %get3A_407 = tpu.vector_load %arg8[%get3A_406] {strides = array<i32>} : memref<20000xf32, #tpu.memory_space<vmem>>, vector<16xf32>,
        %max3A_408 = arith.maximumf %max3A_403, %get3A_407 : vector<16xf32>
        %add3A_409 = arith.constant 128 : i32
        %add3A_410 = arith.addi %mul3A_372, %add3A_409 : i32
        %get3A_411 = arith.index_cast %add3A_410 : i32 to index
        %get3A_412 = tpu.vector_load %arg8[%get3A_411] {strides = array<i32>} : memref<20000xf32, #tpu.memory_space<vmem>>, vector<16xf32>,
        %max3A_413 = arith.maximumf %max3A_408, %get3A_412 : vector<16xf32>
        %add3A_414 = arith.constant 144 : i32
        %add3A_415 = arith.addi %mul3A_372, %add3A_414 : i32
        %get3A_416 = arith.index_cast %add3A_415 : i32 to index
        %get3A_417 = tpu.vector_load %arg8[%get3A_416] {strides = array<i32>} : memref<20000xf32, #tpu.memory_space<vmem>>, vector<16xf32>,
        %max3A_418 = arith.maximumf %max3A_413, %get3A_417 : vector<16xf32>
        %add3A_419 = arith.constant 160 : i32
        %add3A_420 = arith.addi %mul3A_372, %add3A_419 : i32
        %get3A_421 = arith.index_cast %add3A_420 : i32 to index
        %get3A_422 = tpu.vector_load %arg8[%get3A_421] {strides = array<i32>} : memref<20000xf32, #tpu.memory_space<vmem>>, vector<16xf32>,
        %max3A_423 = arith.maximumf %max3A_418, %get3A_422 : vector<16xf32>
        %add3A_424 = arith.constant 176 : i32
        %add3A_425 = arith.addi %mul3A_372, %add3A_424 : i32
        %get3A_426 = arith.index_cast %add3A_425 : i32 to index
        %get3A_427 = tpu.vector_load %arg8[%get3A_426] {strides = array<i32>} : memref<20000xf32, #tpu.memory_space<vmem>>, vector<16xf32>,
        %max3A_428 = arith.maximumf %max3A_423, %get3A_427 : vector<16xf32>
        %add3A_429 = arith.constant 192 : i32
        %add3A_430 = arith.addi %mul3A_372, %add3A_429 : i32
        %get3A_431 = arith.index_cast %add3A_430 : i32 to index
        %get3A_432 = tpu.vector_load %arg8[%get3A_431] {strides = array<i32>} : memref<20000xf32, #tpu.memory_space<vmem>>, vector<16xf32>,
        %max3A_433 = arith.maximumf %max3A_428, %get3A_432 : vector<16xf32>
        %add3A_434 = arith.constant 208 : i32
        %add3A_435 = arith.addi %mul3A_372, %add3A_434 : i32
        %get3A_436 = arith.index_cast %add3A_435 : i32 to index
        %get3A_437 = tpu.vector_load %arg8[%get3A_436] {strides = array<i32>} : memref<20000xf32, #tpu.memory_space<vmem>>, vector<16xf32>,
        %max3A_438 = arith.maximumf %max3A_433, %get3A_437 : vector<16xf32>
        %add3A_439 = arith.constant 224 : i32
        %add3A_440 = arith.addi %mul3A_372, %add3A_439 : i32
        %get3A_441 = arith.index_cast %add3A_440 : i32 to index
        %get3A_442 = tpu.vector_load %arg8[%get3A_441] {strides = array<i32>} : memref<20000xf32, #tpu.memory_space<vmem>>, vector<16xf32>,
        %max3A_443 = arith.maximumf %max3A_438, %get3A_442 : vector<16xf32>
        %add3A_444 = arith.constant 240 : i32
        %add3A_445 = arith.addi %mul3A_372, %add3A_444 : i32
        %get3A_446 = arith.index_cast %add3A_445 : i32 to index
        %get3A_447 = tpu.vector_load %arg8[%get3A_446] {strides = array<i32>} : memref<20000xf32, #tpu.memory_space<vmem>>, vector<16xf32>,
        %max3A_448 = arith.maximumf %max3A_443, %get3A_447 : vector<16xf32>
        %add3A_449 = arith.constant 256 : i32
        %add3A_450 = arith.addi %mul3A_372, %add3A_449 : i32
        %get3A_451 = arith.index_cast %add3A_450 : i32 to index
        %get3A_452 = tpu.vector_load %arg8[%get3A_451] {strides = array<i32>} : memref<20000xf32, #tpu.memory_space<vmem>>, vector<16xf32>,
        %max3A_453 = arith.maximumf %max3A_448, %get3A_452 : vector<16xf32>
        %add3A_454 = arith.constant 272 : i32
        %add3A_455 = arith.addi %mul3A_372, %add3A_454 : i32
        %get3A_456 = arith.index_cast %add3A_455 : i32 to index
        %get3A_457 = tpu.vector_load %arg8[%get3A_456] {strides = array<i32>} : memref<20000xf32, #tpu.memory_space<vmem>>, vector<16xf32>,
        %max3A_458 = arith.maximumf %max3A_453, %get3A_457 : vector<16xf32>
        %add3A_459 = arith.constant 288 : i32
        %add3A_460 = arith.addi %mul3A_372, %add3A_459 : i32
        %get3A_461 = arith.index_cast %add3A_460 : i32 to index
        %get3A_462 = tpu.vector_load %arg8[%get3A_461] {strides = array<i32>} : memref<20000xf32, #tpu.memory_space<vmem>>, vector<16xf32>,
        %max3A_463 = arith.maximumf %max3A_458, %get3A_462 : vector<16xf32>
        %add3A_464 = arith.constant 304 : i32
        %add3A_465 = arith.addi %mul3A_372, %add3A_464 : i32
        %get3A_466 = arith.index_cast %add3A_465 : i32 to index
        %get3A_467 = tpu.vector_load %arg8[%get3A_466] {strides = array<i32>} : memref<20000xf32, #tpu.memory_space<vmem>>, vector<16xf32>,
        %max3A_468 = arith.maximumf %max3A_463, %get3A_467 : vector<16xf32>
        %add3A_469 = arith.constant 320 : i32
        %add3A_470 = arith.addi %mul3A_372, %add3A_469 : i32
        %get3A_471 = arith.index_cast %add3A_470 : i32 to index
        %get3A_472 = tpu.vector_load %arg8[%get3A_471] {strides = array<i32>} : memref<20000xf32, #tpu.memory_space<vmem>>, vector<16xf32>,
        %max3A_473 = arith.maximumf %max3A_468, %get3A_472 : vector<16xf32>
        %add3A_474 = arith.constant 336 : i32
        %add3A_475 = arith.addi %mul3A_372, %add3A_474 : i32
        %get3A_476 = arith.index_cast %add3A_475 : i32 to index
        %get3A_477 = tpu.vector_load %arg8[%get3A_476] {strides = array<i32>} : memref<20000xf32, #tpu.memory_space<vmem>>, vector<16xf32>,
        %max3A_478 = arith.maximumf %max3A_473, %get3A_477 : vector<16xf32>
        %add3A_479 = arith.constant 352 : i32
        %add3A_480 = arith.addi %mul3A_372, %add3A_479 : i32
        %get3A_481 = arith.index_cast %add3A_480 : i32 to index
        %get3A_482 = tpu.vector_load %arg8[%get3A_481] {strides = array<i32>} : memref<20000xf32, #tpu.memory_space<vmem>>, vector<16xf32>,
        %max3A_483 = arith.maximumf %max3A_478, %get3A_482 : vector<16xf32>
        %add3A_484 = arith.constant 368 : i32
        %add3A_485 = arith.addi %mul3A_372, %add3A_484 : i32
        %get3A_486 = arith.index_cast %add3A_485 : i32 to index
        %get3A_487 = tpu.vector_load %arg8[%get3A_486] {strides = array<i32>} : memref<20000xf32, #tpu.memory_space<vmem>>, vector<16xf32>,
        %max3A_488 = arith.maximumf %max3A_483, %get3A_487 : vector<16xf32>
        %add3A_489 = arith.constant 384 : i32
        %add3A_490 = arith.addi %mul3A_372, %add3A_489 : i32
        %get3A_491 = arith.index_cast %add3A_490 : i32 to index
        %get3A_492 = tpu.vector_load %arg8[%get3A_491] {strides = array<i32>} : memref<20000xf32, #tpu.memory_space<vmem>>, vector<16xf32>,
        %max3A_493 = arith.maximumf %max3A_488, %get3A_492 : vector<16xf32>
        %gt3A = arith.cmpf ogt, %max3A_493, %scan3A_370 : vector<16xf32>
        %reduce_or3A = arith.constant 1.000000e+00 : f32
        %reduce_or3A_494 = arith.constant 0.000000e+00 : f32
        %reduce_or3A_495 = vector.broadcast %reduce_or3A : f32 to vector<16xf32>
        %reduce_or3A_496 = vector.broadcast %reduce_or3A_494 : f32 to vector<16xf32>
        %reduce_or3A_497 = arith.select %gt3A, %reduce_or3A_495, %reduce_or3A_496 : vector<16xi1>, vector<16xf32>
        %reduce_or3A_498 = arith.constant true
        %reduce_or3A_499 = vector.broadcast %reduce_or3A_498 : i1 to vector<16xi1>
        %reduce_or3A_500 = tpu.scan <max>, %reduce_or3A_497 masked %reduce_or3A_499 : vector<16xf32>, vector<16xi1> -> vector<16xf32>
        %reduce_or3A_501 = vector.extract %reduce_or3A_500[15] : f32 from vector<16xf32>
        %reduce_or3A_502 = arith.constant 0.000000e+00 : f32
        %reduce_or3A_503 = arith.cmpf ogt, %reduce_or3A_501, %reduce_or3A_502 : f32
        %convert_element_type3A = arith.extui %reduce_or3A_503 : i1 to i32
        %cond3A = arith.constant 0 : i32
        %cond3A_504 = arith.cmpi ne, %convert_element_type3A, %cond3A : i32
        %cond3A_505:3 = scf.if %cond3A_504 -> (vector<16xf32>, vector<16xi32>, vector<16xf32>) {
          %scan3A_506 = arith.constant 0 : i32
          %scan3A_507 = arith.constant 25 : i32
          %scan3A_508 = arith.addi %scan3A_506, %scan3A_507 : i32
          %scan3A_509 = arith.constant 1 : i32
          %scan3A_510:3 = scf.for %scan3A_512 = %scan3A_506 to %scan3A_508 step %scan3A_509 iter_args(%scan3A_513 = %scan3A_368, %scan3A_514 = %scan3A_369, %scan3A_515 = %scan3A_370) -> (vector<16xf32>, vector<16xi32>, vector<16xf32>)  : i32 {
            %mul3A_516 = arith.constant 16 : i32
            %mul3A_517 = arith.muli %scan3A_512, %mul3A_516 : i32
            %add3A_518 = arith.addi %mul3A_372, %mul3A_517 : i32
            %get3A_519 = arith.index_cast %add3A_518 : i32 to index
            %get3A_520 = tpu.vector_load %arg8[%get3A_519] {strides = array<i32>} : memref<20000xf32, #tpu.memory_space<vmem>>, vector<16xf32>,
            %gt3A_521 = arith.cmpf ogt, %get3A_520, %scan3A_515 : vector<16xf32>
            %reduce_or3A_522 = arith.constant 1.000000e+00 : f32
            %reduce_or3A_523 = arith.constant 0.000000e+00 : f32
            %reduce_or3A_524 = vector.broadcast %reduce_or3A_522 : f32 to vector<16xf32>
            %reduce_or3A_525 = vector.broadcast %reduce_or3A_523 : f32 to vector<16xf32>
            %reduce_or3A_526 = arith.select %gt3A_521, %reduce_or3A_524, %reduce_or3A_525 : vector<16xi1>, vector<16xf32>
            %reduce_or3A_527 = arith.constant true
            %reduce_or3A_528 = vector.broadcast %reduce_or3A_527 : i1 to vector<16xi1>
            %reduce_or3A_529 = tpu.scan <max>, %reduce_or3A_526 masked %reduce_or3A_528 : vector<16xf32>, vector<16xi1> -> vector<16xf32>
            %reduce_or3A_530 = vector.extract %reduce_or3A_529[15] : f32 from vector<16xf32>
            %reduce_or3A_531 = arith.constant 0.000000e+00 : f32
            %reduce_or3A_532 = arith.cmpf ogt, %reduce_or3A_530, %reduce_or3A_531 : f32
            %convert_element_type3A_533 = arith.extui %reduce_or3A_532 : i1 to i32
            %cond3A_534 = arith.constant 0 : i32
            %cond3A_535 = arith.cmpi ne, %convert_element_type3A_533, %cond3A_534 : i32
            %cond3A_536:3 = scf.if %cond3A_535 -> (vector<16xf32>, vector<16xi32>, vector<16xf32>) {
              %add3A_537 = arith.addf %get3A_520, %get3A_346 : vector<16xf32>
              %add3A_538 = arith.addi %mul3A_348, %add3A_518 : i32
              %add3A_539 = vector.broadcast %add3A_538 : i32 to vector<16xi32>
              %add3A_540 = arith.addi %iota3A, %add3A_539 : vector<16xi32>
              %masked_sort3A = arith.constant dense<true> : vector<16xi1>
              %masked_sort3A_541, %masked_sort3A_542, %masked_sort3A_543 = tpu.sort %add3A_537, %add3A_540 masked %masked_sort3A {descending = true} : (vector<16xf32>, vector<16xi32>, vector<16xi1>) -> (vector<16xi1>, vector<16xf32>, vector<16xi32>)
              %gt3A_544 = arith.cmpf ogt, %scan3A_513, %masked_sort3A_542 : vector<16xf32>
              %eq3A_545 = arith.cmpf oeq, %scan3A_513, %masked_sort3A_542 : vector<16xf32>
              %lt3A_546 = arith.cmpi slt, %scan3A_514, %masked_sort3A_543 : vector<16xi32>
              %and3A_547 = arith.andi %eq3A_545, %lt3A_546 : vector<16xi1>
              %or3A = arith.ori %gt3A_544, %and3A_547 : vector<16xi1>
              %max3A_548 = arith.maximumf %scan3A_513, %masked_sort3A_542 : vector<16xf32>
              %select_n3A_549 = arith.select %or3A, %scan3A_514, %masked_sort3A_543 : vector<16xi1>, vector<16xi32>
              %masked_sort3A_550 = arith.constant dense<true> : vector<16xi1>
              %masked_sort3A_551, %masked_sort3A_552, %masked_sort3A_553 = tpu.sort %max3A_548, %select_n3A_549 masked %masked_sort3A_550 : (vector<16xf32>, vector<16xi32>, vector<16xi1>) -> (vector<16xi1>, vector<16xf32>, vector<16xi32>)
              %slice3A_554 = vector.extract_strided_slice %masked_sort3A_552 {offsets = [0], sizes = [1], strides = [1]} : vector<16xf32> to vector<1xf32>
              %squeeze3A_555 = vector.extract %slice3A_554[0] : f32 from vector<1xf32>
              %broadcast_in_dim3A_556 = vector.broadcast %squeeze3A_555 : f32 to vector<16xf32>
              %sub3A_557 = arith.subf %broadcast_in_dim3A_556, %get3A_346 : vector<16xf32>
              scf.yield %masked_sort3A_552, %masked_sort3A_553, %sub3A_557 : vector<16xf32>, vector<16xi32>, vector<16xf32>
            } else {
              scf.yield %scan3A_513, %scan3A_514, %scan3A_515 : vector<16xf32>, vector<16xi32>, vector<16xf32>
            }
            scf.yield %cond3A_536#0, %cond3A_536#1, %cond3A_536#2 : vector<16xf32>, vector<16xi32>, vector<16xf32>
          }
          %scan3A_511 = arith.constant 25 : i32
          scf.yield %scan3A_510#0, %scan3A_510#1, %scan3A_510#2 : vector<16xf32>, vector<16xi32>, vector<16xf32>
        } else {
          scf.yield %scan3A_368, %scan3A_369, %scan3A_370 : vector<16xf32>, vector<16xi32>, vector<16xf32>
        }
        scf.yield %cond3A_505#0, %cond3A_505#1, %cond3A_505#2 : vector<16xf32>, vector<16xi32>, vector<16xf32>
      }
      %scan3A_358 = arith.constant 50 : i32
      %add3A_359 = arith.constant 2 : i32
      %add3A_360 = arith.addi %add3A_313, %add3A_359 : i32
      %mul3A_361 = arith.constant 20000 : i32
      %mul3A_362 = arith.muli %add3A_360, %mul3A_361 : i32
      %dma_start3A_363 = tpu.memref_slice %arg2[%add3A_120, %mul3A_362] : memref<64x400000xf32, #tpu.memory_space<hbm>> -> memref<1x20000xf32, #tpu.memory_space<hbm>>
      %dma_start3A_364 = tpu.memref_squeeze %dma_start3A_363 : memref<1x20000xf32, #tpu.memory_space<hbm>> -> memref<20000xf32, #tpu.memory_space<hbm>>
      %dma_start3A_365 = tpu.memref_slice %arg2[%add3A_120, %mul3A_362] : memref<64x400000xf32, #tpu.memory_space<hbm>> -> memref<1x20000xf32, #tpu.memory_space<hbm>>
      %dma_start3A_366 = tpu.memref_squeeze %dma_start3A_365 : memref<1x20000xf32, #tpu.memory_space<hbm>> -> memref<20000xf32, #tpu.memory_space<hbm>>
      tpu.enqueue_dma source(%dma_start3A_366 : memref<20000xf32, #tpu.memory_space<hbm>>) target(%arg8 : memref<20000xf32, #tpu.memory_space<vmem>>) target_semaphore(%arg14 : memref<!tpu.dma_semaphore, #tpu.memory_space<semaphore_mem>>)
      scf.yield %scan3A_357#0, %scan3A_357#1 : vector<16xf32>, vector<16xi32>
    }
    %scan3A_142 = arith.constant 9 : i32
    %dma_wait3A_143 = arith.constant 0 : i32
    %dma_wait3A_144 = tpu.memref_slice %arg2[%add3A_120, %dma_wait3A_143] : memref<64x400000xf32, #tpu.memory_space<hbm>> -> memref<1x20000xf32, #tpu.memory_space<hbm>>
    %dma_wait3A_145 = tpu.memref_squeeze %dma_wait3A_144 : memref<1x20000xf32, #tpu.memory_space<hbm>> -> memref<20000xf32, #tpu.memory_space<hbm>>
    %dma_wait3A_146 = arith.constant 0 : i32
    %dma_wait3A_147 = tpu.memref_slice %arg2[%add3A_120, %dma_wait3A_146] : memref<64x400000xf32, #tpu.memory_space<hbm>> -> memref<1x20000xf32, #tpu.memory_space<hbm>>
    %dma_wait3A_148 = tpu.memref_squeeze %dma_wait3A_147 : memref<1x20000xf32, #tpu.memory_space<hbm>> -> memref<20000xf32, #tpu.memory_space<hbm>>
    tpu.wait_dma2 semaphore(%arg13 : memref<!tpu.dma_semaphore, #tpu.memory_space<semaphore_mem>>) src(%dma_wait3A_148 : memref<20000xf32, #tpu.memory_space<hbm>>) dst(%arg7 : memref<20000xf32, #tpu.memory_space<vmem>>)
    %get3A_149 = arith.constant 3 : i32
    %get3A_150 = arith.index_cast %get3A_149 : i32 to index
    %get3A_151 = arith.constant 0 : index
    %get3A_152 = tpu.vector_load %arg9[%get3A_150, %get3A_151] {strides = array<i32>} : memref<4x16xf32, #tpu.memory_space<vmem>>, vector<16xf32>,
    %slice3A_153 = vector.extract_strided_slice %scan3A_141#0 {offsets = [0], sizes = [1], strides = [1]} : vector<16xf32> to vector<1xf32>
    %squeeze3A_154 = vector.extract %slice3A_153[0] : f32 from vector<1xf32>
    %broadcast_in_dim3A_155 = vector.broadcast %squeeze3A_154 : f32 to vector<16xf32>
    %sub3A_156 = arith.subf %broadcast_in_dim3A_155, %get3A_152 : vector<16xf32>
    %scan3A_157 = arith.constant 0 : i32
    %scan3A_158 = arith.constant 50 : i32
    %scan3A_159 = arith.addi %scan3A_157, %scan3A_158 : i32
    %scan3A_160 = arith.constant 1 : i32
    %scan3A_161:3 = scf.for %scan3A_252 = %scan3A_157 to %scan3A_159 step %scan3A_160 iter_args(%scan3A_253 = %scan3A_141#0, %scan3A_254 = %scan3A_141#1, %scan3A_255 = %sub3A_156) -> (vector<16xf32>, vector<16xi32>, vector<16xf32>)  : i32 {
      %mul3A_256 = arith.constant 400 : i32
      %mul3A_257 = arith.muli %scan3A_252, %mul3A_256 : i32
      %get3A_258 = arith.index_cast %mul3A_257 : i32 to index
      %get3A_259 = tpu.vector_load %arg7[%get3A_258] {strides = array<i32>} : memref<20000xf32, #tpu.memory_space<vmem>>, vector<16xf32>,
      %add3A_260 = arith.constant 16 : i32
      %add3A_261 = arith.addi %mul3A_257, %add3A_260 : i32
      %get3A_262 = arith.index_cast %add3A_261 : i32 to index
      %get3A_263 = tpu.vector_load %arg7[%get3A_262] {strides = array<i32>} : memref<20000xf32, #tpu.memory_space<vmem>>, vector<16xf32>,
      %max3A = arith.maximumf %get3A_259, %get3A_263 : vector<16xf32>
      %add3A_264 = arith.constant 32 : i32
      %add3A_265 = arith.addi %mul3A_257, %add3A_264 : i32
      %get3A_266 = arith.index_cast %add3A_265 : i32 to index
      %get3A_267 = tpu.vector_load %arg7[%get3A_266] {strides = array<i32>} : memref<20000xf32, #tpu.memory_space<vmem>>, vector<16xf32>,
      %max3A_268 = arith.maximumf %max3A, %get3A_267 : vector<16xf32>
      %add3A_269 = arith.constant 48 : i32
      %add3A_270 = arith.addi %mul3A_257, %add3A_269 : i32
      %get3A_271 = arith.index_cast %add3A_270 : i32 to index
      %get3A_272 = tpu.vector_load %arg7[%get3A_271] {strides = array<i32>} : memref<20000xf32, #tpu.memory_space<vmem>>, vector<16xf32>,
      %max3A_273 = arith.maximumf %max3A_268, %get3A_272 : vector<16xf32>
      %add3A_274 = arith.constant 64 : i32
      %add3A_275 = arith.addi %mul3A_257, %add3A_274 : i32
      %get3A_276 = arith.index_cast %add3A_275 : i32 to index
      %get3A_277 = tpu.vector_load %arg7[%get3A_276] {strides = array<i32>} : memref<20000xf32, #tpu.memory_space<vmem>>, vector<16xf32>,
      %max3A_278 = arith.maximumf %max3A_273, %get3A_277 : vector<16xf32>
      %add3A_279 = arith.constant 80 : i32
      %add3A_280 = arith.addi %mul3A_257, %add3A_279 : i32
      %get3A_281 = arith.index_cast %add3A_280 : i32 to index
      %get3A_282 = tpu.vector_load %arg7[%get3A_281] {strides = array<i32>} : memref<20000xf32, #tpu.memory_space<vmem>>, vector<16xf32>,
      %max3A_283 = arith.maximumf %max3A_278, %get3A_282 : vector<16xf32>
      %add3A_284 = arith.constant 96 : i32
      %add3A_285 = arith.addi %mul3A_257, %add3A_284 : i32
      %get3A_286 = arith.index_cast %add3A_285 : i32 to index
      %get3A_287 = tpu.vector_load %arg7[%get3A_286] {strides = array<i32>} : memref<20000xf32, #tpu.memory_space<vmem>>, vector<16xf32>,
      %max3A_288 = arith.maximumf %max3A_283, %get3A_287 : vector<16xf32>
      %add3A_289 = arith.constant 112 : i32
      %add3A_290 = arith.addi %mul3A_257, %add3A_289 : i32
      %get3A_291 = arith.index_cast %add3A_290 : i32 to index
      %get3A_292 = tpu.vector_load %arg7[%get3A_291] {strides = array<i32>} : memref<20000xf32, #tpu.memory_space<vmem>>, vector<16xf32>,
      %max3A_293 = arith.maximumf %max3A_288, %get3A_292 : vector<16xf32>
      %add3A_294 = arith.constant 128 : i32
      %add3A_295 = arith.addi %mul3A_257, %add3A_294 : i32
      %get3A_296 = arith.index_cast %add3A_295 : i32 to index
      %get3A_297 = tpu.vector_load %arg7[%get3A_296] {strides = array<i32>} : memref<20000xf32, #tpu.memory_space<vmem>>, vector<16xf32>,
      %max3A_298 = arith.maximumf %max3A_293, %get3A_297 : vector<16xf32>
      %add3A_299 = arith.constant 144 : i32
      %add3A_300 = arith.addi %mul3A_257, %add3A_299 : i32
      %get3A_301 = arith.index_cast %add3A_300 : i32 to index
      %get3A_302 = tpu.vector_load %arg7[%get3A_301] {strides = array<i32>} : memref<20000xf32, #tpu.memory_space<vmem>>, vector<16xf32>,
      %max3A_303 = arith.maximumf %max3A_298, %get3A_302 : vector<16xf32>
      %add3A_304 = arith.constant 160 : i32
      %add3A_305 = arith.addi %mul3A_257, %add3A_304 : i32
      %get3A_306 = arith.index_cast %add3A_305 : i32 to index
      %get3A_307 = tpu.vector_load %arg7[%get3A_306] {strides = array<i32>} : memref<20000xf32, #tpu.memory_space<vmem>>, vector<16xf32>,
      %max3A_308 = arith.maximumf %max3A_303, %get3A_307 : vector<16xf32>
      %add3A_309 = arith.constant 176 : i32
      %add3A_310 = arith.addi %mul3A_257, %add3A_309 : i32
      %get3A_311 = arith.index_cast %add3A_310 : i32 to index
      %get3A_312 = tpu.vector_load %arg7[%get3A_311] {strides = array<i32>} : memref<20000xf32, #tpu.memory_space<vmem>>, vector<16xf32>,
      %max3A_313 = arith.maximumf %max3A_308, %get3A_312 : vector<16xf32>
      %add3A_314 = arith.constant 192 : i32
      %add3A_315 = arith.addi %mul3A_257, %add3A_314 : i32
      %get3A_316 = arith.index_cast %add3A_315 : i32 to index
      %get3A_317 = tpu.vector_load %arg7[%get3A_316] {strides = array<i32>} : memref<20000xf32, #tpu.memory_space<vmem>>, vector<16xf32>,
      %max3A_318 = arith.maximumf %max3A_313, %get3A_317 : vector<16xf32>
      %add3A_319 = arith.constant 208 : i32
      %add3A_320 = arith.addi %mul3A_257, %add3A_319 : i32
      %get3A_321 = arith.index_cast %add3A_320 : i32 to index
      %get3A_322 = tpu.vector_load %arg7[%get3A_321] {strides = array<i32>} : memref<20000xf32, #tpu.memory_space<vmem>>, vector<16xf32>,
      %max3A_323 = arith.maximumf %max3A_318, %get3A_322 : vector<16xf32>
      %add3A_324 = arith.constant 224 : i32
      %add3A_325 = arith.addi %mul3A_257, %add3A_324 : i32
      %get3A_326 = arith.index_cast %add3A_325 : i32 to index
      %get3A_327 = tpu.vector_load %arg7[%get3A_326] {strides = array<i32>} : memref<20000xf32, #tpu.memory_space<vmem>>, vector<16xf32>,
      %max3A_328 = arith.maximumf %max3A_323, %get3A_327 : vector<16xf32>
      %add3A_329 = arith.constant 240 : i32
      %add3A_330 = arith.addi %mul3A_257, %add3A_329 : i32
      %get3A_331 = arith.index_cast %add3A_330 : i32 to index
      %get3A_332 = tpu.vector_load %arg7[%get3A_331] {strides = array<i32>} : memref<20000xf32, #tpu.memory_space<vmem>>, vector<16xf32>,
      %max3A_333 = arith.maximumf %max3A_328, %get3A_332 : vector<16xf32>
      %add3A_334 = arith.constant 256 : i32
      %add3A_335 = arith.addi %mul3A_257, %add3A_334 : i32
      %get3A_336 = arith.index_cast %add3A_335 : i32 to index
      %get3A_337 = tpu.vector_load %arg7[%get3A_336] {strides = array<i32>} : memref<20000xf32, #tpu.memory_space<vmem>>, vector<16xf32>,
      %max3A_338 = arith.maximumf %max3A_333, %get3A_337 : vector<16xf32>
      %add3A_339 = arith.constant 272 : i32
      %add3A_340 = arith.addi %mul3A_257, %add3A_339 : i32
      %get3A_341 = arith.index_cast %add3A_340 : i32 to index
      %get3A_342 = tpu.vector_load %arg7[%get3A_341] {strides = array<i32>} : memref<20000xf32, #tpu.memory_space<vmem>>, vector<16xf32>,
      %max3A_343 = arith.maximumf %max3A_338, %get3A_342 : vector<16xf32>
      %add3A_344 = arith.constant 288 : i32
      %add3A_345 = arith.addi %mul3A_257, %add3A_344 : i32
      %get3A_346 = arith.index_cast %add3A_345 : i32 to index
      %get3A_347 = tpu.vector_load %arg7[%get3A_346] {strides = array<i32>} : memref<20000xf32, #tpu.memory_space<vmem>>, vector<16xf32>,
      %max3A_348 = arith.maximumf %max3A_343, %get3A_347 : vector<16xf32>
      %add3A_349 = arith.constant 304 : i32
      %add3A_350 = arith.addi %mul3A_257, %add3A_349 : i32
      %get3A_351 = arith.index_cast %add3A_350 : i32 to index
      %get3A_352 = tpu.vector_load %arg7[%get3A_351] {strides = array<i32>} : memref<20000xf32, #tpu.memory_space<vmem>>, vector<16xf32>,
      %max3A_353 = arith.maximumf %max3A_348, %get3A_352 : vector<16xf32>
      %add3A_354 = arith.constant 320 : i32
      %add3A_355 = arith.addi %mul3A_257, %add3A_354 : i32
      %get3A_356 = arith.index_cast %add3A_355 : i32 to index
      %get3A_357 = tpu.vector_load %arg7[%get3A_356] {strides = array<i32>} : memref<20000xf32, #tpu.memory_space<vmem>>, vector<16xf32>,
      %max3A_358 = arith.maximumf %max3A_353, %get3A_357 : vector<16xf32>
      %add3A_359 = arith.constant 336 : i32
      %add3A_360 = arith.addi %mul3A_257, %add3A_359 : i32
      %get3A_361 = arith.index_cast %add3A_360 : i32 to index
      %get3A_362 = tpu.vector_load %arg7[%get3A_361] {strides = array<i32>} : memref<20000xf32, #tpu.memory_space<vmem>>, vector<16xf32>,
      %max3A_363 = arith.maximumf %max3A_358, %get3A_362 : vector<16xf32>
      %add3A_364 = arith.constant 352 : i32
      %add3A_365 = arith.addi %mul3A_257, %add3A_364 : i32
      %get3A_366 = arith.index_cast %add3A_365 : i32 to index
      %get3A_367 = tpu.vector_load %arg7[%get3A_366] {strides = array<i32>} : memref<20000xf32, #tpu.memory_space<vmem>>, vector<16xf32>,
      %max3A_368 = arith.maximumf %max3A_363, %get3A_367 : vector<16xf32>
      %add3A_369 = arith.constant 368 : i32
      %add3A_370 = arith.addi %mul3A_257, %add3A_369 : i32
      %get3A_371 = arith.index_cast %add3A_370 : i32 to index
      %get3A_372 = tpu.vector_load %arg7[%get3A_371] {strides = array<i32>} : memref<20000xf32, #tpu.memory_space<vmem>>, vector<16xf32>,
      %max3A_373 = arith.maximumf %max3A_368, %get3A_372 : vector<16xf32>
      %add3A_374 = arith.constant 384 : i32
      %add3A_375 = arith.addi %mul3A_257, %add3A_374 : i32
      %get3A_376 = arith.index_cast %add3A_375 : i32 to index
      %get3A_377 = tpu.vector_load %arg7[%get3A_376] {strides = array<i32>} : memref<20000xf32, #tpu.memory_space<vmem>>, vector<16xf32>,
      %max3A_378 = arith.maximumf %max3A_373, %get3A_377 : vector<16xf32>
      %gt3A = arith.cmpf ogt, %max3A_378, %scan3A_255 : vector<16xf32>
      %reduce_or3A = arith.constant 1.000000e+00 : f32
      %reduce_or3A_379 = arith.constant 0.000000e+00 : f32
      %reduce_or3A_380 = vector.broadcast %reduce_or3A : f32 to vector<16xf32>
      %reduce_or3A_381 = vector.broadcast %reduce_or3A_379 : f32 to vector<16xf32>
      %reduce_or3A_382 = arith.select %gt3A, %reduce_or3A_380, %reduce_or3A_381 : vector<16xi1>, vector<16xf32>
      %reduce_or3A_383 = arith.constant true
      %reduce_or3A_384 = vector.broadcast %reduce_or3A_383 : i1 to vector<16xi1>
      %reduce_or3A_385 = tpu.scan <max>, %reduce_or3A_382 masked %reduce_or3A_384 : vector<16xf32>, vector<16xi1> -> vector<16xf32>
      %reduce_or3A_386 = vector.extract %reduce_or3A_385[15] : f32 from vector<16xf32>
      %reduce_or3A_387 = arith.constant 0.000000e+00 : f32
      %reduce_or3A_388 = arith.cmpf ogt, %reduce_or3A_386, %reduce_or3A_387 : f32
      %convert_element_type3A = arith.extui %reduce_or3A_388 : i1 to i32
      %cond3A = arith.constant 0 : i32
      %cond3A_389 = arith.cmpi ne, %convert_element_type3A, %cond3A : i32
      %cond3A_390:3 = scf.if %cond3A_389 -> (vector<16xf32>, vector<16xi32>, vector<16xf32>) {
        %scan3A_391 = arith.constant 0 : i32
        %scan3A_392 = arith.constant 25 : i32
        %scan3A_393 = arith.addi %scan3A_391, %scan3A_392 : i32
        %scan3A_394 = arith.constant 1 : i32
        %scan3A_395:3 = scf.for %scan3A_397 = %scan3A_391 to %scan3A_393 step %scan3A_394 iter_args(%scan3A_398 = %scan3A_253, %scan3A_399 = %scan3A_254, %scan3A_400 = %scan3A_255) -> (vector<16xf32>, vector<16xi32>, vector<16xf32>)  : i32 {
          %mul3A_401 = arith.constant 16 : i32
          %mul3A_402 = arith.muli %scan3A_397, %mul3A_401 : i32
          %add3A_403 = arith.addi %mul3A_257, %mul3A_402 : i32
          %get3A_404 = arith.index_cast %add3A_403 : i32 to index
          %get3A_405 = tpu.vector_load %arg7[%get3A_404] {strides = array<i32>} : memref<20000xf32, #tpu.memory_space<vmem>>, vector<16xf32>,
          %gt3A_406 = arith.cmpf ogt, %get3A_405, %scan3A_400 : vector<16xf32>
          %reduce_or3A_407 = arith.constant 1.000000e+00 : f32
          %reduce_or3A_408 = arith.constant 0.000000e+00 : f32
          %reduce_or3A_409 = vector.broadcast %reduce_or3A_407 : f32 to vector<16xf32>
          %reduce_or3A_410 = vector.broadcast %reduce_or3A_408 : f32 to vector<16xf32>
          %reduce_or3A_411 = arith.select %gt3A_406, %reduce_or3A_409, %reduce_or3A_410 : vector<16xi1>, vector<16xf32>
          %reduce_or3A_412 = arith.constant true
          %reduce_or3A_413 = vector.broadcast %reduce_or3A_412 : i1 to vector<16xi1>
          %reduce_or3A_414 = tpu.scan <max>, %reduce_or3A_411 masked %reduce_or3A_413 : vector<16xf32>, vector<16xi1> -> vector<16xf32>
          %reduce_or3A_415 = vector.extract %reduce_or3A_414[15] : f32 from vector<16xf32>
          %reduce_or3A_416 = arith.constant 0.000000e+00 : f32
          %reduce_or3A_417 = arith.cmpf ogt, %reduce_or3A_415, %reduce_or3A_416 : f32
          %convert_element_type3A_418 = arith.extui %reduce_or3A_417 : i1 to i32
          %cond3A_419 = arith.constant 0 : i32
          %cond3A_420 = arith.cmpi ne, %convert_element_type3A_418, %cond3A_419 : i32
          %cond3A_421:3 = scf.if %cond3A_420 -> (vector<16xf32>, vector<16xi32>, vector<16xf32>) {
            %add3A_422 = arith.addf %get3A_405, %get3A_152 : vector<16xf32>
            %add3A_423 = arith.constant 360000 : i32
            %add3A_424 = arith.addi %add3A_423, %add3A_403 : i32
            %add3A_425 = vector.broadcast %add3A_424 : i32 to vector<16xi32>
            %add3A_426 = arith.addi %iota3A, %add3A_425 : vector<16xi32>
            %masked_sort3A = arith.constant dense<true> : vector<16xi1>
            %masked_sort3A_427, %masked_sort3A_428, %masked_sort3A_429 = tpu.sort %add3A_422, %add3A_426 masked %masked_sort3A {descending = true} : (vector<16xf32>, vector<16xi32>, vector<16xi1>) -> (vector<16xi1>, vector<16xf32>, vector<16xi32>)
            %gt3A_430 = arith.cmpf ogt, %scan3A_398, %masked_sort3A_428 : vector<16xf32>
            %eq3A_431 = arith.cmpf oeq, %scan3A_398, %masked_sort3A_428 : vector<16xf32>
            %lt3A_432 = arith.cmpi slt, %scan3A_399, %masked_sort3A_429 : vector<16xi32>
            %and3A_433 = arith.andi %eq3A_431, %lt3A_432 : vector<16xi1>
            %or3A = arith.ori %gt3A_430, %and3A_433 : vector<16xi1>
            %max3A_434 = arith.maximumf %scan3A_398, %masked_sort3A_428 : vector<16xf32>
            %select_n3A_435 = arith.select %or3A, %scan3A_399, %masked_sort3A_429 : vector<16xi1>, vector<16xi32>
            %masked_sort3A_436 = arith.constant dense<true> : vector<16xi1>
            %masked_sort3A_437, %masked_sort3A_438, %masked_sort3A_439 = tpu.sort %max3A_434, %select_n3A_435 masked %masked_sort3A_436 : (vector<16xf32>, vector<16xi32>, vector<16xi1>) -> (vector<16xi1>, vector<16xf32>, vector<16xi32>)
            %slice3A_440 = vector.extract_strided_slice %masked_sort3A_438 {offsets = [0], sizes = [1], strides = [1]} : vector<16xf32> to vector<1xf32>
            %squeeze3A_441 = vector.extract %slice3A_440[0] : f32 from vector<1xf32>
            %broadcast_in_dim3A_442 = vector.broadcast %squeeze3A_441 : f32 to vector<16xf32>
            %sub3A_443 = arith.subf %broadcast_in_dim3A_442, %get3A_152 : vector<16xf32>
            scf.yield %masked_sort3A_438, %masked_sort3A_439, %sub3A_443 : vector<16xf32>, vector<16xi32>, vector<16xf32>
          } else {
            scf.yield %scan3A_398, %scan3A_399, %scan3A_400 : vector<16xf32>, vector<16xi32>, vector<16xf32>
          }
          scf.yield %cond3A_421#0, %cond3A_421#1, %cond3A_421#2 : vector<16xf32>, vector<16xi32>, vector<16xf32>
        }
        %scan3A_396 = arith.constant 25 : i32
        scf.yield %scan3A_395#0, %scan3A_395#1, %scan3A_395#2 : vector<16xf32>, vector<16xi32>, vector<16xf32>
      } else {
        scf.yield %scan3A_253, %scan3A_254, %scan3A_255 : vector<16xf32>, vector<16xi32>, vector<16xf32>
      }
      scf.yield %cond3A_390#0, %cond3A_390#1, %cond3A_390#2 : vector<16xf32>, vector<16xi32>, vector<16xf32>
    }
    %scan3A_162 = arith.constant 50 : i32
    %dma_wait3A_163 = arith.constant 20000 : i32
    %dma_wait3A_164 = tpu.memref_slice %arg2[%add3A_120, %dma_wait3A_163] : memref<64x400000xf32, #tpu.memory_space<hbm>> -> memref<1x20000xf32, #tpu.memory_space<hbm>>
    %dma_wait3A_165 = tpu.memref_squeeze %dma_wait3A_164 : memref<1x20000xf32, #tpu.memory_space<hbm>> -> memref<20000xf32, #tpu.memory_space<hbm>>
    %dma_wait3A_166 = arith.constant 20000 : i32
    %dma_wait3A_167 = tpu.memref_slice %arg2[%add3A_120, %dma_wait3A_166] : memref<64x400000xf32, #tpu.memory_space<hbm>> -> memref<1x20000xf32, #tpu.memory_space<hbm>>
    %dma_wait3A_168 = tpu.memref_squeeze %dma_wait3A_167 : memref<1x20000xf32, #tpu.memory_space<hbm>> -> memref<20000xf32, #tpu.memory_space<hbm>>
    tpu.wait_dma2 semaphore(%arg14 : memref<!tpu.dma_semaphore, #tpu.memory_space<semaphore_mem>>) src(%dma_wait3A_168 : memref<20000xf32, #tpu.memory_space<hbm>>) dst(%arg8 : memref<20000xf32, #tpu.memory_space<vmem>>)
    %get3A_169 = arith.constant 3 : i32
    %get3A_170 = arith.index_cast %get3A_169 : i32 to index
    %get3A_171 = arith.constant 0 : index
    %get3A_172 = tpu.vector_load %arg9[%get3A_170, %get3A_171] {strides = array<i32>} : memref<4x16xf32, #tpu.memory_space<vmem>>, vector<16xf32>,
    %slice3A_173 = vector.extract_strided_slice %scan3A_161#0 {offsets = [0], sizes = [1], strides = [1]} : vector<16xf32> to vector<1xf32>
    %squeeze3A_174 = vector.extract %slice3A_173[0] : f32 from vector<1xf32>
    %broadcast_in_dim3A_175 = vector.broadcast %squeeze3A_174 : f32 to vector<16xf32>
    %sub3A_176 = arith.subf %broadcast_in_dim3A_175, %get3A_172 : vector<16xf32>
    %scan3A_177 = arith.constant 0 : i32
    %scan3A_178 = arith.constant 50 : i32
    %scan3A_179 = arith.addi %scan3A_177, %scan3A_178 : i32
    %scan3A_180 = arith.constant 1 : i32
    %scan3A_181:3 = scf.for %scan3A_252 = %scan3A_177 to %scan3A_179 step %scan3A_180 iter_args(%scan3A_253 = %scan3A_161#0, %scan3A_254 = %scan3A_161#1, %scan3A_255 = %sub3A_176) -> (vector<16xf32>, vector<16xi32>, vector<16xf32>)  : i32 {
      %mul3A_256 = arith.constant 400 : i32
      %mul3A_257 = arith.muli %scan3A_252, %mul3A_256 : i32
      %get3A_258 = arith.index_cast %mul3A_257 : i32 to index
      %get3A_259 = tpu.vector_load %arg8[%get3A_258] {strides = array<i32>} : memref<20000xf32, #tpu.memory_space<vmem>>, vector<16xf32>,
      %add3A_260 = arith.constant 16 : i32
      %add3A_261 = arith.addi %mul3A_257, %add3A_260 : i32
      %get3A_262 = arith.index_cast %add3A_261 : i32 to index
      %get3A_263 = tpu.vector_load %arg8[%get3A_262] {strides = array<i32>} : memref<20000xf32, #tpu.memory_space<vmem>>, vector<16xf32>,
      %max3A = arith.maximumf %get3A_259, %get3A_263 : vector<16xf32>
      %add3A_264 = arith.constant 32 : i32
      %add3A_265 = arith.addi %mul3A_257, %add3A_264 : i32
      %get3A_266 = arith.index_cast %add3A_265 : i32 to index
      %get3A_267 = tpu.vector_load %arg8[%get3A_266] {strides = array<i32>} : memref<20000xf32, #tpu.memory_space<vmem>>, vector<16xf32>,
      %max3A_268 = arith.maximumf %max3A, %get3A_267 : vector<16xf32>
      %add3A_269 = arith.constant 48 : i32
      %add3A_270 = arith.addi %mul3A_257, %add3A_269 : i32
      %get3A_271 = arith.index_cast %add3A_270 : i32 to index
      %get3A_272 = tpu.vector_load %arg8[%get3A_271] {strides = array<i32>} : memref<20000xf32, #tpu.memory_space<vmem>>, vector<16xf32>,
      %max3A_273 = arith.maximumf %max3A_268, %get3A_272 : vector<16xf32>
      %add3A_274 = arith.constant 64 : i32
      %add3A_275 = arith.addi %mul3A_257, %add3A_274 : i32
      %get3A_276 = arith.index_cast %add3A_275 : i32 to index
      %get3A_277 = tpu.vector_load %arg8[%get3A_276] {strides = array<i32>} : memref<20000xf32, #tpu.memory_space<vmem>>, vector<16xf32>,
      %max3A_278 = arith.maximumf %max3A_273, %get3A_277 : vector<16xf32>
      %add3A_279 = arith.constant 80 : i32
      %add3A_280 = arith.addi %mul3A_257, %add3A_279 : i32
      %get3A_281 = arith.index_cast %add3A_280 : i32 to index
      %get3A_282 = tpu.vector_load %arg8[%get3A_281] {strides = array<i32>} : memref<20000xf32, #tpu.memory_space<vmem>>, vector<16xf32>,
      %max3A_283 = arith.maximumf %max3A_278, %get3A_282 : vector<16xf32>
      %add3A_284 = arith.constant 96 : i32
      %add3A_285 = arith.addi %mul3A_257, %add3A_284 : i32
      %get3A_286 = arith.index_cast %add3A_285 : i32 to index
      %get3A_287 = tpu.vector_load %arg8[%get3A_286] {strides = array<i32>} : memref<20000xf32, #tpu.memory_space<vmem>>, vector<16xf32>,
      %max3A_288 = arith.maximumf %max3A_283, %get3A_287 : vector<16xf32>
      %add3A_289 = arith.constant 112 : i32
      %add3A_290 = arith.addi %mul3A_257, %add3A_289 : i32
      %get3A_291 = arith.index_cast %add3A_290 : i32 to index
      %get3A_292 = tpu.vector_load %arg8[%get3A_291] {strides = array<i32>} : memref<20000xf32, #tpu.memory_space<vmem>>, vector<16xf32>,
      %max3A_293 = arith.maximumf %max3A_288, %get3A_292 : vector<16xf32>
      %add3A_294 = arith.constant 128 : i32
      %add3A_295 = arith.addi %mul3A_257, %add3A_294 : i32
      %get3A_296 = arith.index_cast %add3A_295 : i32 to index
      %get3A_297 = tpu.vector_load %arg8[%get3A_296] {strides = array<i32>} : memref<20000xf32, #tpu.memory_space<vmem>>, vector<16xf32>,
      %max3A_298 = arith.maximumf %max3A_293, %get3A_297 : vector<16xf32>
      %add3A_299 = arith.constant 144 : i32
      %add3A_300 = arith.addi %mul3A_257, %add3A_299 : i32
      %get3A_301 = arith.index_cast %add3A_300 : i32 to index
      %get3A_302 = tpu.vector_load %arg8[%get3A_301] {strides = array<i32>} : memref<20000xf32, #tpu.memory_space<vmem>>, vector<16xf32>,
      %max3A_303 = arith.maximumf %max3A_298, %get3A_302 : vector<16xf32>
      %add3A_304 = arith.constant 160 : i32
      %add3A_305 = arith.addi %mul3A_257, %add3A_304 : i32
      %get3A_306 = arith.index_cast %add3A_305 : i32 to index
      %get3A_307 = tpu.vector_load %arg8[%get3A_306] {strides = array<i32>} : memref<20000xf32, #tpu.memory_space<vmem>>, vector<16xf32>,
      %max3A_308 = arith.maximumf %max3A_303, %get3A_307 : vector<16xf32>
      %add3A_309 = arith.constant 176 : i32
      %add3A_310 = arith.addi %mul3A_257, %add3A_309 : i32
      %get3A_311 = arith.index_cast %add3A_310 : i32 to index
      %get3A_312 = tpu.vector_load %arg8[%get3A_311] {strides = array<i32>} : memref<20000xf32, #tpu.memory_space<vmem>>, vector<16xf32>,
      %max3A_313 = arith.maximumf %max3A_308, %get3A_312 : vector<16xf32>
      %add3A_314 = arith.constant 192 : i32
      %add3A_315 = arith.addi %mul3A_257, %add3A_314 : i32
      %get3A_316 = arith.index_cast %add3A_315 : i32 to index
      %get3A_317 = tpu.vector_load %arg8[%get3A_316] {strides = array<i32>} : memref<20000xf32, #tpu.memory_space<vmem>>, vector<16xf32>,
      %max3A_318 = arith.maximumf %max3A_313, %get3A_317 : vector<16xf32>
      %add3A_319 = arith.constant 208 : i32
      %add3A_320 = arith.addi %mul3A_257, %add3A_319 : i32
      %get3A_321 = arith.index_cast %add3A_320 : i32 to index
      %get3A_322 = tpu.vector_load %arg8[%get3A_321] {strides = array<i32>} : memref<20000xf32, #tpu.memory_space<vmem>>, vector<16xf32>,
      %max3A_323 = arith.maximumf %max3A_318, %get3A_322 : vector<16xf32>
      %add3A_324 = arith.constant 224 : i32
      %add3A_325 = arith.addi %mul3A_257, %add3A_324 : i32
      %get3A_326 = arith.index_cast %add3A_325 : i32 to index
      %get3A_327 = tpu.vector_load %arg8[%get3A_326] {strides = array<i32>} : memref<20000xf32, #tpu.memory_space<vmem>>, vector<16xf32>,
      %max3A_328 = arith.maximumf %max3A_323, %get3A_327 : vector<16xf32>
      %add3A_329 = arith.constant 240 : i32
      %add3A_330 = arith.addi %mul3A_257, %add3A_329 : i32
      %get3A_331 = arith.index_cast %add3A_330 : i32 to index
      %get3A_332 = tpu.vector_load %arg8[%get3A_331] {strides = array<i32>} : memref<20000xf32, #tpu.memory_space<vmem>>, vector<16xf32>,
      %max3A_333 = arith.maximumf %max3A_328, %get3A_332 : vector<16xf32>
      %add3A_334 = arith.constant 256 : i32
      %add3A_335 = arith.addi %mul3A_257, %add3A_334 : i32
      %get3A_336 = arith.index_cast %add3A_335 : i32 to index
      %get3A_337 = tpu.vector_load %arg8[%get3A_336] {strides = array<i32>} : memref<20000xf32, #tpu.memory_space<vmem>>, vector<16xf32>,
      %max3A_338 = arith.maximumf %max3A_333, %get3A_337 : vector<16xf32>
      %add3A_339 = arith.constant 272 : i32
      %add3A_340 = arith.addi %mul3A_257, %add3A_339 : i32
      %get3A_341 = arith.index_cast %add3A_340 : i32 to index
      %get3A_342 = tpu.vector_load %arg8[%get3A_341] {strides = array<i32>} : memref<20000xf32, #tpu.memory_space<vmem>>, vector<16xf32>,
      %max3A_343 = arith.maximumf %max3A_338, %get3A_342 : vector<16xf32>
      %add3A_344 = arith.constant 288 : i32
      %add3A_345 = arith.addi %mul3A_257, %add3A_344 : i32
      %get3A_346 = arith.index_cast %add3A_345 : i32 to index
      %get3A_347 = tpu.vector_load %arg8[%get3A_346] {strides = array<i32>} : memref<20000xf32, #tpu.memory_space<vmem>>, vector<16xf32>,
      %max3A_348 = arith.maximumf %max3A_343, %get3A_347 : vector<16xf32>
      %add3A_349 = arith.constant 304 : i32
      %add3A_350 = arith.addi %mul3A_257, %add3A_349 : i32
      %get3A_351 = arith.index_cast %add3A_350 : i32 to index
      %get3A_352 = tpu.vector_load %arg8[%get3A_351] {strides = array<i32>} : memref<20000xf32, #tpu.memory_space<vmem>>, vector<16xf32>,
      %max3A_353 = arith.maximumf %max3A_348, %get3A_352 : vector<16xf32>
      %add3A_354 = arith.constant 320 : i32
      %add3A_355 = arith.addi %mul3A_257, %add3A_354 : i32
      %get3A_356 = arith.index_cast %add3A_355 : i32 to index
      %get3A_357 = tpu.vector_load %arg8[%get3A_356] {strides = array<i32>} : memref<20000xf32, #tpu.memory_space<vmem>>, vector<16xf32>,
      %max3A_358 = arith.maximumf %max3A_353, %get3A_357 : vector<16xf32>
      %add3A_359 = arith.constant 336 : i32
      %add3A_360 = arith.addi %mul3A_257, %add3A_359 : i32
      %get3A_361 = arith.index_cast %add3A_360 : i32 to index
      %get3A_362 = tpu.vector_load %arg8[%get3A_361] {strides = array<i32>} : memref<20000xf32, #tpu.memory_space<vmem>>, vector<16xf32>,
      %max3A_363 = arith.maximumf %max3A_358, %get3A_362 : vector<16xf32>
      %add3A_364 = arith.constant 352 : i32
      %add3A_365 = arith.addi %mul3A_257, %add3A_364 : i32
      %get3A_366 = arith.index_cast %add3A_365 : i32 to index
      %get3A_367 = tpu.vector_load %arg8[%get3A_366] {strides = array<i32>} : memref<20000xf32, #tpu.memory_space<vmem>>, vector<16xf32>,
      %max3A_368 = arith.maximumf %max3A_363, %get3A_367 : vector<16xf32>
      %add3A_369 = arith.constant 368 : i32
      %add3A_370 = arith.addi %mul3A_257, %add3A_369 : i32
      %get3A_371 = arith.index_cast %add3A_370 : i32 to index
      %get3A_372 = tpu.vector_load %arg8[%get3A_371] {strides = array<i32>} : memref<20000xf32, #tpu.memory_space<vmem>>, vector<16xf32>,
      %max3A_373 = arith.maximumf %max3A_368, %get3A_372 : vector<16xf32>
      %add3A_374 = arith.constant 384 : i32
      %add3A_375 = arith.addi %mul3A_257, %add3A_374 : i32
      %get3A_376 = arith.index_cast %add3A_375 : i32 to index
      %get3A_377 = tpu.vector_load %arg8[%get3A_376] {strides = array<i32>} : memref<20000xf32, #tpu.memory_space<vmem>>, vector<16xf32>,
      %max3A_378 = arith.maximumf %max3A_373, %get3A_377 : vector<16xf32>
      %gt3A = arith.cmpf ogt, %max3A_378, %scan3A_255 : vector<16xf32>
      %reduce_or3A = arith.constant 1.000000e+00 : f32
      %reduce_or3A_379 = arith.constant 0.000000e+00 : f32
      %reduce_or3A_380 = vector.broadcast %reduce_or3A : f32 to vector<16xf32>
      %reduce_or3A_381 = vector.broadcast %reduce_or3A_379 : f32 to vector<16xf32>
      %reduce_or3A_382 = arith.select %gt3A, %reduce_or3A_380, %reduce_or3A_381 : vector<16xi1>, vector<16xf32>
      %reduce_or3A_383 = arith.constant true
      %reduce_or3A_384 = vector.broadcast %reduce_or3A_383 : i1 to vector<16xi1>
      %reduce_or3A_385 = tpu.scan <max>, %reduce_or3A_382 masked %reduce_or3A_384 : vector<16xf32>, vector<16xi1> -> vector<16xf32>
      %reduce_or3A_386 = vector.extract %reduce_or3A_385[15] : f32 from vector<16xf32>
      %reduce_or3A_387 = arith.constant 0.000000e+00 : f32
      %reduce_or3A_388 = arith.cmpf ogt, %reduce_or3A_386, %reduce_or3A_387 : f32
      %convert_element_type3A = arith.extui %reduce_or3A_388 : i1 to i32
      %cond3A = arith.constant 0 : i32
      %cond3A_389 = arith.cmpi ne, %convert_element_type3A, %cond3A : i32
      %cond3A_390:3 = scf.if %cond3A_389 -> (vector<16xf32>, vector<16xi32>, vector<16xf32>) {
        %scan3A_391 = arith.constant 0 : i32
        %scan3A_392 = arith.constant 25 : i32
        %scan3A_393 = arith.addi %scan3A_391, %scan3A_392 : i32
        %scan3A_394 = arith.constant 1 : i32
        %scan3A_395:3 = scf.for %scan3A_397 = %scan3A_391 to %scan3A_393 step %scan3A_394 iter_args(%scan3A_398 = %scan3A_253, %scan3A_399 = %scan3A_254, %scan3A_400 = %scan3A_255) -> (vector<16xf32>, vector<16xi32>, vector<16xf32>)  : i32 {
          %mul3A_401 = arith.constant 16 : i32
          %mul3A_402 = arith.muli %scan3A_397, %mul3A_401 : i32
          %add3A_403 = arith.addi %mul3A_257, %mul3A_402 : i32
          %get3A_404 = arith.index_cast %add3A_403 : i32 to index
          %get3A_405 = tpu.vector_load %arg8[%get3A_404] {strides = array<i32>} : memref<20000xf32, #tpu.memory_space<vmem>>, vector<16xf32>,
          %gt3A_406 = arith.cmpf ogt, %get3A_405, %scan3A_400 : vector<16xf32>
          %reduce_or3A_407 = arith.constant 1.000000e+00 : f32
          %reduce_or3A_408 = arith.constant 0.000000e+00 : f32
          %reduce_or3A_409 = vector.broadcast %reduce_or3A_407 : f32 to vector<16xf32>
          %reduce_or3A_410 = vector.broadcast %reduce_or3A_408 : f32 to vector<16xf32>
          %reduce_or3A_411 = arith.select %gt3A_406, %reduce_or3A_409, %reduce_or3A_410 : vector<16xi1>, vector<16xf32>
          %reduce_or3A_412 = arith.constant true
          %reduce_or3A_413 = vector.broadcast %reduce_or3A_412 : i1 to vector<16xi1>
          %reduce_or3A_414 = tpu.scan <max>, %reduce_or3A_411 masked %reduce_or3A_413 : vector<16xf32>, vector<16xi1> -> vector<16xf32>
          %reduce_or3A_415 = vector.extract %reduce_or3A_414[15] : f32 from vector<16xf32>
          %reduce_or3A_416 = arith.constant 0.000000e+00 : f32
          %reduce_or3A_417 = arith.cmpf ogt, %reduce_or3A_415, %reduce_or3A_416 : f32
          %convert_element_type3A_418 = arith.extui %reduce_or3A_417 : i1 to i32
          %cond3A_419 = arith.constant 0 : i32
          %cond3A_420 = arith.cmpi ne, %convert_element_type3A_418, %cond3A_419 : i32
          %cond3A_421:3 = scf.if %cond3A_420 -> (vector<16xf32>, vector<16xi32>, vector<16xf32>) {
            %add3A_422 = arith.addf %get3A_405, %get3A_172 : vector<16xf32>
            %add3A_423 = arith.constant 380000 : i32
            %add3A_424 = arith.addi %add3A_423, %add3A_403 : i32
            %add3A_425 = vector.broadcast %add3A_424 : i32 to vector<16xi32>
            %add3A_426 = arith.addi %iota3A, %add3A_425 : vector<16xi32>
            %masked_sort3A = arith.constant dense<true> : vector<16xi1>
            %masked_sort3A_427, %masked_sort3A_428, %masked_sort3A_429 = tpu.sort %add3A_422, %add3A_426 masked %masked_sort3A {descending = true} : (vector<16xf32>, vector<16xi32>, vector<16xi1>) -> (vector<16xi1>, vector<16xf32>, vector<16xi32>)
            %gt3A_430 = arith.cmpf ogt, %scan3A_398, %masked_sort3A_428 : vector<16xf32>
            %eq3A_431 = arith.cmpf oeq, %scan3A_398, %masked_sort3A_428 : vector<16xf32>
            %lt3A_432 = arith.cmpi slt, %scan3A_399, %masked_sort3A_429 : vector<16xi32>
            %and3A_433 = arith.andi %eq3A_431, %lt3A_432 : vector<16xi1>
            %or3A = arith.ori %gt3A_430, %and3A_433 : vector<16xi1>
            %max3A_434 = arith.maximumf %scan3A_398, %masked_sort3A_428 : vector<16xf32>
            %select_n3A_435 = arith.select %or3A, %scan3A_399, %masked_sort3A_429 : vector<16xi1>, vector<16xi32>
            %masked_sort3A_436 = arith.constant dense<true> : vector<16xi1>
            %masked_sort3A_437, %masked_sort3A_438, %masked_sort3A_439 = tpu.sort %max3A_434, %select_n3A_435 masked %masked_sort3A_436 : (vector<16xf32>, vector<16xi32>, vector<16xi1>) -> (vector<16xi1>, vector<16xf32>, vector<16xi32>)
            %slice3A_440 = vector.extract_strided_slice %masked_sort3A_438 {offsets = [0], sizes = [1], strides = [1]} : vector<16xf32> to vector<1xf32>
            %squeeze3A_441 = vector.extract %slice3A_440[0] : f32 from vector<1xf32>
            %broadcast_in_dim3A_442 = vector.broadcast %squeeze3A_441 : f32 to vector<16xf32>
            %sub3A_443 = arith.subf %broadcast_in_dim3A_442, %get3A_172 : vector<16xf32>
            scf.yield %masked_sort3A_438, %masked_sort3A_439, %sub3A_443 : vector<16xf32>, vector<16xi32>, vector<16xf32>
          } else {
            scf.yield %scan3A_398, %scan3A_399, %scan3A_400 : vector<16xf32>, vector<16xi32>, vector<16xf32>
          }
          scf.yield %cond3A_421#0, %cond3A_421#1, %cond3A_421#2 : vector<16xf32>, vector<16xi32>, vector<16xf32>
        }
        %scan3A_396 = arith.constant 25 : i32
        scf.yield %scan3A_395#0, %scan3A_395#1, %scan3A_395#2 : vector<16xf32>, vector<16xi32>, vector<16xf32>
      } else {
        scf.yield %scan3A_253, %scan3A_254, %scan3A_255 : vector<16xf32>, vector<16xi32>, vector<16xf32>
      }
      scf.yield %cond3A_390#0, %cond3A_390#1, %cond3A_390#2 : vector<16xf32>, vector<16xi32>, vector<16xf32>
    }
    %scan3A_182 = arith.constant 50 : i32
    %rev3A_183 = arith.constant 15 : i32
    %rev3A_184 = vector.broadcast %rev3A_183 : i32 to vector<16xi32>
    %rev3A_185 = tpu.iota {dimensions = array<i32: 0>} : vector<16xi32>
    %rev3A_186 = arith.subi %rev3A_184, %rev3A_185 : vector<16xi32>
    %rev3A_187 = tpu.dynamic_gather %scan3A_181#0[%rev3A_186] in [0] : vector<16xf32>, vector<16xi32> -> vector<16xf32>
    %rev3A_188 = arith.constant 15 : i32
    %rev3A_189 = vector.broadcast %rev3A_188 : i32 to vector<16xi32>
    %rev3A_190 = tpu.iota {dimensions = array<i32: 0>} : vector<16xi32>
    %rev3A_191 = arith.subi %rev3A_189, %rev3A_190 : vector<16xi32>
    %rev3A_192 = tpu.dynamic_gather %scan3A_181#1[%rev3A_191] in [0] : vector<16xi32>, vector<16xi32> -> vector<16xi32>
    %swap3A_193 = arith.constant 0 : index
    %swap3A_194 = tpu.vector_load %arg10[%swap3A_193] {strides = array<i32>} : memref<16xf32, #tpu.memory_space<vmem>>, vector<16xf32>,
    tpu.vector_store %arg10[%swap3A_193], %rev3A_187 {strides = array<i32>} : memref<16xf32, #tpu.memory_space<vmem>>, vector<16xf32>,
    %jit3A_195 = arith.constant 100000 : i32
    %eq3A_196 = arith.constant 0 : i32
    %eq3A_197 = arith.cmpi eq, %jit3A_195, %eq3A_196 : i32
    %jit3A_198 = arith.constant 1 : i32
    %select_n3A_199 = arith.select %eq3A_197, %jit3A_198, %jit3A_195 : i32
    %rem3A_200 = vector.broadcast %select_n3A_199 : i32 to vector<16xi32>
    %rem3A_201 = arith.remsi %rev3A_192, %rem3A_200 : vector<16xi32>
    %ne3A_202 = arith.constant 0 : i32
    %ne3A_203 = vector.broadcast %ne3A_202 : i32 to vector<16xi32>
    %ne3A_204 = arith.cmpi ne, %rem3A_201, %ne3A_203 : vector<16xi32>
    %lt3A_205 = arith.constant 0 : i32
    %lt3A_206 = vector.broadcast %lt3A_205 : i32 to vector<16xi32>
    %lt3A_207 = arith.cmpi slt, %rem3A_201, %lt3A_206 : vector<16xi32>
    %lt3A_208 = arith.constant 0 : i32
    %lt3A_209 = arith.cmpi slt, %select_n3A_199, %lt3A_208 : i32
    %ne3A_210 = vector.broadcast %lt3A_209 : i1 to vector<16xi1>
    %ne3A_211 = vector.broadcast %ne3A_210 : vector<16xi1> to vector<16xi1>
    %ne3A_212 = arith.xori %lt3A_207, %ne3A_211 : vector<16xi1>
    %and3A_213 = arith.andi %ne3A_212, %ne3A_204 : vector<16xi1>
    %add3A_214 = vector.broadcast %select_n3A_199 : i32 to vector<16xi32>
    %add3A_215 = arith.addi %rem3A_201, %add3A_214 : vector<16xi32>
    %select_n3A_216 = arith.select %and3A_213, %add3A_215, %rem3A_201 : vector<16xi1>, vector<16xi32>
    %swap3A_217 = arith.constant 0 : index
    %swap3A_218 = tpu.vector_load %arg11[%swap3A_217] {strides = array<i32>} : memref<16xi32, #tpu.memory_space<vmem>>, vector<16xi32>,
    tpu.vector_store %arg11[%swap3A_217], %select_n3A_216 {strides = array<i32>} : memref<16xi32, #tpu.memory_space<vmem>>, vector<16xi32>,
    %jit3A_219 = arith.constant 100000 : i32
    %div3A_220 = vector.broadcast %jit3A_219 : i32 to vector<16xi32>
    %div3A_221 = arith.divsi %rev3A_192, %div3A_220 : vector<16xi32>
    %sign3A_222 = arith.constant 0 : i32
    %sign3A_223 = vector.broadcast %sign3A_222 : i32 to vector<16xi32>
    %sign3A_224 = arith.cmpi sgt, %rev3A_192, %sign3A_223 : vector<16xi32>
    %sign3A_225 = arith.extui %sign3A_224 : vector<16xi1> to vector<16xi32>
    %sign3A_226 = arith.constant 0 : i32
    %sign3A_227 = vector.broadcast %sign3A_226 : i32 to vector<16xi32>
    %sign3A_228 = arith.cmpi slt, %rev3A_192, %sign3A_227 : vector<16xi32>
    %sign3A_229 = arith.extui %sign3A_228 : vector<16xi1> to vector<16xi32>
    %sign3A_230 = arith.subi %sign3A_225, %sign3A_229 : vector<16xi32>
    %sign3A_231 = arith.constant 0 : i32
    %sign3A_232 = arith.cmpi sgt, %jit3A_219, %sign3A_231 : i32
    %sign3A_233 = arith.extui %sign3A_232 : i1 to i32
    %sign3A_234 = arith.constant 0 : i32
    %sign3A_235 = arith.cmpi slt, %jit3A_219, %sign3A_234 : i32
    %sign3A_236 = arith.extui %sign3A_235 : i1 to i32
    %sign3A_237 = arith.subi %sign3A_233, %sign3A_236 : i32
    %ne3A_238 = vector.broadcast %sign3A_237 : i32 to vector<16xi32>
    %ne3A_239 = arith.cmpi ne, %sign3A_230, %ne3A_238 : vector<16xi32>
    %rem3A_240 = vector.broadcast %jit3A_219 : i32 to vector<16xi32>
    %rem3A_241 = arith.remsi %rev3A_192, %rem3A_240 : vector<16xi32>
    %ne3A_242 = arith.constant 0 : i32
    %ne3A_243 = vector.broadcast %ne3A_242 : i32 to vector<16xi32>
    %ne3A_244 = arith.cmpi ne, %rem3A_241, %ne3A_243 : vector<16xi32>
    %and3A_245 = arith.andi %ne3A_239, %ne3A_244 : vector<16xi1>
    %sub3A_246 = arith.constant 1 : i32
    %sub3A_247 = vector.broadcast %sub3A_246 : i32 to vector<16xi32>
    %sub3A_248 = arith.subi %div3A_221, %sub3A_247 : vector<16xi32>
    %select_n3A_249 = arith.select %and3A_245, %sub3A_248, %div3A_221 : vector<16xi1>, vector<16xi32>
    %swap3A_250 = arith.constant 0 : index
    %swap3A_251 = tpu.vector_load %arg12[%swap3A_250] {strides = array<i32>} : memref<16xi32, #tpu.memory_space<vmem>>, vector<16xi32>,
    tpu.vector_store %arg12[%swap3A_250], %select_n3A_249 {strides = array<i32>} : memref<16xi32, #tpu.memory_space<vmem>>, vector<16xi32>,
    "tpu.region"() ({
      %run_scoped3A = tpu.sem_alloc : memref<!tpu.dma_semaphore, #tpu.memory_space<semaphore_mem>>
      %dma_start3A_252 = arith.constant 0 : i32
      %dma_start3A_253 = tpu.memref_slice %arg4[%add3A_120, %dma_start3A_252] : memref<64x16xf32, #tpu.memory_space<hbm>> -> memref<1x16xf32, #tpu.memory_space<hbm>>
      %dma_start3A_254 = tpu.memref_squeeze %dma_start3A_253 : memref<1x16xf32, #tpu.memory_space<hbm>> -> memref<16xf32, #tpu.memory_space<hbm>>
      %dma_start3A_255 = arith.constant 0 : i32
      %dma_start3A_256 = tpu.memref_slice %arg4[%add3A_120, %dma_start3A_255] : memref<64x16xf32, #tpu.memory_space<hbm>> -> memref<1x16xf32, #tpu.memory_space<hbm>>
      %dma_start3A_257 = tpu.memref_squeeze %dma_start3A_256 : memref<1x16xf32, #tpu.memory_space<hbm>> -> memref<16xf32, #tpu.memory_space<hbm>>
      tpu.enqueue_dma source(%arg10 : memref<16xf32, #tpu.memory_space<vmem>>) target(%dma_start3A_257 : memref<16xf32, #tpu.memory_space<hbm>>) target_semaphore(%run_scoped3A : memref<!tpu.dma_semaphore, #tpu.memory_space<semaphore_mem>>)
      %dma_wait3A_258 = arith.constant 0 : i32
      %dma_wait3A_259 = tpu.memref_slice %arg4[%add3A_120, %dma_wait3A_258] : memref<64x16xf32, #tpu.memory_space<hbm>> -> memref<1x16xf32, #tpu.memory_space<hbm>>
      %dma_wait3A_260 = tpu.memref_squeeze %dma_wait3A_259 : memref<1x16xf32, #tpu.memory_space<hbm>> -> memref<16xf32, #tpu.memory_space<hbm>>
      %dma_wait3A_261 = arith.constant 0 : i32
      %dma_wait3A_262 = tpu.memref_slice %arg4[%add3A_120, %dma_wait3A_261] : memref<64x16xf32, #tpu.memory_space<hbm>> -> memref<1x16xf32, #tpu.memory_space<hbm>>
      %dma_wait3A_263 = tpu.memref_squeeze %dma_wait3A_262 : memref<1x16xf32, #tpu.memory_space<hbm>> -> memref<16xf32, #tpu.memory_space<hbm>>
      tpu.wait_dma2 semaphore(%run_scoped3A : memref<!tpu.dma_semaphore, #tpu.memory_space<semaphore_mem>>) src(%arg10 : memref<16xf32, #tpu.memory_space<vmem>>) dst(%dma_wait3A_263 : memref<16xf32, #tpu.memory_space<hbm>>)
      tpu.yield
    }) : () -> ()
    "tpu.region"() ({
      %run_scoped3A = tpu.sem_alloc : memref<!tpu.dma_semaphore, #tpu.memory_space<semaphore_mem>>
      %dma_start3A_252 = arith.constant 0 : i32
      %dma_start3A_253 = tpu.memref_slice %arg5[%add3A_120, %dma_start3A_252] : memref<64x16xi32, #tpu.memory_space<hbm>> -> memref<1x16xi32, #tpu.memory_space<hbm>>
      %dma_start3A_254 = tpu.memref_squeeze %dma_start3A_253 : memref<1x16xi32, #tpu.memory_space<hbm>> -> memref<16xi32, #tpu.memory_space<hbm>>
      %dma_start3A_255 = arith.constant 0 : i32
      %dma_start3A_256 = tpu.memref_slice %arg5[%add3A_120, %dma_start3A_255] : memref<64x16xi32, #tpu.memory_space<hbm>> -> memref<1x16xi32, #tpu.memory_space<hbm>>
      %dma_start3A_257 = tpu.memref_squeeze %dma_start3A_256 : memref<1x16xi32, #tpu.memory_space<hbm>> -> memref<16xi32, #tpu.memory_space<hbm>>
      tpu.enqueue_dma source(%arg11 : memref<16xi32, #tpu.memory_space<vmem>>) target(%dma_start3A_257 : memref<16xi32, #tpu.memory_space<hbm>>) target_semaphore(%run_scoped3A : memref<!tpu.dma_semaphore, #tpu.memory_space<semaphore_mem>>)
      %dma_wait3A_258 = arith.constant 0 : i32
      %dma_wait3A_259 = tpu.memref_slice %arg5[%add3A_120, %dma_wait3A_258] : memref<64x16xi32, #tpu.memory_space<hbm>> -> memref<1x16xi32, #tpu.memory_space<hbm>>
      %dma_wait3A_260 = tpu.memref_squeeze %dma_wait3A_259 : memref<1x16xi32, #tpu.memory_space<hbm>> -> memref<16xi32, #tpu.memory_space<hbm>>
      %dma_wait3A_261 = arith.constant 0 : i32
      %dma_wait3A_262 = tpu.memref_slice %arg5[%add3A_120, %dma_wait3A_261] : memref<64x16xi32, #tpu.memory_space<hbm>> -> memref<1x16xi32, #tpu.memory_space<hbm>>
      %dma_wait3A_263 = tpu.memref_squeeze %dma_wait3A_262 : memref<1x16xi32, #tpu.memory_space<hbm>> -> memref<16xi32, #tpu.memory_space<hbm>>
      tpu.wait_dma2 semaphore(%run_scoped3A : memref<!tpu.dma_semaphore, #tpu.memory_space<semaphore_mem>>) src(%arg11 : memref<16xi32, #tpu.memory_space<vmem>>) dst(%dma_wait3A_263 : memref<16xi32, #tpu.memory_space<hbm>>)
      tpu.yield
    }) : () -> ()
    "tpu.region"() ({
      %run_scoped3A = tpu.sem_alloc : memref<!tpu.dma_semaphore, #tpu.memory_space<semaphore_mem>>
      %dma_start3A_252 = arith.constant 0 : i32
      %dma_start3A_253 = tpu.memref_slice %arg6[%add3A_120, %dma_start3A_252] : memref<64x16xi32, #tpu.memory_space<hbm>> -> memref<1x16xi32, #tpu.memory_space<hbm>>
      %dma_start3A_254 = tpu.memref_squeeze %dma_start3A_253 : memref<1x16xi32, #tpu.memory_space<hbm>> -> memref<16xi32, #tpu.memory_space<hbm>>
      %dma_start3A_255 = arith.constant 0 : i32
      %dma_start3A_256 = tpu.memref_slice %arg6[%add3A_120, %dma_start3A_255] : memref<64x16xi32, #tpu.memory_space<hbm>> -> memref<1x16xi32, #tpu.memory_space<hbm>>
      %dma_start3A_257 = tpu.memref_squeeze %dma_start3A_256 : memref<1x16xi32, #tpu.memory_space<hbm>> -> memref<16xi32, #tpu.memory_space<hbm>>
      tpu.enqueue_dma source(%arg12 : memref<16xi32, #tpu.memory_space<vmem>>) target(%dma_start3A_257 : memref<16xi32, #tpu.memory_space<hbm>>) target_semaphore(%run_scoped3A : memref<!tpu.dma_semaphore, #tpu.memory_space<semaphore_mem>>)
      %dma_wait3A_258 = arith.constant 0 : i32
      %dma_wait3A_259 = tpu.memref_slice %arg6[%add3A_120, %dma_wait3A_258] : memref<64x16xi32, #tpu.memory_space<hbm>> -> memref<1x16xi32, #tpu.memory_space<hbm>>
      %dma_wait3A_260 = tpu.memref_squeeze %dma_wait3A_259 : memref<1x16xi32, #tpu.memory_space<hbm>> -> memref<16xi32, #tpu.memory_space<hbm>>
      %dma_wait3A_261 = arith.constant 0 : i32
      %dma_wait3A_262 = tpu.memref_slice %arg6[%add3A_120, %dma_wait3A_261] : memref<64x16xi32, #tpu.memory_space<hbm>> -> memref<1x16xi32, #tpu.memory_space<hbm>>
      %dma_wait3A_263 = tpu.memref_squeeze %dma_wait3A_262 : memref<1x16xi32, #tpu.memory_space<hbm>> -> memref<16xi32, #tpu.memory_space<hbm>>
      tpu.wait_dma2 semaphore(%run_scoped3A : memref<!tpu.dma_semaphore, #tpu.memory_space<semaphore_mem>>) src(%arg12 : memref<16xi32, #tpu.memory_space<vmem>>) dst(%dma_wait3A_263 : memref<16xi32, #tpu.memory_space<hbm>>)
      tpu.yield
    }) : () -> ()
    return
  }
}

</mosaic_0001>

<sc_bundles>
// kernel: _topk_sc.3.cloned.1.call-start
scs
__scs_entry_jumppad:
0x0: {  	(pc) =	sbr.rel $0x88, $3  }
0x1: {  	(tag) =	ssettag $0x0;
	lr =	simm.s32 $0x1  }
0x2: {  	[smem:$0x3F9F] =	sst lr;
	_ =	strace $0xD0000000  }
0x3: {  	_ = 	snop  }
0x4: {  	_ = 	snop  }
0x5: {  	_ = 	snop  }
0x6: {  	_ = 	snop  }
0x7: {  	_ = 	snop  }
__scs_overlays_trampoline_lowered:
0x8: {  	[smem:$0x3FAE] =	sst s0  }
0x9: {  	[smem:$0x3FAF] =	sst s1  }
0xa: {  	[smem:$0x3FB0] =	sst s2  }
0xb: {  	[smem:$0x3FB1] =	sst s3  }
0xc: {  	[smem:$0x3FB2] =	sst s4  }
0xd: {  	[smem:$0x3FB3] =	sst s5  }
0xe: {  	[smem:$0x3FB4] =	sst s6  }
0xf: {  	[smem:$0x3FB5] =	sst s7  }
0x10: {  	[smem:$0x3FB6] =	sst s8  }
0x11: {  	[smem:$0x3FB7] =	sst s9;
	s0 =	simm.s32 @!p0 $0x0  }
0x12: {  	s1 =	sld [smem:$0x3F9D];
	s0 =	simm.s32 @p0 $0x1  }
0x13: {  	[smem:$0x3FB8] =	sst s0;
	s0 =	simm.s32 @!p1 $0x0  }
0x14: {  	s2 =	sld [smem:$0x3F9C];
	s0 =	simm.s32 @p1 $0x1  }
0x15: {  	[smem:$0x3FB9] =	sst s0;
	s0 =	simm.s32 @!p2 $0x0  }
0x16: {  	s3 =	sld [smem:$0x3FDB];
	s0 =	simm.s32 @p2 $0x1  }
0x17: {  	s4 =	simm.s32 $0x1BF5;
	[smem:$0x3FBB] =	sst s0  }
0x18: {  	s0 =	sld [smem:$0x3F9E];
	_ =	swait.ge [sflag:s4], $0x0  }
0x19: {  	s7 =	sld [smem:$0x3F9F]  }
0x1a: {  	s8 =	sadd.s32 $0xFFFFE003, lr  }
0x1b: {  	s9 =	sadd.s32 $0xFFFFFEF7, lr;
	s5 =	simm.s32 $0xFFFFFFFF;
	p2 =	slt.u32 s8, $0xFFFFF086  }
0x1c: {  	p1 =	slt.u32 s9, $0xF7A;
	s5 =	simm.s32 @!p2 $0x0  }
0x1d: {  	s5 =	simm.s32 @p1 $0x1;
	p0 =	seq.s32 s7, s2  }
0x1e: {  	s7 =	smul.u32 @!p0 $0xF7A, s2;
	p2 =	seq.s32 @!p0 s5, $0x0  }
0x1f: {  	s9 =	smul.u32 $0xF7A, s1;
	s8 =	simm.s32 @!p0 $0x1BF5;
	p2 =	por !p2, p0  }
0x20: {  	[sflag:s8] =	ssyncset.s32 @!p0 $0xFFFFF086;
	s6 =	sadd.s32 @!p0 s3, s7;
	s7 =	simm.s32 @!p0 $0x108  }
0x21: {  	s3 =	sadd.s32 s3, s9;
	s6 =	sadd.s32 @!p0 $0x88, s6;
	s7 =	simm.s32 @p2 $0x1082  }
0x22: {  	[simem:s7], [sflag:s8] =	dma.local @!p0 [hbm:s6], $0xF7A  }
0x23: {  	s9 =	sor.u32 $0xD0000000, s2;
	s6 =	simm.s32 $0x108;
	_ =	swait.ge @!p0 [sflag:s8], $0x0  }
0x24: {  	s3 =	sadd.s32 $0x88, s3;
	s6 =	simm.s32 @!p1 $0x1082;
	[sflag:s4] =	ssyncset.s32 $0xFFFFF086  }
0x25: {  	[simem:s6], [sflag:s4] =	dma.local [hbm:s3], $0xF7A  }
0x26: {  	[smem:$0x3F9F] =	sst s1;
	(tag) =	ssettag s2;
	_ =	strace s9  }
0x27: {  	s1 =	sld [smem:$0x3FAF]  }
0x28: {  	s2 =	sld [smem:$0x3FB0]  }
0x29: {  	s4 =	sld [smem:$0x3FB2]  }
0x2a: {  	p0 =	seq.s32 s5, $0x0;
	s5 =	sld [smem:$0x3FB3]  }
0x2b: {  	s6 =	sld [smem:$0x3FB4]  }
0x2c: {  	s7 =	sld [smem:$0x3FB5]  }
0x2d: {  	s3 =	simm.s32 $0x108;
	s8 =	sld [smem:$0x3FB6]  }
0x2e: {  	s3 =	simm.s32 @!p0 $0x1082;
	s9 =	sld [smem:$0x3FB7]  }
0x2f: {  	lr =	sadd.s32 s0, s3;
	s0 =	sld [smem:$0x3FAE]  }
0x30: {  	s3 =	sld [smem:$0x3FB1]  }
0x31: {  	[smem:$0x3FBA] =	sst s10  }
0x32: {  	s10 =	sld [smem:$0x3FB8];
	_ =	sdelay $0x3  }
0x33: {  	p0 =	seq.s32 s10, $0x1;
	s10 =	sld [smem:$0x3FBA];
	_ =	sdelay $0x3  }
0x34: {  	[smem:$0x3FBA] =	sst s10  }
0x35: {  	s10 =	sld [smem:$0x3FB9];
	_ =	sdelay $0x3  }
0x36: {  	p1 =	seq.s32 s10, $0x1;
	s10 =	sld [smem:$0x3FBA];
	_ =	sdelay $0x3  }
0x37: {  	[smem:$0x3FBA] =	sst s10  }
0x38: {  	s10 =	sld [smem:$0x3FBB]  }
0x39: {  	_ = 	snop;
	(pc) =	sbr.ind lr, $3  }
0x3a: {  	_ = 	snop  }
0x3b: {  	_ = 	snop  }
0x3c: {  	p2 =	seq.s32 s10, $0x1;
	s10 =	sld [smem:$0x3FBA]  }
0x3d: {  	_ =	shalt  }
0x3e: {  	_ =	shalt  }
0x3f: {  	_ =	shalt  }
0x40: {  	_ =	shalt  }
0x41: {  	_ =	shalt  }
0x42: {  	_ =	shalt  }
0x43: {  	_ =	shalt  }
0x44: {  	_ =	shalt  }
0x45: {  	_ =	shalt  }
0x46: {  	_ =	shalt  }
0x47: {  	_ =	shalt  }
0x48: {  	_ =	shalt  }
0x49: {  	_ =	shalt  }
0x4a: {  	_ =	shalt  }
0x4b: {  	_ =	shalt  }
0x4c: {  	_ =	shalt  }
0x4d: {  	_ =	shalt  }
0x4e: {  	_ =	shalt  }
0x4f: {  	_ =	shalt  }
0x50: {  	_ =	shalt  }
0x51: {  	_ =	shalt  }
0x52: {  	_ =	shalt  }
0x53: {  	_ =	shalt  }
0x54: {  	_ =	shalt  }
0x55: {  	_ =	shalt  }
0x56: {  	_ =	shalt  }
0x57: {  	_ =	shalt  }
0x58: {  	_ =	shalt  }
0x59: {  	_ =	shalt  }
0x5a: {  	_ =	shalt  }
0x5b: {  	_ =	shalt  }
0x5c: {  	_ =	shalt  }
0x5d: {  	_ =	shalt  }
0x5e: {  	_ =	shalt  }
0x5f: {  	_ =	shalt  }
0x60: {  	_ =	shalt  }
0x61: {  	_ =	shalt  }
0x62: {  	_ =	shalt  }
0x63: {  	_ =	shalt  }
0x64: {  	_ =	shalt  }
0x65: {  	_ =	shalt  }
0x66: {  	_ =	shalt  }
0x67: {  	_ =	shalt  }
0x68: {  	_ =	shalt  }
0x69: {  	_ =	shalt  }
0x6a: {  	_ =	shalt  }
0x6b: {  	_ =	shalt  }
0x6c: {  	_ =	shalt  }
0x6d: {  	_ =	shalt  }
0x6e: {  	_ =	shalt  }
0x6f: {  	_ =	shalt  }
0x70: {  	_ =	shalt  }
0x71: {  	_ =	shalt  }
0x72: {  	_ =	shalt  }
0x73: {  	_ =	shalt  }
0x74: {  	_ =	shalt  }
0x75: {  	_ =	shalt  }
0x76: {  	_ =	shalt  }
0x77: {  	_ =	shalt  }
0x78: {  	_ =	shalt  }
0x79: {  	_ =	shalt  }
0x7a: {  	_ =	shalt  }
0x7b: {  	_ =	shalt  }
0x7c: {  	_ =	shalt  }
0x7d: {  	_ =	shalt  }
0x7e: {  	_ =	shalt  }
0x7f: {  	_ =	shalt  }
0x80: {  	_ =	shalt  }
0x81: {  	_ =	shalt  }
0x82: {  	_ =	shalt  }
0x83: {  	_ =	shalt  }
0x84: {  	_ =	shalt  }
0x85: {  	_ =	shalt  }
0x86: {  	_ =	shalt  }
0x87: {  	_ =	shalt  }
.Lfunc_end0:
.L_simem_size_0:
called_computation_lowered:
.L_overlay_start_0:
0x88: {  	s2 =	sld [smem:$0x3FD9]  }
0x89: {  	s3 =	sld [smem:$0x3FFE];
	_ =	sdelay $0x1  }
0x8a: {  	s1 =	srdreg.scid  }
0x8b: {  	s0 =	sand.u32 $0x1, s1  }
0x8c: {  	s14 =	sshll.u32 s0, $0xA;
	s2 =	sadd.s32 s3, s2  }
0x8d: {  	s2 =	sadd.s32 s2, s14  }
0x8e: {  	[smem:$0x3FC6] =	sst s2  }
0x8f: {  	_ = 	snop  }
0x90: {  	s2 =	sld [smem:$0x3FD0];
	_ =	sdelay $0x2  }
0x91: {  	s15 =	simm.s32 $0xA;
	s4 =	simm.s32 $0x10  }
0x92: {  	[smem:s4], [sflag:s15] =	dma.local [hbm:s2], $0x1  }
0x93: {  	_ =	swait.eq [sflag:s15], $0x1  }
0x94: {  	[sflag:s15] =	ssyncset.done $0x0  }
0x95: {  	s16 =	sld [smem:$0x11];
	[sflag:s15] =	ssyncadd.s32 $0xFFFFFFFF  }
0x96: {  	s17 =	sld [smem:$0x12];
	(tm) =	ssettm $0x1  }
0x97: {  	s18 =	sld [smem:$0x3FFB];
	_ =	sdelay $0x3  }
0x98: {  	_ =	strace s18  }
0x99: {  	s4 =	sld [smem:$0x3FFC];
	_ =	sdelay $0x3  }
0x9a: {  	_ =	strace s4  }
0x9b: {  	s4 =	sld [smem:$0x3FFD];
	_ =	sdelay $0x3  }
0x9c: {  	_ =	strace s4  }
0x9d: {  	_ =	strace $0x8FFFFFFF  }
0x9e: {  	s19 =	sld [smem:$0x3FDB];
	_ =	sdelay $0x1  }
0x9f: {  	s5 =	simm.s32 $_scs_section_size  }
0xa0: {  	s6 =	simm.s32 $_size__tile_overlayer_lowered;
	s7 =	simm.s32 $_tile_overlayer_lowered  }
0xa1: {  	s22 =	simm.s32 $0x1BFF;
	s21 =	sshll.u32 s7, $0x1;
	s4 =	sadd.s32 s5, s19  }
0xa2: {  	s8 =	simm.s32 $0x0;
	s20 =	sshll.u32 s6, $0x1;
	s6 =	sadd.s32 s21, s4  }
0xa3: {  	[timem:s8], [sflag:s22] =	dma.local [hbm:s6], s20  }
0xa4: {  	_ =	swait.ge [sflag:s22], s20  }
0xa5: {  	s5 =	ssub.s32 $0x0, s20;
	[sflag:s22] =	ssyncset.done $0x0  }
0xa6: {  	[sflag:s22] =	ssyncadd.s32 s5;
	_ =	sdelay $0x1  }
0xa7: {  	s23 =	simm.s32 $0x1B8B  }
0xa8: {  	_ =	swait.ge [sflag:s23], $0x1  }
0xa9: {  	[sflag:s23] =	ssyncset.done $0x0  }
0xaa: {  	s25 =	simm.s32 $0x1B8E;
	s24 =	sld [smem:$0x3FFE];
	[sflag:s23] =	ssyncadd.s32 $0xFFFFFFFF  }
0xab: {  	s26 =	simm.s32 $execute0_lowered;
	[smem:$0x3FD2] =	sst s25  }
0xac: {  	s6 =	sshll.u32 s26, $0x1;
	_ =	strace $0x80000046;
	[dreg:$0x1] =	wrdreg $0xFFFFFFFF  }
0xad: {  	s28 =	simm.s32 $_size_execute0_lowered;
	s4 =	sadd.s32 s4, s6;
	[dreg:$0x0] =	wrdreg $0x0  }
0xae: {  	s6 =	sshll.u32 s28, $0x1;
	[dreg:$0x2] =	wrdreg s4  }
0xaf: {  	[dreg:$0x3] =	wrdreg s6  }
0xb0: {  	[dreg:$0x4] =	wrdreg $0xC0  }
0xb1: {  	_ =	task [dreg:s8], $0x5FFFF  }
0xb2: {  	[dreg:$0x1] =	wrdreg $0xFFFFFFFF  }
0xb3: {  	[dreg:$0x0] =	wrdreg $0x60  }
0xb4: {  	[dreg:$0x2] =	wrdreg s24  }
0xb5: {  	[dreg:$0x3] =	wrdreg s17  }
0xb6: {  	[dreg:$0x4] =	wrdreg s16  }
0xb7: {  	[dreg:$0x5] =	wrdreg $0x9  }
0xb8: {  	_ =	task.clear_ibuf [dreg:s8], $0x6FFFF;
	_ =	strace $0x90000046  }
0xb9: {  	s29 =	simm.s32 $0x9;
	_ =	strace $0x80000048  }
0xba: {  	_ =	swait.ge [sflag:s29], $0x1  }
0xbb: {  	[sflag:s29] =	ssyncadd.s32 $0xFFFFFFFF  }
0xbc: {  	_ =	strace $0x90000048  }
0xbd: {  	_ =	sfence  }
0xbe: {  	s30 =	sld [smem:$0x0];
	_ =	sdelay $0x2  }
0xbf: {  	s31 =	sshll.u32 s1, $0xD;
	s1 =	sshrl.u32 s1, $0x2  }
0xc0: {  	s3 =	sand.u32 $0x4000, s31;
	s1 =	sadd.s32 s1, s30  }
0xc1: {  	s0 =	sor.u32 s3, s0;
	s1 =	sshll.u32 s1, $0x11  }
0xc2: {  	s0 =	sor.u32 s1, s0  }
0xc3: {  	s0 =	sadd.s32 $0x8F2B, s0  }
0xc4: {  	[sflag:s0] =	ssyncadd.remote.s32 $0x1  }
0xc5: {  	_ =	sfence.sel $0xFFFF  }
0xc6: {  	[dreg:$0x0] =	wrdreg $0xFFFFFFFF;
	(pc) =	sbr.abs _section_cstart, $3  }
0xc7: {  	[dreg:$0x1] =	wrdreg $0xFFFFFFFF  }
0xc8: {  	_ =	task.clear_ibuf [dreg:s8], $0x2FFFF;
	_ =	strace $0x9FFFFFFF  }
0xc9: {  	(tm) =	ssettm $0x7FFFFFFF  }
tec
execute0_lowered:
.L_overlay_start_1:
0x0: {  	(tag) =	ssettag $0x1  }
0x1: {  	s0 =	rddreg [dreg:$0x0]  }
0x2: {  	s1 =	rddreg [dreg:$0x1];
	s2 =	srdreg.scid  }
0x3: {  	s5 =	rddreg [dreg:$0x2];
	s4 =	stileid.u32;
	s3 =	sand.u32 $0x1, s2  }
0x4: {  	s2 =	simm.s32 $0x0;
	s4 =	sshll.u32 s4, $0x2;
	s9 =	sadd.s32 $0x800, s0  }
0x5: {  	s6 =	sshll.u32 s3, $0x1;
	[smem:$0x7FF] =	sst s2;
	s18 =	ssub.s32 $0x2, s3  }
0x6: {  	s3 =	sadd.s32 $0xA00, s0;
	s6 =	sor.u32 s6, s4;
	s7 =	sshrl.u32 s18, $0x1  }
0x7: {  	s8 =	smul.u32 $0x61A80, s6;
	s10 =	ssub.s32 s18, s7;
	s20 =	sshll.u32 s6, $0x3  }
0x8: {  	s11 =	sor.u32 $0x1, s6;
	s6 =	sshll.u32 s6, $0x1;
	s7 =	sadd.s32 s9, s20  }
0x9: {  	_ =	strace $0x80000047;
	s21 =	sadd.s32 s1, s6;
	[dreg:$0x5] =	wrdreg s7  }
0xa: {  	s0 =	sadd.s32 $0x30DE00, s0;
	s22 =	sadd.s32 s5, s6;
	[dreg:$0x9] =	wrdreg s21  }
0xb: {  	s6 =	sadd.s32 s0, s6;
	[dreg:$0xa] =	wrdreg s22  }
0xc: {  	s23 =	sshll.u32 s11, $0x3;
	s31 =	smax.u32 s10, $0x1;
	[dreg:$0xb] =	wrdreg s6  }
0xd: {  	s26 =	sshll.u32 s11, $0x1;
	s6 =	sadd.s32 s9, s23;
	[dreg:$0x14] =	wrdreg s31  }
0xe: {  	s1 =	sadd.s32 s1, s26;
	[dreg:$0xd] =	wrdreg s6  }
0xf: {  	s30 =	sadd.s32 s5, s26;
	[dreg:$0x11] =	wrdreg s1  }
0x10: {  	s16 =	smul.u32 $0x61A80, s11;
	s0 =	sadd.s32 s0, s26;
	[dreg:$0x12] =	wrdreg s30  }
0x11: {  	s19 =	sshrl.u32 s8, $0x3;
	s7 =	sadd.s32 $0xEA60, s8;
	[dreg:$0x13] =	wrdreg s0  }
0x12: {  	s4 =	sadd.s32 s3, s19;
	[dreg:$0x8] =	wrdreg s7  }
0x13: {  	s28 =	sadd.s32 $0x9C40, s16;
	[dreg:$0x4] =	wrdreg s4  }
0x14: {  	v1 =	vimm.s32 $0xECA86420;
	v0 =	vimm.f32 $0.0e+00;
	vm0 =	vcmask $0xB08;
	s12 =	sshrl.u32 s16, $0x3;
	s29 =	sadd.s32 $0xEA60, s16;
	[dreg:$0xf] =	wrdreg s28  }
.Ltmp0:
0x15: {  	vm1 =	vcmask $0x1310;
	vm2 =	vcmask $0x1B18;
	vm3 =	vcmask $0x300;
	s4 =	sadd.s32 $0x9C4, s4;
	[dreg:$0x10] =	wrdreg s29;
	(pc) =	sbr.rel .LBB2_1-.Ltmp0, $4  }
0x16: {  	vm4 =	vcmask $0x2320;
	vm5 =	vcmask $0x2B28;
	vm6 =	vcmask $0x3330;
	s5 =	simm.s32 $0x3;
	s24 =	sadd.s32 s3, s12;
	[dreg:$0x6] =	wrdreg s4  }
0x17: {  	vm7 =	vcmask $0x3B38;
	vm11 =	vcmask $0x1F1C;
	v2 =	vunpack.c.l.s4.s8 v1;
	s23 =	simm.s32 $0x1;
	[dreg:$0xc] =	wrdreg s24;
	s25 =	sadd.s32 $0x9C4, s24  }
0x18: {  	vm12 =	vcmask $0x2724;
	vm13 =	vcmask $0x2F2C;
	vm14 =	vcmask $0x3734;
	s1 =	simm.s32 $0x0;
	s4 =	sadd.s32 $0x9C40, s8;
	[dreg:$0xe] =	wrdreg s25  }
0x19: {  	v3 =	vimm.s32 $0x0;
	v1 =	vlaneseq.u32;
	v2 =	vunpack.c.0.s8.s32 v2;
	s24 =	simm.s32 $0x2;
	s25 =	simm.s32 $0x4E20;
	[dreg:$0x7] =	wrdreg s4  }
.LBB2_53:
0x1a: {  	v7 =	vperm.xlane v7, v4;
	_ =	sdelay $0x1  }
0x1b: {  	(v2sf) =	vpush v7, $0xD;
	_ =	sdelay $0x1  }
0x1c: {  	(v2sf) =	vpush v7, $0xC;
	_ =	sdelay $0x1  }
0x1d: {  	(v2sf) =	vpush v7, $0xE;
	_ =	sdelay $0x1  }
0x1e: {  	(v2sf) =	vpush v7, $0xF;
	_ =	sdelay $0x1  }
0x1f: {  	(v2sf) =	vpush v7, $0x9;
	_ =	sdelay $0x1  }
0x20: {  	(v2sf) =	vpush v7, $0x8;
	_ =	sdelay $0x1  }
0x21: {  	(v2sf) =	vpush v7, $0xA;
	_ =	sdelay $0x1  }
0x22: {  	(v2sf) =	vpush v7, $0xB  }
0x23: {  	s0 =	spop (v2sf)  }
0x24: {  	(v2sf) =	vpush v7, $0x0;
	s1 =	smulhi.u32 $0x14F8B589, s0;
	s0 =	sshra.s32 s0, $0x1F  }
0x25: {  	s4 =	spop (v2sf);
	s0 =	smul.u32 $0x14F8B589, s0  }
0x26: {  	(v2sf) =	vpush v7, $0x1;
	s5 =	smulhi.u32 $0x14F8B589, s4;
	s4 =	sshra.s32 s4, $0x1F  }
0x27: {  	s6 =	spop (v2sf);
	s4 =	smul.u32 $0x14F8B589, s4  }
0x28: {  	(v2sf) =	vpush v7, $0x2;
	s7 =	smulhi.u32 $0x14F8B589, s6;
	s6 =	sshra.s32 s6, $0x1F  }
0x29: {  	(v2sf) =	vpush v7, $0x3;
	s8 =	spop (v2sf);
	s6 =	smul.u32 $0x14F8B589, s6  }
0x2a: {  	(v2sf) =	vpush v7, $0x4;
	s10 =	smulhi.u32 $0x14F8B589, s8;
	s8 =	sshra.s32 s8, $0x1F  }
0x2b: {  	(v2sf) =	vpush v7, $0x5;
	s9 =	spop (v2sf);
	s8 =	smul.u32 $0x14F8B589, s8  }
0x2c: {  	(v2sf) =	vpush v7, $0x6;
	s12 =	smulhi.u32 $0x14F8B589, s9;
	s9 =	sshra.s32 s9, $0x1F  }
0x2d: {  	(v2sf) =	vpush v7, $0x7;
	s11 =	spop (v2sf);
	s15 =	smul.u32 $0x14F8B589, s9  }
0x2e: {  	s16 =	smulhi.u32 $0x14F8B589, s11;
	s11 =	sshra.s32 s11, $0x1F  }
0x2f: {  	s13 =	spop (v2sf);
	s11 =	smul.u32 $0x14F8B589, s11  }
0x30: {  	s1 =	sadd.s32 s0, s1;
	s19 =	smulhi.u32 $0x14F8B589, s13;
	s13 =	sshra.s32 s13, $0x1F  }
0x31: {  	s9 =	sadd.s32 s4, s5;
	s14 =	spop (v2sf);
	s13 =	smul.u32 $0x14F8B589, s13  }
0x32: {  	s5 =	sadd.s32 s6, s7;
	s22 =	smulhi.u32 $0x14F8B589, s14;
	s14 =	sshra.s32 s14, $0x1F  }
0x33: {  	s0 =	sadd.s32 s8, s10;
	s30 =	spop (v2sf);
	s14 =	smul.u32 $0x14F8B589, s14  }
0x34: {  	s8 =	sshrl.u32 s1, $0x1F;
	s29 =	smulhi.u32 $0x14F8B589, s30;
	s31 =	sshra.s32 s30, $0x1F  }
0x35: {  	s10 =	sadd.s32 s15, s12;
	s17 =	spop (v2sf);
	s30 =	smul.u32 $0x14F8B589, s31  }
0x36: {  	s15 =	sshrl.u32 s9, $0x1F;
	s7 =	smulhi.u32 $0x14F8B589, s17;
	s17 =	sshra.s32 s17, $0x1F  }
0x37: {  	s26 =	sadd.s32 s11, s16;
	s18 =	spop (v2sf);
	s17 =	smul.u32 $0x14F8B589, s17  }
0x38: {  	s20 =	spop (v2sf);
	s12 =	smulhi.u32 $0x14F8B589, s18;
	s18 =	sshra.s32 s18, $0x1F  }
0x39: {  	s11 =	sadd.s32 s13, s19;
	s31 =	smul.u32 $0x14F8B589, s18;
	s21 =	spop (v2sf)  }
0x3a: {  	s13 =	smulhi.u32 $0x14F8B589, s20;
	s19 =	sshra.s32 s20, $0x1F;
	s28 =	spop (v2sf)  }
0x3b: {  	s6 =	sadd.s32 s14, s22;
	s20 =	smul.u32 $0x14F8B589, s19;
	s4 =	spop (v2sf)  }
0x3c: {  	s12 =	sadd.s32 s31, s12;
	s31 =	smulhi.u32 $0x14F8B589, s21;
	s22 =	spop (v2sf)  }
0x3d: {  	s19 =	sadd.s32 s30, s29;
	s30 =	smulhi.u32 $0x14F8B589, s22;
	s18 =	sshra.s32 s22, $0x1F  }
0x3e: {  	s1 =	sshra.s32 s1, $0xD;
	v10 =	vmov s15;
	s21 =	sshra.s32 s21, $0x1F;
	s18 =	smul.u32 $0x14F8B589, s18  }
0x3f: {  	v10 =	vsel vm0, s8, v10;
	s8 =	sshra.s32 s9, $0xD;
	s9 =	sshra.s32 s26, $0xD;
	s22 =	smul.u32 $0x14F8B589, s21  }
0x40: {  	s7 =	sadd.s32 s17, s7;
	s29 =	sshra.s32 s28, $0x1F;
	s21 =	sadd.s32 s18, s30  }
0x41: {  	s14 =	sadd.s32 s22, s31;
	s31 =	smul.u32 $0x14F8B589, s29;
	s30 =	sshra.s32 s21, $0x1F  }
0x42: {  	s17 =	sshrl.u32 s5, $0x1F;
	s18 =	smulhi.u32 $0x14F8B589, s28;
	s28 =	sshra.s32 s19, $0xD;
	v8 =	vmov s30  }
0x43: {  	vm8 =	vcmask $0x704;
	v12 =	vmov s8;
	s13 =	sadd.s32 s20, s13;
	s29 =	sshrl.u32 s19, $0x1F;
	s19 =	sshra.s32 s19, $0x1F;
	v8 =	vsel vm3, s28, v8  }
0x44: {  	v13 =	vmov s9;
	v12 =	vsel vm0, s1, v12;
	s20 =	sshrl.u32 s12, $0x1F;
	s16 =	sadd.s32 s31, s18;
	s31 =	sshra.s32 s7, $0xD;
	v8 =	vsel vm8, s19, v8  }
0x45: {  	v10 =	vsel vm1, s17, v10;
	s22 =	sshrl.u32 s0, $0x1F;
	s30 =	sshrl.u32 s7, $0x1F;
	s7 =	sshra.s32 s7, $0x1F;
	vm8 =	vcmask $0xF0C;
	v8 =	vsel vm0, s31, v8  }
0x46: {  	v9 =	vmov s29;
	v10 =	vsel vm2, s22, v10;
	s28 =	sshra.s32 s12, $0xD;
	s19 =	smulhi.u32 $0x14F8B589, s4;
	s4 =	sshra.s32 s4, $0x1F;
	v8 =	vsel vm8, s7, v8  }
0x47: {  	s29 =	sshrl.u32 s26, $0x1F;
	v9 =	vnsel vm3, $0x0, v9;
	s12 =	sshra.s32 s12, $0x1F;
	s4 =	smul.u32 $0x14F8B589, s4;
	vm8 =	vcmask $0x1714;
	v8 =	vsel vm1, s28, v8  }
0x48: {  	s17 =	sshrl.u32 s10, $0x1F;
	s15 =	sshra.s32 s13, $0xD;
	v11 =	vmov s29;
	v9 =	vsel vm0, s30, v9;
	s30 =	sshrl.u32 s13, $0x1F;
	v8 =	vsel vm8, s12, v8  }
0x49: {  	v11 =	vsel vm0, s17, v11;
	v9 =	vsel vm1, s20, v9;
	s20 =	sshrl.u32 s11, $0x1F;
	s4 =	sadd.s32 s4, s19;
	s19 =	sshra.s32 s13, $0x1F;
	v8 =	vsel vm2, s15, v8  }
0x4a: {  	s29 =	sshrl.u32 s6, $0x1F;
	v9 =	vsel vm2, s30, v9;
	s31 =	sshrl.u32 s14, $0x1F;
	v11 =	vsel vm1, s20, v11;
	s28 =	sshra.s32 s14, $0xD;
	v8 =	vsel vm11, s19, v8  }
0x4b: {  	s18 =	sshrl.u32 s16, $0x1F;
	v9 =	vsel vm4, s31, v9;
	s31 =	sshra.s32 s14, $0x1F;
	v11 =	vsel vm2, s29, v11;
	v8 =	vsel vm4, s28, v8  }
0x4c: {  	v9 =	vsel vm5, s18, v9;
	s13 =	sshra.s32 s10, $0xD;
	v10 =	vcombine.low v11, v10;
	s22 =	sshrl.u32 s4, $0x1F;
	s12 =	sshra.s32 s16, $0xD;
	v8 =	vsel vm12, s31, v8  }
0x4d: {  	s14 =	sshra.s32 s16, $0x1F;
	v13 =	vsel vm0, s13, v13;
	s16 =	sshra.s32 s11, $0xD;
	v9 =	vsel vm6, s22, v9;
	s15 =	sshra.s32 s5, $0xD;
	v8 =	vsel vm5, s12, v8  }
0x4e: {  	s0 =	sshra.s32 s0, $0xD;
	s18 =	sshra.s32 s6, $0xD;
	s17 =	sshra.s32 s4, $0xD;
	v13 =	vsel vm1, s16, v13;
	v12 =	vsel vm1, s15, v12;
	v8 =	vsel vm13, s14, v8  }
0x4f: {  	s30 =	sshrl.u32 s21, $0x1F;
	s4 =	sshra.s32 s4, $0x1F;
	v13 =	vsel vm2, s18, v13;
	v12 =	vsel vm2, s0, v12;
	v8 =	vsel vm6, s17, v8  }
0x50: {  	v9 =	vsel vm7, s30, v9;
	s19 =	sshra.s32 s21, $0xD;
	v59 =	vcombine.low v13, v12;
	v8 =	vsel vm14, s4, v8  }
0x51: {  	v60 =	vperm.xlane v10, v2;
	v9 =	vperm.xlane v9, v5;
	v8 =	vsel vm7, s19, v8  }
0x52: {  	v61 =	vperm.xlane v59, v2;
	v5 =	vperm.xlane v8, v5;
	_ =	sdelay $0x1  }
0x53: {  	v8 =	vsel vm15, v9, v60;
	v5 =	vsel vm15, v5, v61  }
0x54: {  	v5 =	vadd.s32 v8, v5  }
0x55: {  	v8 =	vmul.u32 $0xFFFE7960, v5;
	_ =	sdelay $0x1  }
0x56: {  	v8 =	vadd.s32 v7, v8  }
0x57: {  	v4 =	vperm.xlane v6, v4;
	vm9 =	vlt.s32 v7, $0x1;
	vm8 =	vne.s32 v8, $0x0  }
0x58: {  	v62 =	vadd.s32 $0x186A0, v8;
	vm8 =	vmand vm9, vm8;
	vm9 =	vlt.s32 v8, $0x0  }
0x59: {  	[tilespmem:$0x9C80] =	vst v4;
	v6 =	vsel vm9, v62, v8;
	v63 =	vsel vm8, $0xFFFFFFFF, v3  }
0x5a: {  	[tilespmem:$0x9C90] =	vst v6;
	v4 =	vadd.s32 v63, v5  }
0x5b: {  	s20 =	rddreg [dreg:$0x11];
	s5 =	simm.s32 $0x3;
	s21 =	simm.s32 $0x9C80;
	[tilespmem:$0x9CA0] =	vst v4  }
0x5c: {  	[hbm4b:s20+s2] =	stream.linear.scatter [tilespmem:s21], [sflag:$0x3], $0x10, $0x38;
	[tilespmem:$0x9CB0] =	vst v63  }
0x5d: {  	_ =	swait.ge [sflag:s5], $0x10  }
0x5e: {  	[sflag:s5] =	ssyncset.done $0x0  }
0x5f: {  	s26 =	simm.s32 $0x9C90;
	s22 =	rddreg [dreg:$0x12];
	[sflag:s5] =	ssyncadd.s32 $0xFFFFFFF0  }
0x60: {  	[hbm4b:s22+s2] =	stream.linear.scatter [tilespmem:s26], [sflag:$0x3], $0x10, $0x38;
	[tilespmem:$0x9CB0] =	vst v63  }
0x61: {  	_ =	swait.ge [sflag:s5], $0x10  }
0x62: {  	[sflag:s5] =	ssyncset.done $0x0  }
0x63: {  	s29 =	simm.s32 $0x9CA0;
	s28 =	rddreg [dreg:$0x13];
	[sflag:s5] =	ssyncadd.s32 $0xFFFFFFF0  }
0x64: {  	[hbm4b:s28+s2] =	stream.linear.scatter [tilespmem:s29], [sflag:$0x3], $0x10, $0x38;
	[tilespmem:$0x9CB0] =	vst v63  }
0x65: {  	_ =	swait.ge [sflag:s5], $0x10  }
0x66: {  	s30 =	rddreg [dreg:$0x15]  }
0x67: {  	s31 =	rddreg [dreg:$0x14];
	s1 =	sadd.s32 $0x1, s30  }
0x68: {  	p0 =	sne.s32 s1, s31  }
.Ltmp1:
0x69: {  	_ = 	snop;
	(pc) =	sbr.rel @!p0 .LBB2_54-.Ltmp1, $3  }
0x6a: {  	_ =	sdelay $0x1  }
0x6b: {  	[sflag:s5] =	ssyncset.done $0x0;
	s4 =	rddreg [dreg:$0x7]  }
0x6c: {  	s7 =	rddreg [dreg:$0x8];
	[sflag:s5] =	ssyncadd.s32 $0xFFFFFFF0  }
.LBB2_1:
0x6d: {  	[dreg:$0x15] =	wrdreg s1  }
0x6e: {  	s0 =	rddreg [dreg:$0x5];
	s29 =	simm.s32 $0x9C40  }
0x6f: {  	[tilespmem:s29], [sflag:$0x3] =	stream.linear.gather [hbm4b:s0+s2], $0x40, $0x38;
	[tilespmem:$0x9CB0] =	vst v63  }
0x70: {  	_ =	swait.ge [sflag:s5], $0x40  }
.Ltmp2:
0x71: {  	[sflag:s5] =	ssyncset.done $0x0;
	(pc) =	sbr.rel .LBB2_2-.Ltmp2, $4  }
0x72: {  	s28 =	simm.s32 $0x0;
	s30 =	rddreg [dreg:$0x4];
	[sflag:s5] =	ssyncadd.s32 $0xFFFFFFC0  }
0x73: {  	[tilespmem:s2], [sflag:$0x1] =	stream.linear.gather [hbm4b:s30+s2], $0x4E20, $0x38;
	[tilespmem:$0x9CB0] =	vst v63  }
0x74: {  	s1 =	simm.s32 $0x0;
	s0 =	simm.s32 $0x4E20;
	s31 =	rddreg [dreg:$0x6]  }
0x75: {  	v6 =	vimm.f32 $-Inf;
	v5 =	vimm.s32 $0x0;
	[tilespmem:s25], [sflag:$0x2] =	stream.linear.gather [hbm4b:s31+s2], $0x4E20, $0x38;
	[tilespmem:$0x9CB0] =	vst v63  }
.LBB2_14:
0x76: {  	s1 =	sadd.s32 $0x1, s1  }
0x77: {  	p0 =	sne.s32 s1, $0x9  }
.Ltmp3:
0x78: {  	_ = 	snop;
	(pc) =	sbr.rel @!p0 .LBB2_15-.Ltmp3, $4  }
0x79: {  	s5 =	sadd.s32 s21, s7  }
0x7a: {  	s5 =	sshrl.u32 s5, $0x3  }
0x7b: {  	s28 =	sadd.s32 $0x9C40, s28;
	s0 =	sadd.s32 $0x9C40, s0;
	s5 =	sadd.s32 s3, s5  }
0x7c: {  	[tilespmem:s25], [sflag:$0x2] =	stream.linear.gather [hbm4b:s5+s2], $0x4E20, $0x38;
	[tilespmem:$0x9CB0] =	vst v63  }
.LBB2_2:
0x7d: {  	s5 =	smul.u32 $0x19A, s1  }
0x7e: {  	_ =	swait.ge [sflag:s23], $0x4E20  }
0x7f: {  	[sflag:s23] =	ssyncset.done $0x0;
	s5 =	sshrl.u32 s5, $0x6  }
0x80: {  	[sflag:s23] =	ssyncadd.s32 $0xFFFFB1E0;
	s5 =	sand.u32 $0x3F0, s5  }
0x81: {  	v4 =	vld [tilespmem:s5+$0x9C40]  }
.Ltmp4:
0x82: {  	_ = 	snop;
	(pc) =	sbr.rel .LBB2_3-.Ltmp4, $4  }
0x83: {  	_ = 	snop  }
0x84: {  	v7 =	vbroadcast v6, $0x0  }
0x85: {  	s6 =	sshll.u32 s1, $0x1;
	s21 =	smul.u32 $0x9C40, s1;
	s9 =	smov.u32 s28  }
0x86: {  	s10 =	simm.s32 $0x0;
	s11 =	simm.s32 $0x0;
	s5 =	simm.s32 $0x0;
	v7 =	vsub.f32 v7, v4  }
.LBB2_6:
0x87: {  	_ =	sdelay $0x7  }
0x88: {  	v8, v9, _ =	vpop @p1 (xrf1)  }
0x89: {  	v10 =	vbroadcast @p1 v8, $0x0;
	_ =	sdelay $0x1  }
0x8a: {  	v10 =	vsub.f32 @p1 v10, v4;
	_ =	sdelay $0x1  }
0x8b: {  	v6 =	vpsel p1, v8, v6;
	v5 =	vpsel p1, v9, v5;
	v7 =	vpsel p1, v10, v7  }
.LBB2_7:
0x8c: {  	s11 =	sadd.s32 $0x1, s11  }
0x8d: {  	p0 =	sne.s32 s11, $0x32  }
.Ltmp5:
0x8e: {  	_ = 	snop;
	(pc) =	sbr.rel @!p0 .LBB2_8-.Ltmp5, $2  }
0x8f: {  	_ =	sdelay $0x2  }
0x90: {  	s10 =	sadd.s32 $0x190, s10;
	s9 =	sadd.s32 $0x190, s9  }
.LBB2_3:
0x91: {  	s26 =	smul.u32 $0x190, s11;
	_ =	sdelay $0x1  }
0x92: {  	v8 =	vld [tilespmem:s26+$0x0]  }
0x93: {  	v9 =	vld [tilespmem:s26+$0x10]  }
0x94: {  	v10 =	vld [tilespmem:s26+$0x20]  }
0x95: {  	v11 =	vld [tilespmem:s26+$0x30]  }
0x96: {  	v12 =	vld [tilespmem:s26+$0x40]  }
0x97: {  	v13 =	vld [tilespmem:s26+$0x50]  }
0x98: {  	v45 =	vld [tilespmem:s26+$0x60];
	v8 =	vmax.f32 v8, v9  }
0x99: {  	v46 =	vld [tilespmem:s26+$0x70];
	v8 =	vmax.f32 v8, v10  }
0x9a: {  	v47 =	vld [tilespmem:s26+$0x80];
	v8 =	vmax.f32 v8, v11  }
0x9b: {  	v48 =	vld [tilespmem:s26+$0x90];
	v8 =	vmax.f32 v8, v12  }
0x9c: {  	v49 =	vld [tilespmem:s26+$0xA0];
	v8 =	vmax.f32 v8, v13  }
0x9d: {  	v50 =	vld [tilespmem:s26+$0xB0];
	v8 =	vmax.f32 v8, v45  }
0x9e: {  	v51 =	vld [tilespmem:s26+$0xC0];
	v8 =	vmax.f32 v8, v46  }
0x9f: {  	v52 =	vld [tilespmem:s26+$0xD0];
	v8 =	vmax.f32 v8, v47  }
0xa0: {  	v53 =	vld [tilespmem:s26+$0xE0];
	v8 =	vmax.f32 v8, v48  }
0xa1: {  	v54 =	vld [tilespmem:s26+$0xF0];
	v8 =	vmax.f32 v8, v49  }
0xa2: {  	v55 =	vld [tilespmem:s26+$0x100];
	v8 =	vmax.f32 v8, v50  }
0xa3: {  	v56 =	vld [tilespmem:s26+$0x110];
	v8 =	vmax.f32 v8, v51  }
0xa4: {  	v57 =	vld [tilespmem:s26+$0x120];
	v8 =	vmax.f32 v8, v52  }
0xa5: {  	v58 =	vld [tilespmem:s26+$0x130];
	v8 =	vmax.f32 v8, v53  }
0xa6: {  	v59 =	vld [tilespmem:s26+$0x140];
	v8 =	vmax.f32 v8, v54  }
0xa7: {  	v60 =	vld [tilespmem:s26+$0x150];
	v8 =	vmax.f32 v8, v55  }
0xa8: {  	v61 =	vld [tilespmem:s26+$0x160];
	v8 =	vmax.f32 v8, v56  }
0xa9: {  	v62 =	vld [tilespmem:s26+$0x170];
	v8 =	vmax.f32 v8, v57  }
0xaa: {  	v63 =	vld [tilespmem:s26+$0x180];
	v8 =	vmax.f32 v8, v58  }
0xab: {  	v8 =	vmax.f32 v8, v59  }
0xac: {  	v8 =	vmax.f32 v8, v60  }
0xad: {  	v8 =	vmax.f32 v8, v61  }
0xae: {  	v8 =	vmax.f32 v8, v62  }
0xaf: {  	v8 =	vmax.f32 v8, v63  }
0xb0: {  	vm15 =	vgt.f32 v8, v7  }
0xb1: {  	v8 =	vsel vm15, $0x3F800000, v0  }
0xb2: {  	(xrf0) =	vmax.scan.msk.f32 $0xffff, v8;
	_ =	sdelay $0x5  }
0xb3: {  	v8, _, _ =	vpop (xrf0)  }
0xb4: {  	(v2sf) =	vpush v8, $0xF;
	_ =	sdelay $0xe  }
0xb5: {  	s31 =	spop (v2sf)  }
0xb6: {  	p0 =	sgt.f32 s31, $0.0e+00  }
.Ltmp6:
0xb7: {  	_ = 	snop;
	(pc) =	sbr.rel @!p0 .LBB2_7-.Ltmp6, $1  }
0xb8: {  	_ =	sdelay $0x3  }
0xb9: {  	s26 =	sshra.s32 s5, $0x2  }
0xba: {  	s26 =	sadd.s32 s26, s10  }
0xbb: {  	v8 =	vld [tilespmem:s26+$0x0];
	_ =	sdelay $0x4  }
0xbc: {  	vm15 =	vgt.f32 v8, v7  }
0xbd: {  	v9 =	vsel vm15, $0x3F800000, v0  }
0xbe: {  	(xrf0) =	vmax.scan.msk.f32 $0xffff, v9;
	_ =	sdelay $0x5  }
0xbf: {  	v9, _, _ =	vpop (xrf0)  }
0xc0: {  	(v2sf) =	vpush v9, $0xF;
	_ =	sdelay $0xe  }
0xc1: {  	s30 =	spop (v2sf)  }
0xc2: {  	p1 =	sgt.f32 s30, $0.0e+00;
	_ =	sdelay $0x1  }
0xc3: {  	v8 =	vadd.f32 @p1 v8, v4;
	v9 =	vlaneseq.u32 @p1  }
0xc4: {  	v9 =	vor.u32 @p1 s9, v9  }
0xc5: {  	(xrf1) =	vsort.dscd.msk.f32 @p1 $0xffff, v8, v9;
	_ =	sdelay $0xd  }
0xc6: {  	v8, v9, _ =	vpop @p1 (xrf1)  }
0xc7: {  	vm15 =	veq.f32 @p1 v6, v8;
	vm8 =	vlt.s32 @p1 v5, v9  }
0xc8: {  	vm9 =	vgt.f32 @p1 v6, v8;
	vm8 =	vmand @p1 vm15, vm8  }
0xc9: {  	vm8 =	vmor @p1 vm9, vm8  }
0xca: {  	v8 =	vmax.f32 @p1 v6, v8;
	v9 =	vsel @p1 vm8, v5, v9  }
0xcb: {  	(xrf1) =	vsort.ascd.msk.f32 @p1 $0xffff, v8, v9;
	_ =	sdelay $0x4  }
0xcc: {  	s31 =	smov.u32 s9;
	s26 =	sadd.s32 $0x40, s5  }
.LBB2_5:
0xcd: {  	_ =	sdelay $0x6  }
0xce: {  	s13 =	sshra.s32 s26, $0x2;
	s26 =	sadd.s32 $0x40, s26  }
0xcf: {  	s13 =	sadd.s32 s13, s10;
	p0 =	sne.s32 s26, $0x640;
	v8, v9, _ =	vpop @p1 (xrf1)  }
0xd0: {  	v10 =	vld [tilespmem:s13+$0x0];
	v11 =	vbroadcast @p1 v8, $0x0;
	v6 =	vpsel p1, v8, v6;
	v5 =	vpsel p1, v9, v5;
	_ =	sdelay $0x1  }
0xd1: {  	v8 =	vsub.f32 @p1 v11, v4;
	_ =	sdelay $0x1  }
0xd2: {  	v7 =	vpsel p1, v8, v7  }
0xd3: {  	vm8 =	vgt.f32 v10, v7  }
0xd4: {  	v8 =	vsel vm8, $0x3F800000, v0  }
0xd5: {  	(xrf0) =	vmax.scan.msk.f32 $0xffff, v8;
	_ =	sdelay $0x5  }
0xd6: {  	v8, _, _ =	vpop (xrf0)  }
0xd7: {  	(v2sf) =	vpush v8, $0xF;
	_ =	sdelay $0xe  }
0xd8: {  	s13 =	spop (v2sf)  }
0xd9: {  	p1 =	sgt.f32 s13, $0.0e+00;
	_ =	sdelay $0x1  }
0xda: {  	s31 =	sadd.s32 $0x10, s31;
	v8 =	vadd.f32 @p1 v10, v4;
	v9 =	vlaneseq.u32 @p1  }
0xdb: {  	v9 =	vor.u32 @p1 s31, v9  }
0xdc: {  	(xrf1) =	vsort.dscd.msk.f32 @p1 $0xffff, v8, v9;
	_ =	sdelay $0xd  }
0xdd: {  	v8, v9, _ =	vpop @p1 (xrf1)  }
.Ltmp7:
0xde: {  	vm8 =	veq.f32 @p1 v6, v8;
	vm9 =	vlt.s32 @p1 v5, v9;
	(pc) =	sbr.rel @p0 .LBB2_5-.Ltmp7, $4  }
0xdf: {  	vm15 =	vgt.f32 @p1 v6, v8;
	vm8 =	vmand @p1 vm8, vm9  }
0xe0: {  	vm8 =	vmor @p1 vm15, vm8  }
0xe1: {  	v8 =	vmax.f32 @p1 v6, v8;
	v9 =	vsel @p1 vm8, v5, v9  }
0xe2: {  	(xrf1) =	vsort.ascd.msk.f32 @p1 $0xffff, v8, v9  }
.Ltmp8:
0xe3: {  	_ = 	snop;
	(pc) =	sbr.rel .LBB2_6-.Ltmp8, $1  }
0xe4: {  	_ =	sdelay $0x3  }
.LBB2_8:
0xe5: {  	s5 =	sadd.s32 s21, s4  }
0xe6: {  	s6 =	sor.u32 $0x1, s6;
	s5 =	sshrl.u32 s5, $0x3  }
0xe7: {  	s6 =	smulhi.u32 $0x66666667, s6;
	s9 =	sadd.s32 s3, s5;
	s5 =	simm.s32 $0x0  }
0xe8: {  	[tilespmem:s5], [sflag:$0x1] =	stream.linear.gather [hbm4b:s9+s5], $0x4E20, $0x38;
	[tilespmem:$0x9CB0] =	vst v63  }
0xe9: {  	_ =	swait.ge [sflag:s24], $0x4E20  }
0xea: {  	s6 =	sshll.u32 s6, $0x3;
	[sflag:s24] =	ssyncset.done $0x0  }
0xeb: {  	s6 =	sand.u32 $0x3FFFFFF0, s6;
	[sflag:s24] =	ssyncadd.s32 $0xFFFFB1E0  }
0xec: {  	v4 =	vld [tilespmem:s6+$0x9C40]  }
.Ltmp9:
0xed: {  	_ = 	snop;
	(pc) =	sbr.rel .LBB2_9-.Ltmp9, $3  }
0xee: {  	_ = 	snop  }
0xef: {  	v7 =	vbroadcast v6, $0x0;
	_ =	sdelay $0x1  }
0xf0: {  	s10 =	smov.u32 s0;
	s11 =	simm.s32 $0x0;
	s6 =	simm.s32 $0x4E20;
	v7 =	vsub.f32 v7, v4  }
.LBB2_12:
0xf1: {  	_ =	sdelay $0x7  }
0xf2: {  	v8, v9, _ =	vpop @p1 (xrf1)  }
0xf3: {  	v10 =	vbroadcast @p1 v8, $0x0;
	_ =	sdelay $0x1  }
0xf4: {  	v10 =	vsub.f32 @p1 v10, v4;
	_ =	sdelay $0x1  }
0xf5: {  	v6 =	vpsel p1, v8, v6;
	v5 =	vpsel p1, v9, v5;
	v7 =	vpsel p1, v10, v7  }
.LBB2_13:
0xf6: {  	s11 =	sadd.s32 $0x1, s11  }
0xf7: {  	p0 =	sne.s32 s11, $0x32  }
.Ltmp10:
0xf8: {  	_ = 	snop;
	(pc) =	sbr.rel @!p0 .LBB2_14-.Ltmp10, $2  }
0xf9: {  	_ =	sdelay $0x2  }
0xfa: {  	s6 =	sadd.s32 $0x190, s6;
	s10 =	sadd.s32 $0x190, s10  }
.LBB2_9:
0xfb: {  	s9 =	smul.u32 $0x190, s11;
	_ =	sdelay $0x1  }
0xfc: {  	v8 =	vld [tilespmem:s9+$0x4E20]  }
0xfd: {  	v9 =	vld [tilespmem:s9+$0x4E30]  }
0xfe: {  	v10 =	vld [tilespmem:s9+$0x4E40]  }
0xff: {  	v11 =	vld [tilespmem:s9+$0x4E50]  }
0x100: {  	v12 =	vld [tilespmem:s9+$0x4E60]  }
0x101: {  	v13 =	vld [tilespmem:s9+$0x4E70]  }
0x102: {  	v45 =	vld [tilespmem:s9+$0x4E80];
	v8 =	vmax.f32 v8, v9  }
0x103: {  	v46 =	vld [tilespmem:s9+$0x4E90];
	v8 =	vmax.f32 v8, v10  }
0x104: {  	v47 =	vld [tilespmem:s9+$0x4EA0];
	v8 =	vmax.f32 v8, v11  }
0x105: {  	v48 =	vld [tilespmem:s9+$0x4EB0];
	v8 =	vmax.f32 v8, v12  }
0x106: {  	v49 =	vld [tilespmem:s9+$0x4EC0];
	v8 =	vmax.f32 v8, v13  }
0x107: {  	v50 =	vld [tilespmem:s9+$0x4ED0];
	v8 =	vmax.f32 v8, v45  }
0x108: {  	v51 =	vld [tilespmem:s9+$0x4EE0];
	v8 =	vmax.f32 v8, v46  }
0x109: {  	v52 =	vld [tilespmem:s9+$0x4EF0];
	v8 =	vmax.f32 v8, v47  }
0x10a: {  	v53 =	vld [tilespmem:s9+$0x4F00];
	v8 =	vmax.f32 v8, v48  }
0x10b: {  	v54 =	vld [tilespmem:s9+$0x4F10];
	v8 =	vmax.f32 v8, v49  }
0x10c: {  	v55 =	vld [tilespmem:s9+$0x4F20];
	v8 =	vmax.f32 v8, v50  }
0x10d: {  	v56 =	vld [tilespmem:s9+$0x4F30];
	v8 =	vmax.f32 v8, v51  }
0x10e: {  	v57 =	vld [tilespmem:s9+$0x4F40];
	v8 =	vmax.f32 v8, v52  }
0x10f: {  	v58 =	vld [tilespmem:s9+$0x4F50];
	v8 =	vmax.f32 v8, v53  }
0x110: {  	v59 =	vld [tilespmem:s9+$0x4F60];
	v8 =	vmax.f32 v8, v54  }
0x111: {  	v60 =	vld [tilespmem:s9+$0x4F70];
	v8 =	vmax.f32 v8, v55  }
0x112: {  	v61 =	vld [tilespmem:s9+$0x4F80];
	v8 =	vmax.f32 v8, v56  }
0x113: {  	v62 =	vld [tilespmem:s9+$0x4F90];
	v8 =	vmax.f32 v8, v57  }
0x114: {  	v63 =	vld [tilespmem:s9+$0x4FA0];
	v8 =	vmax.f32 v8, v58  }
0x115: {  	v8 =	vmax.f32 v8, v59  }
0x116: {  	v8 =	vmax.f32 v8, v60  }
0x117: {  	v8 =	vmax.f32 v8, v61  }
0x118: {  	v8 =	vmax.f32 v8, v62  }
0x119: {  	v8 =	vmax.f32 v8, v63  }
0x11a: {  	vm8 =	vgt.f32 v8, v7  }
0x11b: {  	v8 =	vsel vm8, $0x3F800000, v0  }
0x11c: {  	(xrf0) =	vmax.scan.msk.f32 $0xffff, v8;
	_ =	sdelay $0x5  }
0x11d: {  	v8, _, _ =	vpop (xrf0)  }
0x11e: {  	(v2sf) =	vpush v8, $0xF;
	_ =	sdelay $0xe  }
0x11f: {  	s31 =	spop (v2sf)  }
0x120: {  	p0 =	sgt.f32 s31, $0.0e+00  }
.Ltmp11:
0x121: {  	_ = 	snop;
	(pc) =	sbr.rel @!p0 .LBB2_13-.Ltmp11, $1  }
0x122: {  	_ =	sdelay $0x3  }
0x123: {  	s9 =	sshra.s32 s5, $0x2  }
0x124: {  	s9 =	sadd.s32 s9, s6  }
0x125: {  	v8 =	vld [tilespmem:s9+$0x0];
	_ =	sdelay $0x4  }
0x126: {  	vm8 =	vgt.f32 v8, v7  }
0x127: {  	v9 =	vsel vm8, $0x3F800000, v0  }
0x128: {  	(xrf0) =	vmax.scan.msk.f32 $0xffff, v9;
	_ =	sdelay $0x5  }
0x129: {  	v9, _, _ =	vpop (xrf0)  }
0x12a: {  	(v2sf) =	vpush v9, $0xF;
	_ =	sdelay $0xe  }
0x12b: {  	s31 =	spop (v2sf)  }
0x12c: {  	p1 =	sgt.f32 s31, $0.0e+00;
	_ =	sdelay $0x1  }
0x12d: {  	v8 =	vadd.f32 @p1 v8, v4;
	v9 =	vlaneseq.u32 @p1  }
0x12e: {  	v9 =	vor.u32 @p1 s10, v9  }
0x12f: {  	(xrf1) =	vsort.dscd.msk.f32 @p1 $0xffff, v8, v9;
	_ =	sdelay $0xd  }
0x130: {  	v8, v9, _ =	vpop @p1 (xrf1)  }
0x131: {  	vm8 =	veq.f32 @p1 v6, v8;
	vm9 =	vlt.s32 @p1 v5, v9  }
0x132: {  	vm15 =	vgt.f32 @p1 v6, v8;
	vm8 =	vmand @p1 vm8, vm9  }
0x133: {  	vm8 =	vmor @p1 vm15, vm8  }
0x134: {  	v8 =	vmax.f32 @p1 v6, v8;
	v9 =	vsel @p1 vm8, v5, v9  }
0x135: {  	(xrf1) =	vsort.ascd.msk.f32 @p1 $0xffff, v8, v9;
	_ =	sdelay $0x4  }
0x136: {  	s26 =	sadd.s32 $0x40, s5;
	s9 =	smov.u32 s10  }
.LBB2_11:
0x137: {  	_ =	sdelay $0x6  }
0x138: {  	s13 =	sshra.s32 s26, $0x2;
	s26 =	sadd.s32 $0x40, s26  }
0x139: {  	s13 =	sadd.s32 s13, s6;
	p0 =	sne.s32 s26, $0x640;
	v8, v9, _ =	vpop @p1 (xrf1)  }
0x13a: {  	v10 =	vld [tilespmem:s13+$0x0];
	v11 =	vbroadcast @p1 v8, $0x0;
	v6 =	vpsel p1, v8, v6;
	v5 =	vpsel p1, v9, v5;
	_ =	sdelay $0x1  }
0x13b: {  	v8 =	vsub.f32 @p1 v11, v4;
	_ =	sdelay $0x1  }
0x13c: {  	v7 =	vpsel p1, v8, v7  }
0x13d: {  	vm8 =	vgt.f32 v10, v7  }
0x13e: {  	v8 =	vsel vm8, $0x3F800000, v0  }
0x13f: {  	(xrf0) =	vmax.scan.msk.f32 $0xffff, v8;
	_ =	sdelay $0x5  }
0x140: {  	v8, _, _ =	vpop (xrf0)  }
0x141: {  	(v2sf) =	vpush v8, $0xF;
	_ =	sdelay $0xe  }
0x142: {  	s13 =	spop (v2sf)  }
0x143: {  	p1 =	sgt.f32 s13, $0.0e+00;
	_ =	sdelay $0x1  }
0x144: {  	s9 =	sadd.s32 $0x10, s9;
	v8 =	vadd.f32 @p1 v10, v4;
	v9 =	vlaneseq.u32 @p1  }
0x145: {  	v9 =	vor.u32 @p1 s9, v9  }
0x146: {  	(xrf1) =	vsort.dscd.msk.f32 @p1 $0xffff, v8, v9;
	_ =	sdelay $0xd  }
0x147: {  	v8, v9, _ =	vpop @p1 (xrf1)  }
.Ltmp12:
0x148: {  	vm8 =	veq.f32 @p1 v6, v8;
	vm9 =	vlt.s32 @p1 v5, v9;
	(pc) =	sbr.rel @p0 .LBB2_11-.Ltmp12, $4  }
0x149: {  	vm15 =	vgt.f32 @p1 v6, v8;
	vm8 =	vmand @p1 vm8, vm9  }
0x14a: {  	vm8 =	vmor @p1 vm15, vm8  }
0x14b: {  	v8 =	vmax.f32 @p1 v6, v8;
	v9 =	vsel @p1 vm8, v5, v9  }
0x14c: {  	(xrf1) =	vsort.ascd.msk.f32 @p1 $0xffff, v8, v9  }
.Ltmp13:
0x14d: {  	_ = 	snop;
	(pc) =	sbr.rel .LBB2_12-.Ltmp13, $1  }
0x14e: {  	_ =	sdelay $0x3  }
.LBB2_15:
0x14f: {  	_ =	swait.ge [sflag:s23], $0x4E20  }
0x150: {  	[sflag:s23] =	ssyncset.done $0x0  }
0x151: {  	[sflag:s23] =	ssyncadd.s32 $0xFFFFB1E0  }
0x152: {  	v4 =	vld [tilespmem:$0x9C70]  }
.Ltmp14:
0x153: {  	_ = 	snop;
	(pc) =	sbr.rel .LBB2_16-.Ltmp14, $4  }
0x154: {  	_ = 	snop  }
0x155: {  	v7 =	vbroadcast v6, $0x0  }
0x156: {  	s0 =	simm.s32 $0x0  }
0x157: {  	s1 =	simm.s32 $0x57E40;
	s5 =	simm.s32 $0x0;
	s6 =	simm.s32 $0x0;
	v7 =	vsub.f32 v7, v4  }
.LBB2_20:
0x158: {  	s6 =	sadd.s32 $0x1, s6  }
0x159: {  	p0 =	sne.s32 s6, $0x32  }
.Ltmp15:
0x15a: {  	_ = 	snop;
	(pc) =	sbr.rel @!p0 .LBB2_21-.Ltmp15, $2  }
0x15b: {  	_ =	sdelay $0x2  }
0x15c: {  	s5 =	sadd.s32 $0x190, s5;
	s1 =	sadd.s32 $0x190, s1  }
.LBB2_16:
0x15d: {  	s9 =	smul.u32 $0x190, s6;
	_ =	sdelay $0x1  }
0x15e: {  	v8 =	vld [tilespmem:s9+$0x0]  }
0x15f: {  	v9 =	vld [tilespmem:s9+$0x10]  }
0x160: {  	v10 =	vld [tilespmem:s9+$0x20]  }
0x161: {  	v11 =	vld [tilespmem:s9+$0x30]  }
0x162: {  	v12 =	vld [tilespmem:s9+$0x40]  }
0x163: {  	v13 =	vld [tilespmem:s9+$0x50]  }
0x164: {  	v45 =	vld [tilespmem:s9+$0x60];
	v8 =	vmax.f32 v8, v9  }
0x165: {  	v46 =	vld [tilespmem:s9+$0x70];
	v8 =	vmax.f32 v8, v10  }
0x166: {  	v47 =	vld [tilespmem:s9+$0x80];
	v8 =	vmax.f32 v8, v11  }
0x167: {  	v48 =	vld [tilespmem:s9+$0x90];
	v8 =	vmax.f32 v8, v12  }
0x168: {  	v49 =	vld [tilespmem:s9+$0xA0];
	v8 =	vmax.f32 v8, v13  }
0x169: {  	v50 =	vld [tilespmem:s9+$0xB0];
	v8 =	vmax.f32 v8, v45  }
0x16a: {  	v51 =	vld [tilespmem:s9+$0xC0];
	v8 =	vmax.f32 v8, v46  }
0x16b: {  	v52 =	vld [tilespmem:s9+$0xD0];
	v8 =	vmax.f32 v8, v47  }
0x16c: {  	v53 =	vld [tilespmem:s9+$0xE0];
	v8 =	vmax.f32 v8, v48  }
0x16d: {  	v54 =	vld [tilespmem:s9+$0xF0];
	v8 =	vmax.f32 v8, v49  }
0x16e: {  	v55 =	vld [tilespmem:s9+$0x100];
	v8 =	vmax.f32 v8, v50  }
0x16f: {  	v56 =	vld [tilespmem:s9+$0x110];
	v8 =	vmax.f32 v8, v51  }
0x170: {  	v57 =	vld [tilespmem:s9+$0x120];
	v8 =	vmax.f32 v8, v52  }
0x171: {  	v58 =	vld [tilespmem:s9+$0x130];
	v8 =	vmax.f32 v8, v53  }
0x172: {  	v59 =	vld [tilespmem:s9+$0x140];
	v8 =	vmax.f32 v8, v54  }
0x173: {  	v60 =	vld [tilespmem:s9+$0x150];
	v8 =	vmax.f32 v8, v55  }
0x174: {  	v61 =	vld [tilespmem:s9+$0x160];
	v8 =	vmax.f32 v8, v56  }
0x175: {  	v62 =	vld [tilespmem:s9+$0x170];
	v8 =	vmax.f32 v8, v57  }
0x176: {  	v63 =	vld [tilespmem:s9+$0x180];
	v8 =	vmax.f32 v8, v58  }
0x177: {  	v8 =	vmax.f32 v8, v59  }
0x178: {  	v8 =	vmax.f32 v8, v60  }
0x179: {  	v8 =	vmax.f32 v8, v61  }
0x17a: {  	v8 =	vmax.f32 v8, v62  }
0x17b: {  	v8 =	vmax.f32 v8, v63  }
0x17c: {  	vm8 =	vgt.f32 v8, v7  }
0x17d: {  	v8 =	vsel vm8, $0x3F800000, v0  }
0x17e: {  	(xrf0) =	vmax.scan.msk.f32 $0xffff, v8;
	_ =	sdelay $0x5  }
0x17f: {  	v8, _, _ =	vpop (xrf0)  }
0x180: {  	(v2sf) =	vpush v8, $0xF;
	_ =	sdelay $0xe  }
0x181: {  	s31 =	spop (v2sf)  }
0x182: {  	p0 =	sgt.f32 s31, $0.0e+00  }
.Ltmp16:
0x183: {  	_ = 	snop;
	(pc) =	sbr.rel @!p0 .LBB2_20-.Ltmp16, $1  }
0x184: {  	_ =	sdelay $0x3  }
0x185: {  	s9 =	sshra.s32 s0, $0x2  }
0x186: {  	s9 =	sadd.s32 s9, s5  }
0x187: {  	v8 =	vld [tilespmem:s9+$0x0];
	_ =	sdelay $0x4  }
0x188: {  	vm8 =	vgt.f32 v8, v7  }
0x189: {  	v9 =	vsel vm8, $0x3F800000, v0  }
0x18a: {  	(xrf0) =	vmax.scan.msk.f32 $0xffff, v9;
	_ =	sdelay $0x5  }
0x18b: {  	v9, _, _ =	vpop (xrf0)  }
0x18c: {  	(v2sf) =	vpush v9, $0xF;
	_ =	sdelay $0xe  }
0x18d: {  	s31 =	spop (v2sf)  }
0x18e: {  	p1 =	sgt.f32 s31, $0.0e+00;
	_ =	sdelay $0x1  }
0x18f: {  	v8 =	vadd.f32 @p1 v8, v4;
	v9 =	vlaneseq.u32 @p1  }
0x190: {  	v9 =	vor.u32 @p1 s1, v9  }
0x191: {  	(xrf1) =	vsort.dscd.msk.f32 @p1 $0xffff, v8, v9;
	_ =	sdelay $0xd  }
0x192: {  	v8, v9, _ =	vpop @p1 (xrf1)  }
0x193: {  	vm8 =	veq.f32 @p1 v6, v8;
	vm9 =	vlt.s32 @p1 v5, v9  }
0x194: {  	vm15 =	vgt.f32 @p1 v6, v8;
	vm8 =	vmand @p1 vm8, vm9  }
0x195: {  	vm8 =	vmor @p1 vm15, vm8  }
0x196: {  	v8 =	vmax.f32 @p1 v6, v8;
	v9 =	vsel @p1 vm8, v5, v9  }
0x197: {  	s10 =	smov.u32 s1;
	s9 =	sadd.s32 $0x40, s0;
	(xrf1) =	vsort.ascd.msk.f32 @p1 $0xffff, v8, v9  }
.LBB2_18:
0x198: {  	_ =	sdelay $0xb  }
0x199: {  	s11 =	sshra.s32 s9, $0x2;
	s9 =	sadd.s32 $0x40, s9  }
0x19a: {  	s11 =	sadd.s32 s11, s5;
	p0 =	sne.s32 s9, $0x640;
	v8, v9, _ =	vpop @p1 (xrf1)  }
0x19b: {  	v10 =	vld [tilespmem:s11+$0x0];
	v11 =	vbroadcast @p1 v8, $0x0;
	v6 =	vpsel p1, v8, v6;
	v5 =	vpsel p1, v9, v5;
	_ =	sdelay $0x1  }
0x19c: {  	v8 =	vsub.f32 @p1 v11, v4;
	_ =	sdelay $0x1  }
0x19d: {  	v7 =	vpsel p1, v8, v7  }
0x19e: {  	vm8 =	vgt.f32 v10, v7  }
0x19f: {  	v8 =	vsel vm8, $0x3F800000, v0  }
0x1a0: {  	(xrf0) =	vmax.scan.msk.f32 $0xffff, v8;
	_ =	sdelay $0x5  }
0x1a1: {  	v8, _, _ =	vpop (xrf0)  }
0x1a2: {  	(v2sf) =	vpush v8, $0xF;
	_ =	sdelay $0xe  }
0x1a3: {  	s11 =	spop (v2sf)  }
0x1a4: {  	p1 =	sgt.f32 s11, $0.0e+00;
	_ =	sdelay $0x1  }
0x1a5: {  	s10 =	sadd.s32 $0x10, s10;
	v8 =	vadd.f32 @p1 v10, v4;
	v9 =	vlaneseq.u32 @p1  }
0x1a6: {  	v9 =	vor.u32 @p1 s10, v9  }
0x1a7: {  	(xrf1) =	vsort.dscd.msk.f32 @p1 $0xffff, v8, v9;
	_ =	sdelay $0xd  }
0x1a8: {  	v8, v9, _ =	vpop @p1 (xrf1)  }
.Ltmp17:
0x1a9: {  	vm8 =	veq.f32 @p1 v6, v8;
	vm9 =	vlt.s32 @p1 v5, v9;
	(pc) =	sbr.rel @p0 .LBB2_18-.Ltmp17, $4  }
0x1aa: {  	vm15 =	vgt.f32 @p1 v6, v8;
	vm8 =	vmand @p1 vm8, vm9  }
0x1ab: {  	vm8 =	vmor @p1 vm15, vm8  }
0x1ac: {  	v8 =	vmax.f32 @p1 v6, v8;
	v9 =	vsel @p1 vm8, v5, v9  }
0x1ad: {  	(xrf1) =	vsort.ascd.msk.f32 @p1 $0xffff, v8, v9  }
0x1ae: {  	_ =	sdelay $0xc  }
0x1af: {  	v8, v9, _ =	vpop @p1 (xrf1)  }
.Ltmp18:
0x1b0: {  	v10 =	vbroadcast @p1 v8, $0x0;
	(pc) =	sbr.rel .LBB2_20-.Ltmp18, $3  }
0x1b1: {  	_ = 	snop  }
0x1b2: {  	v10 =	vsub.f32 @p1 v10, v4;
	_ =	sdelay $0x1  }
0x1b3: {  	v6 =	vpsel p1, v8, v6;
	v5 =	vpsel p1, v9, v5;
	v7 =	vpsel p1, v10, v7  }
.LBB2_21:
.Ltmp19:
0x1b4: {  	(pc) =	sbr.rel .LBB2_22-.Ltmp19, $4  }
0x1b5: {  	_ = 	snop  }
0x1b6: {  	_ =	swait.ge [sflag:s24], $0x4E20;
	v7 =	vbroadcast v6, $0x0  }
0x1b7: {  	s0 =	simm.s32 $0x0;
	s1 =	simm.s32 $0x4E20;
	[sflag:s24] =	ssyncset.done $0x0  }
0x1b8: {  	s5 =	simm.s32 $0x5CC60;
	s6 =	simm.s32 $0x0;
	[sflag:s24] =	ssyncadd.s32 $0xFFFFB1E0;
	v7 =	vsub.f32 v7, v4  }
.LBB2_26:
0x1b9: {  	s6 =	sadd.s32 $0x1, s6  }
0x1ba: {  	p0 =	sne.s32 s6, $0x32  }
.Ltmp20:
0x1bb: {  	_ = 	snop;
	(pc) =	sbr.rel @!p0 .LBB2_27-.Ltmp20, $2  }
0x1bc: {  	_ =	sdelay $0x2  }
0x1bd: {  	s1 =	sadd.s32 $0x190, s1;
	s5 =	sadd.s32 $0x190, s5  }
.LBB2_22:
0x1be: {  	s9 =	smul.u32 $0x190, s6;
	_ =	sdelay $0x1  }
0x1bf: {  	v8 =	vld [tilespmem:s9+$0x4E20]  }
0x1c0: {  	v9 =	vld [tilespmem:s9+$0x4E30]  }
0x1c1: {  	v10 =	vld [tilespmem:s9+$0x4E40]  }
0x1c2: {  	v11 =	vld [tilespmem:s9+$0x4E50]  }
0x1c3: {  	v12 =	vld [tilespmem:s9+$0x4E60]  }
0x1c4: {  	v13 =	vld [tilespmem:s9+$0x4E70]  }
0x1c5: {  	v45 =	vld [tilespmem:s9+$0x4E80];
	v8 =	vmax.f32 v8, v9  }
0x1c6: {  	v46 =	vld [tilespmem:s9+$0x4E90];
	v8 =	vmax.f32 v8, v10  }
0x1c7: {  	v47 =	vld [tilespmem:s9+$0x4EA0];
	v8 =	vmax.f32 v8, v11  }
0x1c8: {  	v48 =	vld [tilespmem:s9+$0x4EB0];
	v8 =	vmax.f32 v8, v12  }
0x1c9: {  	v49 =	vld [tilespmem:s9+$0x4EC0];
	v8 =	vmax.f32 v8, v13  }
0x1ca: {  	v50 =	vld [tilespmem:s9+$0x4ED0];
	v8 =	vmax.f32 v8, v45  }
0x1cb: {  	v51 =	vld [tilespmem:s9+$0x4EE0];
	v8 =	vmax.f32 v8, v46  }
0x1cc: {  	v52 =	vld [tilespmem:s9+$0x4EF0];
	v8 =	vmax.f32 v8, v47  }
0x1cd: {  	v53 =	vld [tilespmem:s9+$0x4F00];
	v8 =	vmax.f32 v8, v48  }
0x1ce: {  	v54 =	vld [tilespmem:s9+$0x4F10];
	v8 =	vmax.f32 v8, v49  }
0x1cf: {  	v55 =	vld [tilespmem:s9+$0x4F20];
	v8 =	vmax.f32 v8, v50  }
0x1d0: {  	v56 =	vld [tilespmem:s9+$0x4F30];
	v8 =	vmax.f32 v8, v51  }
0x1d1: {  	v57 =	vld [tilespmem:s9+$0x4F40];
	v8 =	vmax.f32 v8, v52  }
0x1d2: {  	v58 =	vld [tilespmem:s9+$0x4F50];
	v8 =	vmax.f32 v8, v53  }
0x1d3: {  	v59 =	vld [tilespmem:s9+$0x4F60];
	v8 =	vmax.f32 v8, v54  }
0x1d4: {  	v60 =	vld [tilespmem:s9+$0x4F70];
	v8 =	vmax.f32 v8, v55  }
0x1d5: {  	v61 =	vld [tilespmem:s9+$0x4F80];
	v8 =	vmax.f32 v8, v56  }
0x1d6: {  	v62 =	vld [tilespmem:s9+$0x4F90];
	v8 =	vmax.f32 v8, v57  }
0x1d7: {  	v63 =	vld [tilespmem:s9+$0x4FA0];
	v8 =	vmax.f32 v8, v58  }
0x1d8: {  	v8 =	vmax.f32 v8, v59  }
0x1d9: {  	v8 =	vmax.f32 v8, v60  }
0x1da: {  	v8 =	vmax.f32 v8, v61  }
0x1db: {  	v8 =	vmax.f32 v8, v62  }
0x1dc: {  	v8 =	vmax.f32 v8, v63  }
0x1dd: {  	vm8 =	vgt.f32 v8, v7  }
0x1de: {  	v8 =	vsel vm8, $0x3F800000, v0  }
0x1df: {  	(xrf0) =	vmax.scan.msk.f32 $0xffff, v8;
	_ =	sdelay $0x5  }
0x1e0: {  	v8, _, _ =	vpop (xrf0)  }
0x1e1: {  	(v2sf) =	vpush v8, $0xF;
	_ =	sdelay $0xe  }
0x1e2: {  	s31 =	spop (v2sf)  }
0x1e3: {  	p0 =	sgt.f32 s31, $0.0e+00  }
.Ltmp21:
0x1e4: {  	_ = 	snop;
	(pc) =	sbr.rel @!p0 .LBB2_26-.Ltmp21, $1  }
0x1e5: {  	_ =	sdelay $0x3  }
0x1e6: {  	s9 =	sshra.s32 s0, $0x2  }
0x1e7: {  	s9 =	sadd.s32 s9, s1  }
0x1e8: {  	v8 =	vld [tilespmem:s9+$0x0];
	_ =	sdelay $0x4  }
0x1e9: {  	vm8 =	vgt.f32 v8, v7  }
0x1ea: {  	v9 =	vsel vm8, $0x3F800000, v0  }
0x1eb: {  	(xrf0) =	vmax.scan.msk.f32 $0xffff, v9;
	_ =	sdelay $0x5  }
0x1ec: {  	v9, _, _ =	vpop (xrf0)  }
0x1ed: {  	(v2sf) =	vpush v9, $0xF;
	_ =	sdelay $0xe  }
0x1ee: {  	s31 =	spop (v2sf)  }
0x1ef: {  	p1 =	sgt.f32 s31, $0.0e+00;
	_ =	sdelay $0x1  }
0x1f0: {  	v8 =	vadd.f32 @p1 v8, v4;
	v9 =	vlaneseq.u32 @p1  }
0x1f1: {  	v9 =	vor.u32 @p1 s5, v9  }
0x1f2: {  	(xrf1) =	vsort.dscd.msk.f32 @p1 $0xffff, v8, v9;
	_ =	sdelay $0xd  }
0x1f3: {  	v8, v9, _ =	vpop @p1 (xrf1)  }
0x1f4: {  	vm8 =	veq.f32 @p1 v6, v8;
	vm9 =	vlt.s32 @p1 v5, v9  }
0x1f5: {  	vm15 =	vgt.f32 @p1 v6, v8;
	vm8 =	vmand @p1 vm8, vm9  }
0x1f6: {  	vm8 =	vmor @p1 vm15, vm8  }
0x1f7: {  	v8 =	vmax.f32 @p1 v6, v8;
	v9 =	vsel @p1 vm8, v5, v9  }
0x1f8: {  	s10 =	smov.u32 s5;
	s9 =	sadd.s32 $0x40, s0;
	(xrf1) =	vsort.ascd.msk.f32 @p1 $0xffff, v8, v9  }
.LBB2_24:
0x1f9: {  	_ =	sdelay $0xb  }
0x1fa: {  	s11 =	sshra.s32 s9, $0x2;
	s9 =	sadd.s32 $0x40, s9  }
0x1fb: {  	s11 =	sadd.s32 s11, s1;
	p0 =	sne.s32 s9, $0x640;
	v8, v9, _ =	vpop @p1 (xrf1)  }
0x1fc: {  	v10 =	vld [tilespmem:s11+$0x0];
	v11 =	vbroadcast @p1 v8, $0x0;
	v6 =	vpsel p1, v8, v6;
	v5 =	vpsel p1, v9, v5;
	_ =	sdelay $0x1  }
0x1fd: {  	v8 =	vsub.f32 @p1 v11, v4;
	_ =	sdelay $0x1  }
0x1fe: {  	v7 =	vpsel p1, v8, v7  }
0x1ff: {  	vm8 =	vgt.f32 v10, v7  }
0x200: {  	v8 =	vsel vm8, $0x3F800000, v0  }
0x201: {  	(xrf0) =	vmax.scan.msk.f32 $0xffff, v8;
	_ =	sdelay $0x5  }
0x202: {  	v8, _, _ =	vpop (xrf0)  }
0x203: {  	(v2sf) =	vpush v8, $0xF;
	_ =	sdelay $0xe  }
0x204: {  	s11 =	spop (v2sf)  }
0x205: {  	p1 =	sgt.f32 s11, $0.0e+00;
	_ =	sdelay $0x1  }
0x206: {  	s10 =	sadd.s32 $0x10, s10;
	v8 =	vadd.f32 @p1 v10, v4;
	v9 =	vlaneseq.u32 @p1  }
0x207: {  	v9 =	vor.u32 @p1 s10, v9  }
0x208: {  	(xrf1) =	vsort.dscd.msk.f32 @p1 $0xffff, v8, v9;
	_ =	sdelay $0xd  }
0x209: {  	v8, v9, _ =	vpop @p1 (xrf1)  }
.Ltmp22:
0x20a: {  	vm8 =	veq.f32 @p1 v6, v8;
	vm9 =	vlt.s32 @p1 v5, v9;
	(pc) =	sbr.rel @p0 .LBB2_24-.Ltmp22, $4  }
0x20b: {  	vm15 =	vgt.f32 @p1 v6, v8;
	vm8 =	vmand @p1 vm8, vm9  }
0x20c: {  	vm8 =	vmor @p1 vm15, vm8  }
0x20d: {  	v8 =	vmax.f32 @p1 v6, v8;
	v9 =	vsel @p1 vm8, v5, v9  }
0x20e: {  	(xrf1) =	vsort.ascd.msk.f32 @p1 $0xffff, v8, v9  }
0x20f: {  	_ =	sdelay $0xc  }
0x210: {  	v8, v9, _ =	vpop @p1 (xrf1)  }
.Ltmp23:
0x211: {  	v10 =	vbroadcast @p1 v8, $0x0;
	(pc) =	sbr.rel .LBB2_26-.Ltmp23, $3  }
0x212: {  	_ = 	snop  }
0x213: {  	v10 =	vsub.f32 @p1 v10, v4;
	_ =	sdelay $0x1  }
0x214: {  	v6 =	vpsel p1, v8, v6;
	v5 =	vpsel p1, v9, v5;
	v7 =	vpsel p1, v10, v7  }
.LBB2_27:
0x215: {  	v4 =	vmul.u32 $0xFFFFFFFF, v1;
	_ =	sdelay $0x1  }
0x216: {  	v4 =	vadd.s32 $0xF, v4  }
0x217: {  	v7 =	vperm.xlane v5, v4;
	_ =	sdelay $0x1  }
0x218: {  	(v2sf) =	vpush v7, $0xD;
	_ =	sdelay $0x1  }
0x219: {  	(v2sf) =	vpush v7, $0xC;
	_ =	sdelay $0x1  }
0x21a: {  	(v2sf) =	vpush v7, $0xE;
	_ =	sdelay $0x1  }
0x21b: {  	(v2sf) =	vpush v7, $0xF;
	_ =	sdelay $0x1  }
0x21c: {  	(v2sf) =	vpush v7, $0x9;
	_ =	sdelay $0x1  }
0x21d: {  	(v2sf) =	vpush v7, $0x8;
	_ =	sdelay $0x1  }
0x21e: {  	(v2sf) =	vpush v7, $0xA;
	_ =	sdelay $0x1  }
0x21f: {  	(v2sf) =	vpush v7, $0xB  }
0x220: {  	s0 =	spop (v2sf)  }
0x221: {  	(v2sf) =	vpush v7, $0x0;
	s1 =	smulhi.u32 $0x14F8B589, s0;
	s0 =	sshra.s32 s0, $0x1F  }
0x222: {  	s5 =	spop (v2sf);
	s0 =	smul.u32 $0x14F8B589, s0  }
0x223: {  	(v2sf) =	vpush v7, $0x1;
	s6 =	smulhi.u32 $0x14F8B589, s5;
	s5 =	sshra.s32 s5, $0x1F  }
0x224: {  	s9 =	spop (v2sf);
	s5 =	smul.u32 $0x14F8B589, s5  }
0x225: {  	s11 =	smulhi.u32 $0x14F8B589, s9;
	s9 =	sshra.s32 s9, $0x1F  }
0x226: {  	(v2sf) =	vpush v7, $0x2;
	s10 =	spop (v2sf);
	s9 =	smul.u32 $0x14F8B589, s9  }
0x227: {  	(v2sf) =	vpush v7, $0x3;
	s13 =	smulhi.u32 $0x14F8B589, s10;
	s10 =	sshra.s32 s10, $0x1F  }
0x228: {  	(v2sf) =	vpush v7, $0x4;
	s21 =	spop (v2sf);
	s26 =	smul.u32 $0x14F8B589, s10  }
0x229: {  	s28 =	smulhi.u32 $0x14F8B589, s21;
	s4 =	sshra.s32 s21, $0x1F  }
0x22a: {  	(v2sf) =	vpush v7, $0x5;
	s7 =	spop (v2sf);
	s31 =	smul.u32 $0x14F8B589, s4  }
0x22b: {  	(v2sf) =	vpush v7, $0x6;
	s29 =	smulhi.u32 $0x14F8B589, s7;
	s8 =	sshra.s32 s7, $0x1F  }
0x22c: {  	(v2sf) =	vpush v7, $0x7;
	s12 =	spop (v2sf);
	s17 =	smul.u32 $0x14F8B589, s8  }
0x22d: {  	s18 =	smulhi.u32 $0x14F8B589, s12;
	s21 =	sshra.s32 s12, $0x1F  }
0x22e: {  	s14 =	spop (v2sf);
	s21 =	smul.u32 $0x14F8B589, s21  }
0x22f: {  	s4 =	smulhi.u32 $0x14F8B589, s14;
	s14 =	sshra.s32 s14, $0x1F  }
0x230: {  	s15 =	spop (v2sf);
	s14 =	smul.u32 $0x14F8B589, s14  }
0x231: {  	s22 =	smulhi.u32 $0x14F8B589, s15;
	s10 =	sshra.s32 s15, $0x1F  }
0x232: {  	s1 =	sadd.s32 s0, s1;
	s19 =	spop (v2sf);
	s8 =	smul.u32 $0x14F8B589, s10  }
0x233: {  	s0 =	sadd.s32 s26, s13;
	s26 =	sadd.s32 s17, s29;
	s15 =	smulhi.u32 $0x14F8B589, s19  }
0x234: {  	s16 =	sshra.s32 s19, $0x1F;
	s10 =	sadd.s32 s5, s6;
	s5 =	sadd.s32 s9, s11  }
0x235: {  	s21 =	sadd.s32 s21, s18;
	s16 =	smul.u32 $0x14F8B589, s16;
	s20 =	spop (v2sf)  }
0x236: {  	s12 =	spop (v2sf);
	s9 =	smulhi.u32 $0x14F8B589, s20;
	s11 =	sshra.s32 s20, $0x1F  }
0x237: {  	s29 =	sshrl.u32 s5, $0x1F;
	s30 =	spop (v2sf);
	s13 =	smul.u32 $0x14F8B589, s11  }
0x238: {  	s11 =	sadd.s32 s31, s28;
	s28 =	smulhi.u32 $0x14F8B589, s12;
	s6 =	sshra.s32 s12, $0x1F  }
0x239: {  	s8 =	sadd.s32 s8, s22;
	s7 =	spop (v2sf);
	s17 =	smul.u32 $0x14F8B589, s6  }
0x23a: {  	s18 =	smulhi.u32 $0x14F8B589, s30;
	s30 =	sshra.s32 s30, $0x1F;
	s19 =	spop (v2sf)  }
0x23b: {  	s6 =	sadd.s32 s14, s4;
	s4 =	smul.u32 $0x14F8B589, s30;
	s30 =	spop (v2sf)  }
0x23c: {  	s15 =	sadd.s32 s16, s15;
	s22 =	smulhi.u32 $0x14F8B589, s30;
	s14 =	sshra.s32 s30, $0x1F  }
0x23d: {  	s16 =	sshrl.u32 s0, $0x1F;
	s12 =	sshrl.u32 s10, $0x1F;
	s14 =	smul.u32 $0x14F8B589, s14  }
0x23e: {  	s20 =	sshrl.u32 s1, $0x1F;
	s1 =	sshra.s32 s1, $0xD;
	s10 =	sshra.s32 s10, $0xD;
	v8 =	vmov s12  }
0x23f: {  	s12 =	sshrl.u32 s26, $0x1F;
	s13 =	sadd.s32 s13, s9;
	v8 =	vsel vm0, s20, v8;
	s9 =	sadd.s32 s14, s22  }
0x240: {  	s17 =	sadd.s32 s17, s28;
	v8 =	vsel vm1, s29, v8;
	s29 =	sshra.s32 s19, $0x1F;
	s28 =	sshra.s32 s9, $0x1F  }
0x241: {  	s30 =	sshrl.u32 s11, $0x1F;
	s22 =	sshrl.u32 s8, $0x1F;
	v5 =	vmov s28;
	s28 =	sshra.s32 s8, $0xD  }
0x242: {  	vm8 =	vcmask $0x704;
	s4 =	sadd.s32 s4, s18;
	s20 =	smul.u32 $0x14F8B589, s29;
	v9 =	vmov s22;
	s8 =	sshra.s32 s8, $0x1F;
	v5 =	vsel vm3, s28, v5  }
0x243: {  	v11 =	vmov s10;
	s18 =	sshrl.u32 s15, $0x1F;
	s14 =	smulhi.u32 $0x14F8B589, s7;
	v9 =	vnsel vm3, $0x0, v9;
	s28 =	sshra.s32 s15, $0xD;
	v5 =	vsel vm8, s8, v5  }
0x244: {  	s7 =	sshra.s32 s7, $0x1F;
	s22 =	sshrl.u32 s13, $0x1F;
	v9 =	vsel vm0, s18, v9;
	s15 =	sshra.s32 s15, $0x1F;
	vm8 =	vcmask $0xF0C;
	v5 =	vsel vm0, s28, v5  }
0x245: {  	v8 =	vsel vm2, s16, v8;
	s16 =	sshrl.u32 s6, $0x1F;
	s7 =	smul.u32 $0x14F8B589, s7;
	v9 =	vsel vm1, s22, v9;
	s22 =	sshra.s32 s13, $0xD;
	v5 =	vsel vm8, s15, v5  }
0x246: {  	v10 =	vmov s12;
	s8 =	smulhi.u32 $0x14F8B589, s19;
	s19 =	sshrl.u32 s17, $0x1F;
	s13 =	sshra.s32 s13, $0x1F;
	vm8 =	vcmask $0x1714;
	v5 =	vsel vm1, s22, v5  }
0x247: {  	v11 =	vsel vm0, s1, v11;
	s29 =	sshrl.u32 s4, $0x1F;
	s7 =	sadd.s32 s7, s14;
	v9 =	vsel vm2, s19, v9;
	s15 =	sshra.s32 s17, $0xD;
	v5 =	vsel vm8, s13, v5  }
0x248: {  	v10 =	vsel vm0, s30, v10;
	s30 =	sshrl.u32 s7, $0x1F;
	s28 =	sshrl.u32 s21, $0x1F;
	s19 =	sshra.s32 s17, $0x1F;
	v9 =	vsel vm4, s29, v9;
	v5 =	vsel vm2, s15, v5  }
0x249: {  	s8 =	sadd.s32 s20, s8;
	v10 =	vsel vm1, s28, v10;
	s20 =	sshra.s32 s26, $0xD;
	v9 =	vsel vm5, s30, v9;
	s22 =	sshra.s32 s4, $0xD;
	v5 =	vsel vm11, s19, v5  }
0x24a: {  	s26 =	sshra.s32 s11, $0xD;
	s28 =	sshra.s32 s5, $0xD;
	v10 =	vsel vm2, s16, v10;
	v12 =	vmov s20;
	s4 =	sshra.s32 s4, $0x1F;
	v5 =	vsel vm4, s22, v5  }
0x24b: {  	s29 =	sshra.s32 s21, $0xD;
	s18 =	sshrl.u32 s8, $0x1F;
	s30 =	sshra.s32 s7, $0xD;
	v11 =	vsel vm1, s28, v11;
	v12 =	vsel vm0, s26, v12;
	v5 =	vsel vm12, s4, v5  }
0x24c: {  	s0 =	sshra.s32 s0, $0xD;
	s10 =	sshra.s32 s6, $0xD;
	s11 =	sshra.s32 s7, $0x1F;
	v9 =	vsel vm6, s18, v9;
	v12 =	vsel vm1, s29, v12;
	v5 =	vsel vm5, s30, v5  }
0x24d: {  	s12 =	sshra.s32 s8, $0xD;
	v11 =	vsel vm2, s0, v11;
	v12 =	vsel vm2, s10, v12;
	v5 =	vsel vm13, s11, v5  }
0x24e: {  	s14 =	sshra.s32 s8, $0x1F;
	v8 =	vcombine.low v10, v8;
	s13 =	sshrl.u32 s9, $0x1F;
	v11 =	vcombine.low v12, v11;
	v61 =	vsel vm6, s12, v5  }
0x24f: {  	v9 =	vsel vm7, s13, v9;
	s15 =	sshra.s32 s9, $0xD;
	v5 =	vmul.u32 $0x2, v1;
	v10 =	vsel vm14, s14, v61  }
0x250: {  	v8 =	vperm.xlane v8, v2;
	v11 =	vperm.xlane v11, v2;
	v10 =	vsel vm7, s15, v10  }
0x251: {  	v9 =	vperm.xlane v9, v5;
	v10 =	vperm.xlane v10, v5  }
0x252: {  	vm15 =	vmmov $0xff  }
0x253: {  	v8 =	vsel vm15, v9, v8;
	v62 =	vsel vm15, v10, v11  }
0x254: {  	v8 =	vadd.s32 v8, v62  }
0x255: {  	v9 =	vmul.u32 $0xFFFE7960, v8;
	_ =	sdelay $0x1  }
0x256: {  	v9 =	vadd.s32 v7, v9  }
0x257: {  	v6 =	vperm.xlane v6, v4;
	vm9 =	vlt.s32 v7, $0x1;
	vm8 =	vne.s32 v9, $0x0  }
0x258: {  	v7 =	vadd.s32 $0x186A0, v9;
	vm8 =	vmand vm9, vm8;
	vm9 =	vlt.s32 v9, $0x0  }
0x259: {  	[tilespmem:$0x9C80] =	vst v6;
	v7 =	vsel vm9, v7, v9;
	v63 =	vsel vm8, $0xFFFFFFFF, v3  }
0x25a: {  	s31 =	simm.s32 $0x0;
	[tilespmem:$0x9C90] =	vst v7;
	v6 =	vadd.s32 v63, v8  }
0x25b: {  	s17 =	simm.s32 $0x9C80;
	s16 =	rddreg [dreg:$0x9];
	s18 =	simm.s32 $0x3;
	[tilespmem:$0x9CA0] =	vst v6  }
0x25c: {  	[hbm4b:s16+s31] =	stream.linear.scatter [tilespmem:s17], [sflag:$0x3], $0x10, $0x38;
	[tilespmem:$0x9CB0] =	vst v63  }
0x25d: {  	_ =	swait.ge [sflag:s18], $0x10  }
0x25e: {  	[sflag:s18] =	ssyncset.done $0x0  }
0x25f: {  	s20 =	simm.s32 $0x9C90;
	s19 =	rddreg [dreg:$0xa];
	[sflag:s18] =	ssyncadd.s32 $0xFFFFFFF0  }
0x260: {  	[hbm4b:s19+s31] =	stream.linear.scatter [tilespmem:s20], [sflag:$0x3], $0x10, $0x38;
	[tilespmem:$0x9CB0] =	vst v63  }
0x261: {  	_ =	swait.ge [sflag:s18], $0x10  }
0x262: {  	[sflag:s18] =	ssyncset.done $0x0  }
0x263: {  	s22 =	simm.s32 $0x9CA0;
	s21 =	rddreg [dreg:$0xb];
	[sflag:s18] =	ssyncadd.s32 $0xFFFFFFF0  }
0x264: {  	[hbm4b:s21+s31] =	stream.linear.scatter [tilespmem:s22], [sflag:$0x3], $0x10, $0x38;
	[tilespmem:$0x9CB0] =	vst v63  }
0x265: {  	_ =	swait.ge [sflag:s18], $0x10  }
0x266: {  	[sflag:s18] =	ssyncset.done $0x0  }
0x267: {  	s28 =	simm.s32 $0x9C40;
	s26 =	rddreg [dreg:$0xd];
	[sflag:s18] =	ssyncadd.s32 $0xFFFFFFF0  }
0x268: {  	[tilespmem:s28], [sflag:$0x3] =	stream.linear.gather [hbm4b:s26+s31], $0x40, $0x38;
	[tilespmem:$0x9CB0] =	vst v63  }
0x269: {  	_ =	swait.ge [sflag:s18], $0x40  }
0x26a: {  	s29 =	rddreg [dreg:$0xc]  }
.Ltmp24:
0x26b: {  	[sflag:s18] =	ssyncset.done $0x0;
	s30 =	rddreg [dreg:$0xe];
	(pc) =	sbr.rel .LBB2_28-.Ltmp24, $4  }
0x26c: {  	s7 =	rddreg [dreg:$0xf];
	[sflag:s18] =	ssyncadd.s32 $0xFFFFFFC0  }
0x26d: {  	[tilespmem:s31], [sflag:$0x1] =	stream.linear.gather [hbm4b:s29+s31], $0x4E20, $0x38;
	[tilespmem:$0x9CB0] =	vst v63  }
0x26e: {  	s1 =	simm.s32 $0x0;
	s0 =	simm.s32 $0x4E20;
	s8 =	rddreg [dreg:$0x10]  }
0x26f: {  	v7 =	vimm.s32 $0x0;
	v6 =	vimm.f32 $-Inf;
	[tilespmem:s0], [sflag:$0x2] =	stream.linear.gather [hbm4b:s30+s31], $0x4E20, $0x38;
	[tilespmem:$0x9CB0] =	vst v63  }
.LBB2_40:
0x270: {  	s1 =	sadd.s32 $0x1, s1  }
0x271: {  	p0 =	sne.s32 s1, $0x9  }
.Ltmp25:
0x272: {  	_ = 	snop;
	(pc) =	sbr.rel @!p0 .LBB2_41-.Ltmp25, $4  }
0x273: {  	s4 =	sadd.s32 s21, s8  }
0x274: {  	s4 =	sshrl.u32 s4, $0x3  }
0x275: {  	s31 =	sadd.s32 $0x9C40, s31;
	s0 =	sadd.s32 $0x9C40, s0;
	s4 =	sadd.s32 s3, s4  }
0x276: {  	[tilespmem:s25], [sflag:$0x2] =	stream.linear.gather [hbm4b:s4+s2], $0x4E20, $0x38;
	[tilespmem:$0x9CB0] =	vst v63  }
.LBB2_28:
0x277: {  	s4 =	smul.u32 $0x19A, s1  }
0x278: {  	_ =	swait.ge [sflag:s23], $0x4E20  }
0x279: {  	[sflag:s23] =	ssyncset.done $0x0;
	s4 =	sshrl.u32 s4, $0x6  }
0x27a: {  	[sflag:s23] =	ssyncadd.s32 $0xFFFFB1E0;
	s4 =	sand.u32 $0x3F0, s4  }
0x27b: {  	v8 =	vld [tilespmem:s4+$0x9C40]  }
.Ltmp26:
0x27c: {  	_ = 	snop;
	(pc) =	sbr.rel .LBB2_29-.Ltmp26, $4  }
0x27d: {  	_ = 	snop  }
0x27e: {  	v9 =	vbroadcast v6, $0x0  }
0x27f: {  	s6 =	sshll.u32 s1, $0x1;
	s21 =	smul.u32 $0x9C40, s1  }
0x280: {  	s5 =	smov.u32 s31;
	s9 =	simm.s32 $0x0;
	s10 =	simm.s32 $0x0;
	v9 =	vsub.f32 v9, v8  }
.LBB2_32:
0x281: {  	_ =	sdelay $0x7  }
0x282: {  	v10, v11, _ =	vpop @p1 (xrf1)  }
0x283: {  	v12 =	vbroadcast @p1 v10, $0x0;
	_ =	sdelay $0x1  }
0x284: {  	v12 =	vsub.f32 @p1 v12, v8;
	_ =	sdelay $0x1  }
0x285: {  	v6 =	vpsel p1, v10, v6;
	v7 =	vpsel p1, v11, v7;
	v9 =	vpsel p1, v12, v9  }
.LBB2_33:
0x286: {  	s10 =	sadd.s32 $0x1, s10  }
0x287: {  	p0 =	sne.s32 s10, $0x32  }
.Ltmp27:
0x288: {  	_ = 	snop;
	(pc) =	sbr.rel @!p0 .LBB2_34-.Ltmp27, $2  }
0x289: {  	_ =	sdelay $0x2  }
0x28a: {  	s9 =	sadd.s32 $0x190, s9;
	s5 =	sadd.s32 $0x190, s5  }
.LBB2_29:
0x28b: {  	s4 =	smul.u32 $0x190, s10;
	_ =	sdelay $0x1  }
0x28c: {  	v10 =	vld [tilespmem:s4+$0x0]  }
0x28d: {  	v11 =	vld [tilespmem:s4+$0x10]  }
0x28e: {  	v12 =	vld [tilespmem:s4+$0x20]  }
0x28f: {  	v13 =	vld [tilespmem:s4+$0x30]  }
0x290: {  	v14 =	vld [tilespmem:s4+$0x40]  }
0x291: {  	v15 =	vld [tilespmem:s4+$0x50]  }
0x292: {  	v10 =	vmax.f32 v10, v11;
	v11 =	vld [tilespmem:s4+$0x60]  }
0x293: {  	v49 =	vld [tilespmem:s4+$0x70];
	v10 =	vmax.f32 v10, v12  }
0x294: {  	v50 =	vld [tilespmem:s4+$0x80];
	v10 =	vmax.f32 v10, v13  }
0x295: {  	v51 =	vld [tilespmem:s4+$0x90];
	v10 =	vmax.f32 v10, v14  }
0x296: {  	v52 =	vld [tilespmem:s4+$0xA0];
	v10 =	vmax.f32 v10, v15  }
0x297: {  	v10 =	vmax.f32 v10, v11;
	v11 =	vld [tilespmem:s4+$0xB0]  }
0x298: {  	v53 =	vld [tilespmem:s4+$0xC0];
	v10 =	vmax.f32 v10, v49  }
0x299: {  	v54 =	vld [tilespmem:s4+$0xD0];
	v10 =	vmax.f32 v10, v50  }
0x29a: {  	v55 =	vld [tilespmem:s4+$0xE0];
	v10 =	vmax.f32 v10, v51  }
0x29b: {  	v56 =	vld [tilespmem:s4+$0xF0];
	v10 =	vmax.f32 v10, v52  }
0x29c: {  	v10 =	vmax.f32 v10, v11;
	v11 =	vld [tilespmem:s4+$0x100]  }
0x29d: {  	v57 =	vld [tilespmem:s4+$0x110];
	v10 =	vmax.f32 v10, v53  }
0x29e: {  	v58 =	vld [tilespmem:s4+$0x120];
	v10 =	vmax.f32 v10, v54  }
0x29f: {  	v59 =	vld [tilespmem:s4+$0x130];
	v10 =	vmax.f32 v10, v55  }
0x2a0: {  	v60 =	vld [tilespmem:s4+$0x140];
	v10 =	vmax.f32 v10, v56  }
0x2a1: {  	v10 =	vmax.f32 v10, v11;
	v11 =	vld [tilespmem:s4+$0x150]  }
0x2a2: {  	v61 =	vld [tilespmem:s4+$0x160];
	v10 =	vmax.f32 v10, v57  }
0x2a3: {  	v62 =	vld [tilespmem:s4+$0x170];
	v10 =	vmax.f32 v10, v58  }
0x2a4: {  	v63 =	vld [tilespmem:s4+$0x180];
	v10 =	vmax.f32 v10, v59  }
0x2a5: {  	v10 =	vmax.f32 v10, v60  }
0x2a6: {  	v10 =	vmax.f32 v10, v11  }
0x2a7: {  	v10 =	vmax.f32 v10, v61  }
0x2a8: {  	v10 =	vmax.f32 v10, v62  }
0x2a9: {  	v10 =	vmax.f32 v10, v63  }
0x2aa: {  	vm8 =	vgt.f32 v10, v9  }
0x2ab: {  	v10 =	vsel vm8, $0x3F800000, v0  }
0x2ac: {  	(xrf0) =	vmax.scan.msk.f32 $0xffff, v10;
	_ =	sdelay $0x5  }
0x2ad: {  	v10, _, _ =	vpop (xrf0)  }
0x2ae: {  	(v2sf) =	vpush v10, $0xF;
	_ =	sdelay $0xe  }
0x2af: {  	s30 =	spop (v2sf)  }
0x2b0: {  	p0 =	sgt.f32 s30, $0.0e+00  }
.Ltmp28:
0x2b1: {  	_ = 	snop;
	(pc) =	sbr.rel @!p0 .LBB2_33-.Ltmp28, $2  }
0x2b2: {  	_ =	sdelay $0x2  }
0x2b3: {  	s11 =	simm.s32 $0x0  }
0x2b4: {  	s4 =	sshra.s32 s11, $0x2  }
0x2b5: {  	s4 =	sadd.s32 s4, s9  }
0x2b6: {  	v10 =	vld [tilespmem:s4+$0x0];
	_ =	sdelay $0x4  }
0x2b7: {  	vm8 =	vgt.f32 v10, v9  }
0x2b8: {  	v11 =	vsel vm8, $0x3F800000, v0  }
0x2b9: {  	(xrf0) =	vmax.scan.msk.f32 $0xffff, v11;
	_ =	sdelay $0x5  }
0x2ba: {  	v11, _, _ =	vpop (xrf0)  }
0x2bb: {  	(v2sf) =	vpush v11, $0xF;
	_ =	sdelay $0xe  }
0x2bc: {  	s30 =	spop (v2sf)  }
0x2bd: {  	p1 =	sgt.f32 s30, $0.0e+00;
	_ =	sdelay $0x1  }
0x2be: {  	v10 =	vadd.f32 @p1 v10, v8;
	v11 =	vlaneseq.u32 @p1  }
0x2bf: {  	v11 =	vor.u32 @p1 s5, v11  }
0x2c0: {  	(xrf1) =	vsort.dscd.msk.f32 @p1 $0xffff, v10, v11;
	_ =	sdelay $0xd  }
0x2c1: {  	v10, v11, _ =	vpop @p1 (xrf1)  }
0x2c2: {  	vm8 =	veq.f32 @p1 v6, v10;
	vm9 =	vlt.s32 @p1 v7, v11  }
0x2c3: {  	vm10 =	vgt.f32 @p1 v6, v10;
	vm8 =	vmand @p1 vm8, vm9  }
0x2c4: {  	vm8 =	vmor @p1 vm10, vm8  }
0x2c5: {  	v10 =	vmax.f32 @p1 v6, v10;
	v11 =	vsel @p1 vm8, v7, v11  }
0x2c6: {  	(xrf1) =	vsort.ascd.msk.f32 @p1 $0xffff, v10, v11;
	_ =	sdelay $0x4  }
0x2c7: {  	s11 =	sadd.s32 $0x40, s11;
	s26 =	smov.u32 s5  }
.LBB2_31:
0x2c8: {  	_ =	sdelay $0x6  }
0x2c9: {  	s4 =	sshra.s32 s11, $0x2;
	s11 =	sadd.s32 $0x40, s11  }
0x2ca: {  	s4 =	sadd.s32 s4, s9;
	p0 =	sne.s32 s11, $0x640;
	v10, v11, _ =	vpop @p1 (xrf1)  }
0x2cb: {  	v12 =	vld [tilespmem:s4+$0x0];
	v13 =	vbroadcast @p1 v10, $0x0;
	v6 =	vpsel p1, v10, v6;
	v7 =	vpsel p1, v11, v7;
	_ =	sdelay $0x1  }
0x2cc: {  	v10 =	vsub.f32 @p1 v13, v8;
	_ =	sdelay $0x1  }
0x2cd: {  	v9 =	vpsel p1, v10, v9  }
0x2ce: {  	vm8 =	vgt.f32 v12, v9  }
0x2cf: {  	v10 =	vsel vm8, $0x3F800000, v0  }
0x2d0: {  	(xrf0) =	vmax.scan.msk.f32 $0xffff, v10;
	_ =	sdelay $0x5  }
0x2d1: {  	v10, _, _ =	vpop (xrf0)  }
0x2d2: {  	(v2sf) =	vpush v10, $0xF;
	_ =	sdelay $0xe  }
0x2d3: {  	s4 =	spop (v2sf)  }
0x2d4: {  	p1 =	sgt.f32 s4, $0.0e+00;
	_ =	sdelay $0x1  }
0x2d5: {  	s26 =	sadd.s32 $0x10, s26;
	v10 =	vadd.f32 @p1 v12, v8;
	v11 =	vlaneseq.u32 @p1  }
0x2d6: {  	v11 =	vor.u32 @p1 s26, v11  }
0x2d7: {  	(xrf1) =	vsort.dscd.msk.f32 @p1 $0xffff, v10, v11;
	_ =	sdelay $0xd  }
0x2d8: {  	v10, v11, _ =	vpop @p1 (xrf1)  }
.Ltmp29:
0x2d9: {  	vm8 =	veq.f32 @p1 v6, v10;
	vm9 =	vlt.s32 @p1 v7, v11;
	(pc) =	sbr.rel @p0 .LBB2_31-.Ltmp29, $4  }
0x2da: {  	vm10 =	vgt.f32 @p1 v6, v10;
	vm8 =	vmand @p1 vm8, vm9  }
0x2db: {  	vm8 =	vmor @p1 vm10, vm8  }
0x2dc: {  	v10 =	vmax.f32 @p1 v6, v10;
	v11 =	vsel @p1 vm8, v7, v11  }
0x2dd: {  	(xrf1) =	vsort.ascd.msk.f32 @p1 $0xffff, v10, v11  }
.Ltmp30:
0x2de: {  	_ = 	snop;
	(pc) =	sbr.rel .LBB2_32-.Ltmp30, $1  }
0x2df: {  	_ =	sdelay $0x3  }
.LBB2_34:
0x2e0: {  	s4 =	sadd.s32 s21, s7  }
0x2e1: {  	s4 =	sshrl.u32 s4, $0x3  }
0x2e2: {  	s5 =	simm.s32 $0x0;
	s30 =	sor.u32 $0x1, s6;
	s4 =	sadd.s32 s3, s4  }
0x2e3: {  	[tilespmem:s5], [sflag:$0x1] =	stream.linear.gather [hbm4b:s4+s5], $0x4E20, $0x38;
	[tilespmem:$0x9CB0] =	vst v63  }
0x2e4: {  	s4 =	smulhi.u32 $0x66666667, s30  }
0x2e5: {  	_ =	swait.ge [sflag:s24], $0x4E20  }
0x2e6: {  	[sflag:s24] =	ssyncset.done $0x0;
	s4 =	sshll.u32 s4, $0x3  }
0x2e7: {  	[sflag:s24] =	ssyncadd.s32 $0xFFFFB1E0;
	s4 =	sand.u32 $0x3FFFFFF0, s4  }
0x2e8: {  	v8 =	vld [tilespmem:s4+$0x9C40]  }
.Ltmp31:
0x2e9: {  	_ = 	snop;
	(pc) =	sbr.rel .LBB2_35-.Ltmp31, $3  }
0x2ea: {  	_ = 	snop  }
0x2eb: {  	v9 =	vbroadcast v6, $0x0;
	_ =	sdelay $0x1  }
0x2ec: {  	s6 =	simm.s32 $0x4E20;
	s9 =	smov.u32 s0;
	s10 =	simm.s32 $0x0;
	v9 =	vsub.f32 v9, v8  }
.LBB2_38:
0x2ed: {  	_ =	sdelay $0x7  }
0x2ee: {  	v10, v11, _ =	vpop @p1 (xrf1)  }
0x2ef: {  	v12 =	vbroadcast @p1 v10, $0x0;
	_ =	sdelay $0x1  }
0x2f0: {  	v12 =	vsub.f32 @p1 v12, v8;
	_ =	sdelay $0x1  }
0x2f1: {  	v6 =	vpsel p1, v10, v6;
	v7 =	vpsel p1, v11, v7;
	v9 =	vpsel p1, v12, v9  }
.LBB2_39:
0x2f2: {  	s10 =	sadd.s32 $0x1, s10  }
0x2f3: {  	p0 =	sne.s32 s10, $0x32  }
.Ltmp32:
0x2f4: {  	_ = 	snop;
	(pc) =	sbr.rel @!p0 .LBB2_40-.Ltmp32, $2  }
0x2f5: {  	_ =	sdelay $0x2  }
0x2f6: {  	s6 =	sadd.s32 $0x190, s6;
	s9 =	sadd.s32 $0x190, s9  }
.LBB2_35:
0x2f7: {  	s4 =	smul.u32 $0x190, s10;
	_ =	sdelay $0x1  }
0x2f8: {  	v10 =	vld [tilespmem:s4+$0x4E20]  }
0x2f9: {  	v11 =	vld [tilespmem:s4+$0x4E30]  }
0x2fa: {  	v12 =	vld [tilespmem:s4+$0x4E40]  }
0x2fb: {  	v13 =	vld [tilespmem:s4+$0x4E50]  }
0x2fc: {  	v14 =	vld [tilespmem:s4+$0x4E60]  }
0x2fd: {  	v15 =	vld [tilespmem:s4+$0x4E70]  }
0x2fe: {  	v10 =	vmax.f32 v10, v11;
	v11 =	vld [tilespmem:s4+$0x4E80]  }
0x2ff: {  	v49 =	vld [tilespmem:s4+$0x4E90];
	v10 =	vmax.f32 v10, v12  }
0x300: {  	v50 =	vld [tilespmem:s4+$0x4EA0];
	v10 =	vmax.f32 v10, v13  }
0x301: {  	v51 =	vld [tilespmem:s4+$0x4EB0];
	v10 =	vmax.f32 v10, v14  }
0x302: {  	v52 =	vld [tilespmem:s4+$0x4EC0];
	v10 =	vmax.f32 v10, v15  }
0x303: {  	v10 =	vmax.f32 v10, v11;
	v11 =	vld [tilespmem:s4+$0x4ED0]  }
0x304: {  	v53 =	vld [tilespmem:s4+$0x4EE0];
	v10 =	vmax.f32 v10, v49  }
0x305: {  	v54 =	vld [tilespmem:s4+$0x4EF0];
	v10 =	vmax.f32 v10, v50  }
0x306: {  	v55 =	vld [tilespmem:s4+$0x4F00];
	v10 =	vmax.f32 v10, v51  }
0x307: {  	v56 =	vld [tilespmem:s4+$0x4F10];
	v10 =	vmax.f32 v10, v52  }
0x308: {  	v10 =	vmax.f32 v10, v11;
	v11 =	vld [tilespmem:s4+$0x4F20]  }
0x309: {  	v57 =	vld [tilespmem:s4+$0x4F30];
	v10 =	vmax.f32 v10, v53  }
0x30a: {  	v58 =	vld [tilespmem:s4+$0x4F40];
	v10 =	vmax.f32 v10, v54  }
0x30b: {  	v59 =	vld [tilespmem:s4+$0x4F50];
	v10 =	vmax.f32 v10, v55  }
0x30c: {  	v60 =	vld [tilespmem:s4+$0x4F60];
	v10 =	vmax.f32 v10, v56  }
0x30d: {  	v10 =	vmax.f32 v10, v11;
	v11 =	vld [tilespmem:s4+$0x4F70]  }
0x30e: {  	v61 =	vld [tilespmem:s4+$0x4F80];
	v10 =	vmax.f32 v10, v57  }
0x30f: {  	v62 =	vld [tilespmem:s4+$0x4F90];
	v10 =	vmax.f32 v10, v58  }
0x310: {  	v63 =	vld [tilespmem:s4+$0x4FA0];
	v10 =	vmax.f32 v10, v59  }
0x311: {  	v10 =	vmax.f32 v10, v60  }
0x312: {  	v10 =	vmax.f32 v10, v11  }
0x313: {  	v10 =	vmax.f32 v10, v61  }
0x314: {  	v10 =	vmax.f32 v10, v62  }
0x315: {  	v10 =	vmax.f32 v10, v63  }
0x316: {  	vm8 =	vgt.f32 v10, v9  }
0x317: {  	v10 =	vsel vm8, $0x3F800000, v0  }
0x318: {  	(xrf0) =	vmax.scan.msk.f32 $0xffff, v10;
	_ =	sdelay $0x5  }
0x319: {  	v10, _, _ =	vpop (xrf0)  }
0x31a: {  	(v2sf) =	vpush v10, $0xF;
	_ =	sdelay $0xe  }
0x31b: {  	s30 =	spop (v2sf)  }
0x31c: {  	p0 =	sgt.f32 s30, $0.0e+00  }
.Ltmp33:
0x31d: {  	_ = 	snop;
	(pc) =	sbr.rel @!p0 .LBB2_39-.Ltmp33, $1  }
0x31e: {  	_ =	sdelay $0x3  }
0x31f: {  	s4 =	sshra.s32 s5, $0x2  }
0x320: {  	s4 =	sadd.s32 s4, s6  }
0x321: {  	v10 =	vld [tilespmem:s4+$0x0];
	_ =	sdelay $0x4  }
0x322: {  	vm8 =	vgt.f32 v10, v9  }
0x323: {  	v11 =	vsel vm8, $0x3F800000, v0  }
0x324: {  	(xrf0) =	vmax.scan.msk.f32 $0xffff, v11;
	_ =	sdelay $0x5  }
0x325: {  	v11, _, _ =	vpop (xrf0)  }
0x326: {  	(v2sf) =	vpush v11, $0xF;
	_ =	sdelay $0xe  }
0x327: {  	s30 =	spop (v2sf)  }
0x328: {  	p1 =	sgt.f32 s30, $0.0e+00;
	_ =	sdelay $0x1  }
0x329: {  	v10 =	vadd.f32 @p1 v10, v8;
	v11 =	vlaneseq.u32 @p1  }
0x32a: {  	v11 =	vor.u32 @p1 s9, v11  }
0x32b: {  	(xrf1) =	vsort.dscd.msk.f32 @p1 $0xffff, v10, v11;
	_ =	sdelay $0xd  }
0x32c: {  	v10, v11, _ =	vpop @p1 (xrf1)  }
0x32d: {  	vm8 =	veq.f32 @p1 v6, v10;
	vm9 =	vlt.s32 @p1 v7, v11  }
0x32e: {  	vm10 =	vgt.f32 @p1 v6, v10;
	vm8 =	vmand @p1 vm8, vm9  }
0x32f: {  	vm8 =	vmor @p1 vm10, vm8  }
0x330: {  	v10 =	vmax.f32 @p1 v6, v10;
	v11 =	vsel @p1 vm8, v7, v11  }
0x331: {  	(xrf1) =	vsort.ascd.msk.f32 @p1 $0xffff, v10, v11;
	_ =	sdelay $0x4  }
0x332: {  	s11 =	sadd.s32 $0x40, s5;
	s26 =	smov.u32 s9  }
.LBB2_37:
0x333: {  	_ =	sdelay $0x6  }
0x334: {  	s4 =	sshra.s32 s11, $0x2;
	s11 =	sadd.s32 $0x40, s11  }
0x335: {  	s4 =	sadd.s32 s4, s6;
	p0 =	sne.s32 s11, $0x640;
	v10, v11, _ =	vpop @p1 (xrf1)  }
0x336: {  	v12 =	vld [tilespmem:s4+$0x0];
	v13 =	vbroadcast @p1 v10, $0x0;
	v6 =	vpsel p1, v10, v6;
	v7 =	vpsel p1, v11, v7;
	_ =	sdelay $0x1  }
0x337: {  	v10 =	vsub.f32 @p1 v13, v8;
	_ =	sdelay $0x1  }
0x338: {  	v9 =	vpsel p1, v10, v9  }
0x339: {  	vm8 =	vgt.f32 v12, v9  }
0x33a: {  	v10 =	vsel vm8, $0x3F800000, v0  }
0x33b: {  	(xrf0) =	vmax.scan.msk.f32 $0xffff, v10;
	_ =	sdelay $0x5  }
0x33c: {  	v10, _, _ =	vpop (xrf0)  }
0x33d: {  	(v2sf) =	vpush v10, $0xF;
	_ =	sdelay $0xe  }
0x33e: {  	s4 =	spop (v2sf)  }
0x33f: {  	p1 =	sgt.f32 s4, $0.0e+00;
	_ =	sdelay $0x1  }
0x340: {  	s26 =	sadd.s32 $0x10, s26;
	v10 =	vadd.f32 @p1 v12, v8;
	v11 =	vlaneseq.u32 @p1  }
0x341: {  	v11 =	vor.u32 @p1 s26, v11  }
0x342: {  	(xrf1) =	vsort.dscd.msk.f32 @p1 $0xffff, v10, v11;
	_ =	sdelay $0xd  }
0x343: {  	v10, v11, _ =	vpop @p1 (xrf1)  }
.Ltmp34:
0x344: {  	vm8 =	veq.f32 @p1 v6, v10;
	vm9 =	vlt.s32 @p1 v7, v11;
	(pc) =	sbr.rel @p0 .LBB2_37-.Ltmp34, $4  }
0x345: {  	vm10 =	vgt.f32 @p1 v6, v10;
	vm8 =	vmand @p1 vm8, vm9  }
0x346: {  	vm8 =	vmor @p1 vm10, vm8  }
0x347: {  	v10 =	vmax.f32 @p1 v6, v10;
	v11 =	vsel @p1 vm8, v7, v11  }
0x348: {  	(xrf1) =	vsort.ascd.msk.f32 @p1 $0xffff, v10, v11  }
.Ltmp35:
0x349: {  	_ = 	snop;
	(pc) =	sbr.rel .LBB2_38-.Ltmp35, $1  }
0x34a: {  	_ =	sdelay $0x3  }
.LBB2_41:
0x34b: {  	_ =	swait.ge [sflag:s23], $0x4E20  }
0x34c: {  	[sflag:s23] =	ssyncset.done $0x0  }
0x34d: {  	[sflag:s23] =	ssyncadd.s32 $0xFFFFB1E0  }
0x34e: {  	v8 =	vld [tilespmem:$0x9C70]  }
.Ltmp36:
0x34f: {  	_ = 	snop;
	(pc) =	sbr.rel .LBB2_42-.Ltmp36, $4  }
0x350: {  	_ = 	snop  }
0x351: {  	v9 =	vbroadcast v6, $0x0  }
0x352: {  	s0 =	simm.s32 $0x0  }
0x353: {  	s1 =	simm.s32 $0x57E40;
	s5 =	simm.s32 $0x0;
	s6 =	simm.s32 $0x0;
	v9 =	vsub.f32 v9, v8  }
.LBB2_46:
0x354: {  	s6 =	sadd.s32 $0x1, s6  }
0x355: {  	p0 =	sne.s32 s6, $0x32  }
.Ltmp37:
0x356: {  	_ = 	snop;
	(pc) =	sbr.rel @!p0 .LBB2_47-.Ltmp37, $2  }
0x357: {  	_ =	sdelay $0x2  }
0x358: {  	s5 =	sadd.s32 $0x190, s5;
	s1 =	sadd.s32 $0x190, s1  }
.LBB2_42:
0x359: {  	s4 =	smul.u32 $0x190, s6;
	_ =	sdelay $0x1  }
0x35a: {  	v10 =	vld [tilespmem:s4+$0x0]  }
0x35b: {  	v11 =	vld [tilespmem:s4+$0x10]  }
0x35c: {  	v12 =	vld [tilespmem:s4+$0x20]  }
0x35d: {  	v13 =	vld [tilespmem:s4+$0x30]  }
0x35e: {  	v14 =	vld [tilespmem:s4+$0x40]  }
0x35f: {  	v15 =	vld [tilespmem:s4+$0x50]  }
0x360: {  	v10 =	vmax.f32 v10, v11;
	v11 =	vld [tilespmem:s4+$0x60]  }
0x361: {  	v49 =	vld [tilespmem:s4+$0x70];
	v10 =	vmax.f32 v10, v12  }
0x362: {  	v50 =	vld [tilespmem:s4+$0x80];
	v10 =	vmax.f32 v10, v13  }
0x363: {  	v51 =	vld [tilespmem:s4+$0x90];
	v10 =	vmax.f32 v10, v14  }
0x364: {  	v52 =	vld [tilespmem:s4+$0xA0];
	v10 =	vmax.f32 v10, v15  }
0x365: {  	v10 =	vmax.f32 v10, v11;
	v11 =	vld [tilespmem:s4+$0xB0]  }
0x366: {  	v53 =	vld [tilespmem:s4+$0xC0];
	v10 =	vmax.f32 v10, v49  }
0x367: {  	v54 =	vld [tilespmem:s4+$0xD0];
	v10 =	vmax.f32 v10, v50  }
0x368: {  	v55 =	vld [tilespmem:s4+$0xE0];
	v10 =	vmax.f32 v10, v51  }
0x369: {  	v56 =	vld [tilespmem:s4+$0xF0];
	v10 =	vmax.f32 v10, v52  }
0x36a: {  	v10 =	vmax.f32 v10, v11;
	v11 =	vld [tilespmem:s4+$0x100]  }
0x36b: {  	v57 =	vld [tilespmem:s4+$0x110];
	v10 =	vmax.f32 v10, v53  }
0x36c: {  	v58 =	vld [tilespmem:s4+$0x120];
	v10 =	vmax.f32 v10, v54  }
0x36d: {  	v59 =	vld [tilespmem:s4+$0x130];
	v10 =	vmax.f32 v10, v55  }
0x36e: {  	v60 =	vld [tilespmem:s4+$0x140];
	v10 =	vmax.f32 v10, v56  }
0x36f: {  	v10 =	vmax.f32 v10, v11;
	v11 =	vld [tilespmem:s4+$0x150]  }
0x370: {  	v61 =	vld [tilespmem:s4+$0x160];
	v10 =	vmax.f32 v10, v57  }
0x371: {  	v62 =	vld [tilespmem:s4+$0x170];
	v10 =	vmax.f32 v10, v58  }
0x372: {  	v63 =	vld [tilespmem:s4+$0x180];
	v10 =	vmax.f32 v10, v59  }
0x373: {  	v10 =	vmax.f32 v10, v60  }
0x374: {  	v10 =	vmax.f32 v10, v11  }
0x375: {  	v10 =	vmax.f32 v10, v61  }
0x376: {  	v10 =	vmax.f32 v10, v62  }
0x377: {  	v10 =	vmax.f32 v10, v63  }
0x378: {  	vm8 =	vgt.f32 v10, v9  }
0x379: {  	v10 =	vsel vm8, $0x3F800000, v0  }
0x37a: {  	(xrf0) =	vmax.scan.msk.f32 $0xffff, v10;
	_ =	sdelay $0x5  }
0x37b: {  	v10, _, _ =	vpop (xrf0)  }
0x37c: {  	(v2sf) =	vpush v10, $0xF;
	_ =	sdelay $0xe  }
0x37d: {  	s31 =	spop (v2sf)  }
0x37e: {  	p0 =	sgt.f32 s31, $0.0e+00  }
.Ltmp38:
0x37f: {  	_ = 	snop;
	(pc) =	sbr.rel @!p0 .LBB2_46-.Ltmp38, $1  }
0x380: {  	_ =	sdelay $0x3  }
0x381: {  	s4 =	sshra.s32 s0, $0x2  }
0x382: {  	s4 =	sadd.s32 s4, s5  }
0x383: {  	v10 =	vld [tilespmem:s4+$0x0];
	_ =	sdelay $0x4  }
0x384: {  	vm8 =	vgt.f32 v10, v9  }
0x385: {  	v11 =	vsel vm8, $0x3F800000, v0  }
0x386: {  	(xrf0) =	vmax.scan.msk.f32 $0xffff, v11;
	_ =	sdelay $0x5  }
0x387: {  	v11, _, _ =	vpop (xrf0)  }
0x388: {  	(v2sf) =	vpush v11, $0xF;
	_ =	sdelay $0xe  }
0x389: {  	s31 =	spop (v2sf)  }
0x38a: {  	p1 =	sgt.f32 s31, $0.0e+00;
	_ =	sdelay $0x1  }
0x38b: {  	v10 =	vadd.f32 @p1 v10, v8;
	v11 =	vlaneseq.u32 @p1  }
0x38c: {  	v11 =	vor.u32 @p1 s1, v11  }
0x38d: {  	(xrf1) =	vsort.dscd.msk.f32 @p1 $0xffff, v10, v11;
	_ =	sdelay $0xd  }
0x38e: {  	v10, v11, _ =	vpop @p1 (xrf1)  }
0x38f: {  	vm8 =	veq.f32 @p1 v6, v10;
	vm9 =	vlt.s32 @p1 v7, v11  }
0x390: {  	vm10 =	vgt.f32 @p1 v6, v10;
	vm8 =	vmand @p1 vm8, vm9  }
0x391: {  	vm8 =	vmor @p1 vm10, vm8  }
0x392: {  	v10 =	vmax.f32 @p1 v6, v10;
	v11 =	vsel @p1 vm8, v7, v11  }
0x393: {  	s9 =	sadd.s32 $0x40, s0;
	s10 =	smov.u32 s1;
	(xrf1) =	vsort.ascd.msk.f32 @p1 $0xffff, v10, v11  }
.LBB2_44:
0x394: {  	_ =	sdelay $0xb  }
0x395: {  	s4 =	sshra.s32 s9, $0x2;
	s9 =	sadd.s32 $0x40, s9  }
0x396: {  	s4 =	sadd.s32 s4, s5;
	p0 =	sne.s32 s9, $0x640;
	v10, v11, _ =	vpop @p1 (xrf1)  }
0x397: {  	v12 =	vld [tilespmem:s4+$0x0];
	v13 =	vbroadcast @p1 v10, $0x0;
	v6 =	vpsel p1, v10, v6;
	v7 =	vpsel p1, v11, v7;
	_ =	sdelay $0x1  }
0x398: {  	v10 =	vsub.f32 @p1 v13, v8;
	_ =	sdelay $0x1  }
0x399: {  	v9 =	vpsel p1, v10, v9  }
0x39a: {  	vm8 =	vgt.f32 v12, v9  }
0x39b: {  	v10 =	vsel vm8, $0x3F800000, v0  }
0x39c: {  	(xrf0) =	vmax.scan.msk.f32 $0xffff, v10;
	_ =	sdelay $0x5  }
0x39d: {  	v10, _, _ =	vpop (xrf0)  }
0x39e: {  	(v2sf) =	vpush v10, $0xF;
	_ =	sdelay $0xe  }
0x39f: {  	s4 =	spop (v2sf)  }
0x3a0: {  	p1 =	sgt.f32 s4, $0.0e+00;
	_ =	sdelay $0x1  }
0x3a1: {  	s10 =	sadd.s32 $0x10, s10;
	v10 =	vadd.f32 @p1 v12, v8;
	v11 =	vlaneseq.u32 @p1  }
0x3a2: {  	v11 =	vor.u32 @p1 s10, v11  }
0x3a3: {  	(xrf1) =	vsort.dscd.msk.f32 @p1 $0xffff, v10, v11;
	_ =	sdelay $0xd  }
0x3a4: {  	v10, v11, _ =	vpop @p1 (xrf1)  }
.Ltmp39:
0x3a5: {  	vm8 =	veq.f32 @p1 v6, v10;
	vm9 =	vlt.s32 @p1 v7, v11;
	(pc) =	sbr.rel @p0 .LBB2_44-.Ltmp39, $4  }
0x3a6: {  	vm10 =	vgt.f32 @p1 v6, v10;
	vm8 =	vmand @p1 vm8, vm9  }
0x3a7: {  	vm8 =	vmor @p1 vm10, vm8  }
0x3a8: {  	v10 =	vmax.f32 @p1 v6, v10;
	v11 =	vsel @p1 vm8, v7, v11  }
0x3a9: {  	(xrf1) =	vsort.ascd.msk.f32 @p1 $0xffff, v10, v11  }
0x3aa: {  	_ =	sdelay $0xc  }
0x3ab: {  	v10, v11, _ =	vpop @p1 (xrf1)  }
.Ltmp40:
0x3ac: {  	v12 =	vbroadcast @p1 v10, $0x0;
	(pc) =	sbr.rel .LBB2_46-.Ltmp40, $3  }
0x3ad: {  	_ = 	snop  }
0x3ae: {  	v12 =	vsub.f32 @p1 v12, v8;
	_ =	sdelay $0x1  }
0x3af: {  	v6 =	vpsel p1, v10, v6;
	v7 =	vpsel p1, v11, v7;
	v9 =	vpsel p1, v12, v9  }
.LBB2_47:
.Ltmp41:
0x3b0: {  	(pc) =	sbr.rel .LBB2_48-.Ltmp41, $4  }
0x3b1: {  	_ = 	snop  }
0x3b2: {  	_ =	swait.ge [sflag:s24], $0x4E20;
	v9 =	vbroadcast v6, $0x0  }
0x3b3: {  	s0 =	simm.s32 $0x0;
	s1 =	simm.s32 $0x4E20;
	[sflag:s24] =	ssyncset.done $0x0  }
0x3b4: {  	s5 =	simm.s32 $0x5CC60;
	s6 =	simm.s32 $0x0;
	[sflag:s24] =	ssyncadd.s32 $0xFFFFB1E0;
	v9 =	vsub.f32 v9, v8  }
.LBB2_52:
0x3b5: {  	s6 =	sadd.s32 $0x1, s6  }
0x3b6: {  	p0 =	sne.s32 s6, $0x32  }
.Ltmp42:
0x3b7: {  	_ = 	snop;
	(pc) =	sbr.rel @!p0 .LBB2_53-.Ltmp42, $2  }
0x3b8: {  	_ =	sdelay $0x2  }
0x3b9: {  	s1 =	sadd.s32 $0x190, s1;
	s5 =	sadd.s32 $0x190, s5  }
.LBB2_48:
0x3ba: {  	s4 =	smul.u32 $0x190, s6;
	_ =	sdelay $0x1  }
0x3bb: {  	v10 =	vld [tilespmem:s4+$0x4E20]  }
0x3bc: {  	v11 =	vld [tilespmem:s4+$0x4E30]  }
0x3bd: {  	v12 =	vld [tilespmem:s4+$0x4E40]  }
0x3be: {  	v13 =	vld [tilespmem:s4+$0x4E50]  }
0x3bf: {  	v14 =	vld [tilespmem:s4+$0x4E60]  }
0x3c0: {  	v15 =	vld [tilespmem:s4+$0x4E70]  }
0x3c1: {  	v10 =	vmax.f32 v10, v11;
	v11 =	vld [tilespmem:s4+$0x4E80]  }
0x3c2: {  	v49 =	vld [tilespmem:s4+$0x4E90];
	v10 =	vmax.f32 v10, v12  }
0x3c3: {  	v50 =	vld [tilespmem:s4+$0x4EA0];
	v10 =	vmax.f32 v10, v13  }
0x3c4: {  	v51 =	vld [tilespmem:s4+$0x4EB0];
	v10 =	vmax.f32 v10, v14  }
0x3c5: {  	v52 =	vld [tilespmem:s4+$0x4EC0];
	v10 =	vmax.f32 v10, v15  }
0x3c6: {  	v10 =	vmax.f32 v10, v11;
	v11 =	vld [tilespmem:s4+$0x4ED0]  }
0x3c7: {  	v53 =	vld [tilespmem:s4+$0x4EE0];
	v10 =	vmax.f32 v10, v49  }
0x3c8: {  	v54 =	vld [tilespmem:s4+$0x4EF0];
	v10 =	vmax.f32 v10, v50  }
0x3c9: {  	v55 =	vld [tilespmem:s4+$0x4F00];
	v10 =	vmax.f32 v10, v51  }
0x3ca: {  	v56 =	vld [tilespmem:s4+$0x4F10];
	v10 =	vmax.f32 v10, v52  }
0x3cb: {  	v10 =	vmax.f32 v10, v11;
	v11 =	vld [tilespmem:s4+$0x4F20]  }
0x3cc: {  	v57 =	vld [tilespmem:s4+$0x4F30];
	v10 =	vmax.f32 v10, v53  }
0x3cd: {  	v58 =	vld [tilespmem:s4+$0x4F40];
	v10 =	vmax.f32 v10, v54  }
0x3ce: {  	v59 =	vld [tilespmem:s4+$0x4F50];
	v10 =	vmax.f32 v10, v55  }
0x3cf: {  	v60 =	vld [tilespmem:s4+$0x4F60];
	v10 =	vmax.f32 v10, v56  }
0x3d0: {  	v10 =	vmax.f32 v10, v11;
	v11 =	vld [tilespmem:s4+$0x4F70]  }
0x3d1: {  	v61 =	vld [tilespmem:s4+$0x4F80];
	v10 =	vmax.f32 v10, v57  }
0x3d2: {  	v62 =	vld [tilespmem:s4+$0x4F90];
	v10 =	vmax.f32 v10, v58  }
0x3d3: {  	v63 =	vld [tilespmem:s4+$0x4FA0];
	v10 =	vmax.f32 v10, v59  }
0x3d4: {  	v10 =	vmax.f32 v10, v60  }
0x3d5: {  	v10 =	vmax.f32 v10, v11  }
0x3d6: {  	v10 =	vmax.f32 v10, v61  }
0x3d7: {  	v10 =	vmax.f32 v10, v62  }
0x3d8: {  	v10 =	vmax.f32 v10, v63  }
0x3d9: {  	vm8 =	vgt.f32 v10, v9  }
0x3da: {  	v10 =	vsel vm8, $0x3F800000, v0  }
0x3db: {  	(xrf0) =	vmax.scan.msk.f32 $0xffff, v10;
	_ =	sdelay $0x5  }
0x3dc: {  	v10, _, _ =	vpop (xrf0)  }
0x3dd: {  	(v2sf) =	vpush v10, $0xF;
	_ =	sdelay $0xe  }
0x3de: {  	s31 =	spop (v2sf)  }
0x3df: {  	p0 =	sgt.f32 s31, $0.0e+00  }
.Ltmp43:
0x3e0: {  	_ = 	snop;
	(pc) =	sbr.rel @!p0 .LBB2_52-.Ltmp43, $1  }
0x3e1: {  	_ =	sdelay $0x3  }
0x3e2: {  	s4 =	sshra.s32 s0, $0x2  }
0x3e3: {  	s4 =	sadd.s32 s4, s1  }
0x3e4: {  	v10 =	vld [tilespmem:s4+$0x0];
	_ =	sdelay $0x4  }
0x3e5: {  	vm8 =	vgt.f32 v10, v9  }
0x3e6: {  	v11 =	vsel vm8, $0x3F800000, v0  }
0x3e7: {  	(xrf0) =	vmax.scan.msk.f32 $0xffff, v11;
	_ =	sdelay $0x5  }
0x3e8: {  	v11, _, _ =	vpop (xrf0)  }
0x3e9: {  	(v2sf) =	vpush v11, $0xF;
	_ =	sdelay $0xe  }
0x3ea: {  	s31 =	spop (v2sf)  }
0x3eb: {  	p1 =	sgt.f32 s31, $0.0e+00;
	_ =	sdelay $0x1  }
0x3ec: {  	v10 =	vadd.f32 @p1 v10, v8;
	v11 =	vlaneseq.u32 @p1  }
0x3ed: {  	v11 =	vor.u32 @p1 s5, v11  }
0x3ee: {  	(xrf1) =	vsort.dscd.msk.f32 @p1 $0xffff, v10, v11;
	_ =	sdelay $0xd  }
0x3ef: {  	v10, v11, _ =	vpop @p1 (xrf1)  }
0x3f0: {  	vm8 =	veq.f32 @p1 v6, v10;
	vm9 =	vlt.s32 @p1 v7, v11  }
0x3f1: {  	vm10 =	vgt.f32 @p1 v6, v10;
	vm8 =	vmand @p1 vm8, vm9  }
0x3f2: {  	vm8 =	vmor @p1 vm10, vm8  }
0x3f3: {  	v10 =	vmax.f32 @p1 v6, v10;
	v11 =	vsel @p1 vm8, v7, v11  }
0x3f4: {  	s9 =	sadd.s32 $0x40, s0;
	s10 =	smov.u32 s5;
	(xrf1) =	vsort.ascd.msk.f32 @p1 $0xffff, v10, v11  }
.LBB2_50:
0x3f5: {  	_ =	sdelay $0xb  }
0x3f6: {  	s4 =	sshra.s32 s9, $0x2;
	s9 =	sadd.s32 $0x40, s9  }
0x3f7: {  	s4 =	sadd.s32 s4, s1;
	p0 =	sne.s32 s9, $0x640;
	v10, v11, _ =	vpop @p1 (xrf1)  }
0x3f8: {  	v12 =	vld [tilespmem:s4+$0x0];
	v13 =	vbroadcast @p1 v10, $0x0;
	v6 =	vpsel p1, v10, v6;
	v7 =	vpsel p1, v11, v7;
	_ =	sdelay $0x1  }
0x3f9: {  	v10 =	vsub.f32 @p1 v13, v8;
	_ =	sdelay $0x1  }
0x3fa: {  	v9 =	vpsel p1, v10, v9  }
0x3fb: {  	vm8 =	vgt.f32 v12, v9  }
0x3fc: {  	v10 =	vsel vm8, $0x3F800000, v0  }
0x3fd: {  	(xrf0) =	vmax.scan.msk.f32 $0xffff, v10;
	_ =	sdelay $0x5  }
0x3fe: {  	v10, _, _ =	vpop (xrf0)  }
0x3ff: {  	(v2sf) =	vpush v10, $0xF;
	_ =	sdelay $0xe  }
0x400: {  	s4 =	spop (v2sf)  }
0x401: {  	p1 =	sgt.f32 s4, $0.0e+00;
	_ =	sdelay $0x1  }
0x402: {  	s10 =	sadd.s32 $0x10, s10;
	v10 =	vadd.f32 @p1 v12, v8;
	v11 =	vlaneseq.u32 @p1  }
0x403: {  	v11 =	vor.u32 @p1 s10, v11  }
0x404: {  	(xrf1) =	vsort.dscd.msk.f32 @p1 $0xffff, v10, v11;
	_ =	sdelay $0xd  }
0x405: {  	v10, v11, _ =	vpop @p1 (xrf1)  }
.Ltmp44:
0x406: {  	vm8 =	veq.f32 @p1 v6, v10;
	vm9 =	vlt.s32 @p1 v7, v11;
	(pc) =	sbr.rel @p0 .LBB2_50-.Ltmp44, $4  }
0x407: {  	vm10 =	vgt.f32 @p1 v6, v10;
	vm8 =	vmand @p1 vm8, vm9  }
0x408: {  	vm8 =	vmor @p1 vm10, vm8  }
0x409: {  	v10 =	vmax.f32 @p1 v6, v10;
	v11 =	vsel @p1 vm8, v7, v11  }
0x40a: {  	(xrf1) =	vsort.ascd.msk.f32 @p1 $0xffff, v10, v11  }
0x40b: {  	_ =	sdelay $0xc  }
0x40c: {  	v10, v11, _ =	vpop @p1 (xrf1)  }
.Ltmp45:
0x40d: {  	v12 =	vbroadcast @p1 v10, $0x0;
	(pc) =	sbr.rel .LBB2_52-.Ltmp45, $3  }
0x40e: {  	_ = 	snop  }
0x40f: {  	v12 =	vsub.f32 @p1 v12, v8;
	_ =	sdelay $0x1  }
0x410: {  	v6 =	vpsel p1, v10, v6;
	v7 =	vpsel p1, v11, v7;
	v9 =	vpsel p1, v12, v9  }
.LBB2_54:
0x411: {  	_ =	sfence.sel $0x180000  }
0x412: {  	[bflag:$0x0] =	sbarrier.arrive $0xFFFF  }
0x413: {  	_ =	strace $0x90000047  }
0x414: {  	s0 =	stileid.u32;
	[bflag:$0x2] =	sbarrier.arrive $0xFFFF  }
0x415: {  	p0 =	sne.s32 s0, $0x0;
	s0 =	rddreg [dreg:$0x3]  }
0x416: {  	s0 =	sadd.s32 @!p0 $0x100000, s0  }
0x417: {  	[sflag:s0] =	ssyncadd.tile.s32 @!p0 $0x1;
	_ =	shalt  }
.Lfunc_end2:
_tile_overlayer_lowered:
.L_overlay_start_2:
0x418: {  	(tag) =	ssettag $0x2  }
0x419: {  	s0 =	rddreg [dreg:$0x0];
	s2 =	stileid.u32  }
0x41a: {  	s1 =	rddreg [dreg:$0x1];
	p0 =	sne.s32 s2, $0x0  }
0x41b: {  	s3 =	rddreg [dreg:$0x2];
	[bflag:$0x3] =	sbarrier.arrive $0xFFFF;
	s2 =	simm.s32 @!p0 $0x1C03  }
0x41c: {  	[timem:s3], [sflag:s2] =	dma.local @!p0 [hbm:s0], s1  }
0x41d: {  	s0 =	simm.s32 @!p0 $0x3  }
0x41e: {  	_ =	swait.ge @!p0 [sflag:s0], s1  }
0x41f: {  	s1 =	ssub.s32 @!p0 $0x0, s1;
	[sflag:s0] =	ssyncset.done @!p0 $0x0  }
0x420: {  	[sflag:s0] =	ssyncadd.s32 @!p0 s1  }
0x421: {  	[bflag:$0x3] =	sbarrier.arrive $0xFFFF  }
0x422: {  	_ =	shalt  }

</sc_bundles>
